<compile_context>
chip_gen: v7x
topology: tpu7x:2x2x1
jax: 0.10.2.dev20260603
libtpu: 0.0.44.dev20260713+nightly
codegen_flags: <defaults>
</compile_context>

<pallas_src>
import functools

import jax
import jax.numpy as jnp
from jax import lax
from jax.experimental import pallas as pl
from jax.experimental.pallas import tpu as pltpu
from jax.experimental.pallas import tpu_sc as plsc

N = 10000
D = 128
HID = 64
ZDIM = 32

NC = 2
NS = 16
NW = NC * NS
K = 128
N_PAD = 10240
RPT = N_PAD // NS

def _mesh():
    return plsc.VectorSubcoreMesh(core_axis_name="c", subcore_axis_name="s",
                                  num_cores=NC, num_subcores=NS)


def _pad_edges(e):
    epw = pl.cdiv(e, NW * K) * K
    return NW * epw, epw


def _sc_deg_body(epw, dst_hbm, ones_hbm, zeros_hbm, out_hbm, didx, ones_v, acc):
    c = lax.axis_index("c")
    s = lax.axis_index("s")
    w = s * NC + c
    sl = pl.ds(pl.multiple_of(s * RPT, RPT), RPT)
    pltpu.sync_copy(dst_hbm.at[w], didx)
    pltpu.sync_copy(zeros_hbm.at[sl], acc.at[sl])
    pltpu.sync_copy(ones_hbm, ones_v)
    plsc.subcore_barrier()

    def body(j, carry):
        pltpu.sync_copy(ones_v, acc.at[didx.at[j]], add=True)
        return carry

    lax.fori_loop(0, epw // K, body, 0)
    plsc.subcore_barrier()
    out_base = pl.multiple_of(c * N_PAD + s * RPT, RPT)
    pltpu.sync_copy(acc.at[sl], out_hbm.at[pl.ds(out_base, RPT)])


def _sc_deg(dst3, epw):
    kfn = functools.partial(
        pl.kernel,
        out_type=jax.ShapeDtypeStruct((NC * N_PAD,), jnp.float32),
        mesh=_mesh(),
        scratch_types=[
            pltpu.VMEM((epw // K, K), jnp.int32),
            pltpu.VMEM((K,), jnp.float32),
            pltpu.VMEM_SHARED((N_PAD,), jnp.float32),
        ],
    )(functools.partial(_sc_deg_body, epw))
    ones = jnp.ones((K,), jnp.float32)
    zeros = jnp.zeros((N_PAD,), jnp.float32)
    return kfn(dst3, ones, zeros).reshape(NC, N_PAD)


NCH = 40
NSTAGE = 40


def _make_sc_spmm(f, cbase):
    def run_edges(y_hbm, src_hbm, dst_hbm, acc,
                  sidx, didx, rows0, rows1, sem0, sem1, base):
        for h in range(0, NCH, NSTAGE):
            bsl = pl.ds(pl.multiple_of(cbase + base + h, 8), NSTAGE)
            pltpu.sync_copy(src_hbm.at[bsl], sidx)
            pltpu.sync_copy(dst_hbm.at[bsl], didx)

            pltpu.async_copy(y_hbm.at[sidx.at[0]], rows0, sem0)

            def step(t, carry):
                j = 2 * t
                pltpu.async_copy(y_hbm.at[sidx.at[j + 1]], rows1, sem1)
                pltpu.make_async_copy(y_hbm.at[sidx.at[j]], rows0, sem0).wait()
                pltpu.sync_copy(rows0, acc.at[didx.at[j]], add=True)

                @pl.when(j + 2 < NSTAGE)
                def _():
                    pltpu.async_copy(y_hbm.at[sidx.at[j + 2]], rows0, sem0)

                pltpu.make_async_copy(y_hbm.at[sidx.at[j + 1]], rows1,
                                      sem1).wait()
                pltpu.sync_copy(rows1, acc.at[didx.at[j + 1]], add=True)
                return carry

            lax.fori_loop(0, NSTAGE // 2, step, 0)

    def body(y_hbm, src_hbm, dst_hbm, zeros_hbm, out_hbm,
             sidx, didx, rows0, rows1, acc, sem0, sem1):
        c = lax.axis_index("c")
        s = lax.axis_index("s")
        sl = pl.ds(pl.multiple_of(s * RPT, RPT), RPT)
        pltpu.sync_copy(zeros_hbm.at[sl], acc.at[sl])
        plsc.subcore_barrier()

        @pl.when(c == 0)
        def _():
            run_edges(y_hbm, src_hbm, dst_hbm, acc, sidx, didx,
                      rows0, rows1, sem0, sem1, s * NCH)

        plsc.subcore_barrier()
        out_base = pl.multiple_of(c * N_PAD + s * RPT, RPT)
        pltpu.sync_copy(acc.at[sl], out_hbm.at[pl.ds(out_base, RPT)])

    ncmax = NSTAGE
    return pl.kernel(
        body,
        out_type=jax.ShapeDtypeStruct((NC * N_PAD, f), jnp.float32),
        mesh=_mesh(),
        scratch_types=[
            pltpu.VMEM((ncmax, K), jnp.int32),
            pltpu.VMEM((ncmax, K), jnp.int32),
            pltpu.VMEM((K, f), jnp.float32),
            pltpu.VMEM((K, f), jnp.float32),
            pltpu.VMEM_SHARED((N_PAD, f), jnp.float32),
            pltpu.SemaphoreType.DMA,
            pltpu.SemaphoreType.DMA,
        ],
    )


def _sc_spmm(y, src2, dst2):
    f = y.shape[1]
    zeros = jnp.zeros((N_PAD, f), jnp.float32)
    half = src2.shape[0] // 2
    a = _make_sc_spmm(f, 0)(y, src2, dst2, zeros).reshape(NC, N_PAD, f)
    b = _make_sc_spmm(f, half)(y, src2, dst2, zeros).reshape(NC, N_PAD, f)
    return a[0], b[0]


_BM = 1000
_BM2 = 200
HID_P = 128


def _tc_y1_body(x_ref, w1_ref, dega_ref, degb_ref, y1_ref, dis_ref):
    deg = dega_ref[...] + degb_ref[...] + 1.0
    dis = lax.rsqrt(deg)
    dis_ref[...] = dis
    y1_ref[...] = jnp.dot(x_ref[...], w1_ref[...],
                          preferred_element_type=jnp.float32) * dis


def _tc_h2_body(s1a_ref, s1b_ref, y1_ref, dis_ref, h2_ref):
    dis = dis_ref[...]
    pre = dis * (s1a_ref[...] + s1b_ref[...] + y1_ref[...])
    h2_ref[...] = dis * jnp.maximum(pre, 0.0)


def _tc_mu_body(s2a_ref, s2b_ref, h2_ref, dis_ref, wmu_ref, wlv_ref,
                mu_ref, lv_ref):
    g = dis_ref[...] * (s2a_ref[...] + s2b_ref[...] + h2_ref[...])
    mu_ref[...] = jnp.dot(g, wmu_ref[...], preferred_element_type=jnp.float32)
    lv_ref[...] = jnp.dot(g, wlv_ref[...], preferred_element_type=jnp.float32)


def _tc_dec_body(zrow_ref, zall_ref, out_ref):
    logits = lax.dot_general(zrow_ref[...], zall_ref[...],
                             (((1,), (1,)), ((), ())),
                             preferred_element_type=jnp.float32)
    out_ref[...] = jax.nn.sigmoid(logits)


def _row_spec(bm, width):
    return pl.BlockSpec((bm, width), lambda i: (i, 0))


def _full_spec(shape):
    return pl.BlockSpec(shape, lambda i: tuple(0 for _ in shape))


def kernel(x, edge_index, W1, W_mu, W_logvar):
    src = edge_index[0]
    dst = edge_index[1]
    e = src.shape[0]
    e_pad, epw = _pad_edges(e)
    pad = e_pad - e
    nchunk = epw // K
    assert NW * nchunk == 2 * NS * NCH
    src_p = jnp.concatenate([src, jnp.zeros((pad,), src.dtype)])
    dst_p = jnp.concatenate([dst, jnp.full((pad,), N, dst.dtype)])
    dst3 = dst_p.reshape(NW, nchunk, K)
    src2 = src_p.reshape(NW * nchunk, K)
    dst2 = dst_p.reshape(NW * nchunk, K)

    grid = N // _BM

    w1p = jnp.pad(W1, ((0, 0), (0, HID_P - HID)))
    wmup = jnp.pad(W_mu, ((0, HID_P - HID), (0, 0)))
    wlvp = jnp.pad(W_logvar, ((0, HID_P - HID), (0, 0)))

    degs = _sc_deg(dst3, epw)
    dega = degs[0, :N, None]
    degb = degs[1, :N, None]

    y1, dis = pl.pallas_call(
        _tc_y1_body,
        grid=(grid,),
        in_specs=[_row_spec(_BM, D), _full_spec((D, HID_P)),
                  _row_spec(_BM, 1), _row_spec(_BM, 1)],
        out_specs=[_row_spec(_BM, HID_P), _row_spec(_BM, 1)],
        out_shape=[jax.ShapeDtypeStruct((N, HID_P), jnp.float32),
                   jax.ShapeDtypeStruct((N, 1), jnp.float32)],
    )(x, w1p, dega, degb)

    s1a, s1b = _sc_spmm(y1, src2, dst2)

    h2 = pl.pallas_call(
        _tc_h2_body,
        grid=(grid,),
        in_specs=[_row_spec(_BM, HID_P), _row_spec(_BM, HID_P),
                  _row_spec(_BM, HID_P), _row_spec(_BM, 1)],
        out_specs=_row_spec(_BM, HID_P),
        out_shape=jax.ShapeDtypeStruct((N, HID_P), jnp.float32),
    )(s1a[:N], s1b[:N], y1, dis)

    s2a, s2b = _sc_spmm(h2, src2, dst2)

    mu, logvar = pl.pallas_call(
        _tc_mu_body,
        grid=(grid,),
        in_specs=[_row_spec(_BM, HID_P), _row_spec(_BM, HID_P),
                  _row_spec(_BM, HID_P), _row_spec(_BM, 1),
                  _full_spec((HID_P, ZDIM)), _full_spec((HID_P, ZDIM))],
        out_specs=[_row_spec(_BM, ZDIM), _row_spec(_BM, ZDIM)],
        out_shape=[jax.ShapeDtypeStruct((N, ZDIM), jnp.float32),
                   jax.ShapeDtypeStruct((N, ZDIM), jnp.float32)],
    )(s2a[:N], s2b[:N], h2, dis, wmup, wlvp)

    adj_hat = pl.pallas_call(
        _tc_dec_body,
        grid=(N // _BM2,),
        in_specs=[_row_spec(_BM2, ZDIM), _full_spec((N, ZDIM))],
        out_specs=_row_spec(_BM2, N),
        out_shape=jax.ShapeDtypeStruct((N, N), jnp.float32),
    )(mu, mu)

    return (adj_hat, mu, logvar, mu)

# --- scband reference (transcript-rebuilt; emitter-appended) ---
"""Pipeline reference for scband-graph-vae-30073361007175 (READ-ONLY COPY).

The authoritative reference and input builder live on the scoring server;
editing this copy changes nothing except your own understanding.
"""

import jax, jax.numpy as jnp
import numpy as np

N = 10000
D = 128
E = 160000
HID = 64
ZDIM = 32


def setup_inputs(seed: int = 0) -> dict:
    key = jax.random.key(seed)
    k1, k2, k3, k4, k5 = jax.random.split(key, 5)
    x = jax.random.normal(k1, (N, D), dtype=jnp.float32)
    edge_index = jax.random.randint(k2, (2, E), 0, N, dtype=jnp.int32)
    W1 = jax.random.normal(k3, (D, HID), dtype=jnp.float32) * (1.0 / np.sqrt(D))
    W_mu = jax.random.normal(k4, (HID, ZDIM), dtype=jnp.float32) * (1.0 / np.sqrt(HID))
    W_logvar = jax.random.normal(k5, (HID, ZDIM), dtype=jnp.float32) * (1.0 / np.sqrt(HID))
    return {"x": x, "edge_index": edge_index, "W1": W1, "W_mu": W_mu, "W_logvar": W_logvar}


def _gcn(x, src, dst, deg_inv_sqrt, W):
    # GCNConv: D^{-1/2} (A + I) D^{-1/2} X W  (self loops already folded into src/dst)
    h = x @ W
    norm = deg_inv_sqrt[src] * deg_inv_sqrt[dst]
    msgs = h[src] * norm[:, None]
    return jax.ops.segment_sum(msgs, dst, num_segments=N)


def reference(x, edge_index, W1, W_mu, W_logvar):
    loop = jnp.arange(N, dtype=edge_index.dtype)
    src = jnp.concatenate([edge_index[0], loop])
    dst = jnp.concatenate([edge_index[1], loop])
    deg = jax.ops.segment_sum(jnp.ones_like(dst, dtype=jnp.float32), dst, num_segments=N)
    deg_inv_sqrt = jax.lax.rsqrt(jnp.maximum(deg, 1.0))
    # encoder: GCN -> relu -> two parallel GCN heads (mu, logvar)
    h = jax.nn.relu(_gcn(x, src, dst, deg_inv_sqrt, W1))
    mu = _gcn(h, src, dst, deg_inv_sqrt, W_mu)
    logvar = _gcn(h, src, dst, deg_inv_sqrt, W_logvar)
    z = mu  # forward uses mu directly (no reparameterization noise)
    # inner-product decoder
    adj_hat = jax.nn.sigmoid(z @ z.T)
    return (adj_hat, mu, logvar, z)

if __name__ == "__main__":
    import jax
    _d = setup_inputs()
    print(jax.jit(kernel)(*tuple(_d.values())))

</pallas_src>

<mosaic_0001>
#map = affine_map<(d0, d1) -> (0, 0, 0)>
#map1 = affine_map<(d0, d1) -> (0)>
module attributes {stable_mosaic.version = 14 : i64} {
  func.func @_sc_deg_body(%arg0: i32, %arg1: i32, %arg2: memref<32x40x128xi32, #tpu.memory_space<hbm>>, %arg3: memref<128xf32, #tpu.memory_space<hbm>>, %arg4: memref<10240xf32, #tpu.memory_space<hbm>>, %arg5: memref<20480xf32, #tpu.memory_space<hbm>>, %arg6: memref<40x128xi32, #tpu.memory_space<vmem>>, %arg7: memref<128xf32, #tpu.memory_space<vmem>>, %arg8: memref<10240xf32, #tpu.memory_space<vmem_shared>>) attributes {dimension_semantics = [#tpu.dimension_semantics<core_parallel>, #tpu.dimension_semantics<subcore_parallel>], iteration_bounds = array<i64: 2, 16>, scalar_prefetch = 0 : i64, scratch_operands = 3 : i64, tpu.core_type = #tpu.core_type<sc_vector_subcore>, window_params = [{transform_indices = #map}, {transform_indices = #map1}, {transform_indices = #map1}, {transform_indices = #map1}]} {
    %mul3A = arith.constant 2 : i32
    %mul3A_0 = arith.muli %arg1, %mul3A : i32
    %add3A = arith.addi %mul3A_0, %arg0 : i32
    %mul3A_1 = arith.constant 640 : i32
    %mul3A_2 = arith.muli %arg1, %mul3A_1 : i32
    %multiple_of3A = tpu.assume_multiple %mul3A_2, 640 : i32
    "tpu.region"() ({
      %run_scoped3A = tpu.sem_alloc : memref<!tpu.dma_semaphore, #tpu.memory_space<semaphore_mem>>
      %dma_start3A = arith.constant 0 : i32
      %dma_start3A_15 = arith.constant 0 : i32
      %dma_start3A_16 = tpu.memref_slice %arg2[%add3A, %dma_start3A, %dma_start3A_15] : memref<32x40x128xi32, #tpu.memory_space<hbm>> -> memref<1x40x128xi32, #tpu.memory_space<hbm>>
      %dma_start3A_17 = tpu.memref_squeeze %dma_start3A_16 : memref<1x40x128xi32, #tpu.memory_space<hbm>> -> memref<40x128xi32, #tpu.memory_space<hbm>>
      %dma_start3A_18 = arith.constant 0 : i32
      %dma_start3A_19 = arith.constant 0 : i32
      %dma_start3A_20 = tpu.memref_slice %arg2[%add3A, %dma_start3A_18, %dma_start3A_19] : memref<32x40x128xi32, #tpu.memory_space<hbm>> -> memref<1x40x128xi32, #tpu.memory_space<hbm>>
      %dma_start3A_21 = tpu.memref_squeeze %dma_start3A_20 : memref<1x40x128xi32, #tpu.memory_space<hbm>> -> memref<40x128xi32, #tpu.memory_space<hbm>>
      tpu.enqueue_dma source(%dma_start3A_21 : memref<40x128xi32, #tpu.memory_space<hbm>>) target(%arg6 : memref<40x128xi32, #tpu.memory_space<vmem>>) target_semaphore(%run_scoped3A : memref<!tpu.dma_semaphore, #tpu.memory_space<semaphore_mem>>)
      %dma_wait3A = arith.constant 0 : i32
      %dma_wait3A_22 = arith.constant 0 : i32
      %dma_wait3A_23 = tpu.memref_slice %arg2[%add3A, %dma_wait3A, %dma_wait3A_22] : memref<32x40x128xi32, #tpu.memory_space<hbm>> -> memref<1x40x128xi32, #tpu.memory_space<hbm>>
      %dma_wait3A_24 = tpu.memref_squeeze %dma_wait3A_23 : memref<1x40x128xi32, #tpu.memory_space<hbm>> -> memref<40x128xi32, #tpu.memory_space<hbm>>
      %dma_wait3A_25 = arith.constant 0 : i32
      %dma_wait3A_26 = arith.constant 0 : i32
      %dma_wait3A_27 = tpu.memref_slice %arg2[%add3A, %dma_wait3A_25, %dma_wait3A_26] : memref<32x40x128xi32, #tpu.memory_space<hbm>> -> memref<1x40x128xi32, #tpu.memory_space<hbm>>
      %dma_wait3A_28 = tpu.memref_squeeze %dma_wait3A_27 : memref<1x40x128xi32, #tpu.memory_space<hbm>> -> memref<40x128xi32, #tpu.memory_space<hbm>>
      tpu.wait_dma2 semaphore(%run_scoped3A : memref<!tpu.dma_semaphore, #tpu.memory_space<semaphore_mem>>) src(%dma_wait3A_28 : memref<40x128xi32, #tpu.memory_space<hbm>>) dst(%arg6 : memref<40x128xi32, #tpu.memory_space<vmem>>)
      tpu.yield
    }) : () -> ()
    "tpu.region"() ({
      %run_scoped3A = tpu.sem_alloc : memref<!tpu.dma_semaphore, #tpu.memory_space<semaphore_mem>>
      %dma_start3A = tpu.memref_slice %arg8[%multiple_of3A] : memref<10240xf32, #tpu.memory_space<vmem_shared>> -> memref<640xf32, #tpu.memory_space<vmem_shared>>
      %dma_start3A_15 = tpu.memref_slice %arg4[%multiple_of3A] : memref<10240xf32, #tpu.memory_space<hbm>> -> memref<640xf32, #tpu.memory_space<hbm>>
      tpu.enqueue_dma source(%dma_start3A_15 : memref<640xf32, #tpu.memory_space<hbm>>) target(%dma_start3A : memref<640xf32, #tpu.memory_space<vmem_shared>>) target_semaphore(%run_scoped3A : memref<!tpu.dma_semaphore, #tpu.memory_space<semaphore_mem>>)
      %dma_wait3A = tpu.memref_slice %arg8[%multiple_of3A] : memref<10240xf32, #tpu.memory_space<vmem_shared>> -> memref<640xf32, #tpu.memory_space<vmem_shared>>
      %dma_wait3A_16 = tpu.memref_slice %arg4[%multiple_of3A] : memref<10240xf32, #tpu.memory_space<hbm>> -> memref<640xf32, #tpu.memory_space<hbm>>
      tpu.wait_dma2 semaphore(%run_scoped3A : memref<!tpu.dma_semaphore, #tpu.memory_space<semaphore_mem>>) src(%dma_wait3A_16 : memref<640xf32, #tpu.memory_space<hbm>>) dst(%dma_wait3A : memref<640xf32, #tpu.memory_space<vmem_shared>>)
      tpu.yield
    }) : () -> ()
    "tpu.region"() ({
      %run_scoped3A = tpu.sem_alloc : memref<!tpu.dma_semaphore, #tpu.memory_space<semaphore_mem>>
      tpu.enqueue_dma source(%arg3 : memref<128xf32, #tpu.memory_space<hbm>>) target(%arg7 : memref<128xf32, #tpu.memory_space<vmem>>) target_semaphore(%run_scoped3A : memref<!tpu.dma_semaphore, #tpu.memory_space<semaphore_mem>>)
      tpu.wait_dma2 semaphore(%run_scoped3A : memref<!tpu.dma_semaphore, #tpu.memory_space<semaphore_mem>>) src(%arg3 : memref<128xf32, #tpu.memory_space<hbm>>) dst(%arg7 : memref<128xf32, #tpu.memory_space<vmem>>)
      tpu.yield
    }) : () -> ()
    %barrier3A = arith.constant 0 : index
    tpu.barrier barrier_id(%barrier3A)
    %scan3A = arith.constant 0 : i32
    %scan3A_3 = arith.constant 0 : i32
    %scan3A_4 = arith.constant 40 : i32
    %scan3A_5 = arith.addi %scan3A_3, %scan3A_4 : i32
    %scan3A_6 = arith.constant 1 : i32
    scf.for %scan3A_15 = %scan3A_3 to %scan3A_5 step %scan3A_6  : i32 {
      "tpu.region"() ({
        %run_scoped3A = tpu.sem_alloc : memref<!tpu.dma_semaphore, #tpu.memory_space<semaphore_mem>>
        %dma_start3A = arith.constant 0 : i32
        %dma_start3A_16 = tpu.memref_slice %arg6[%scan3A_15, %dma_start3A] : memref<40x128xi32, #tpu.memory_space<vmem>> -> memref<1x128xi32, #tpu.memory_space<vmem>>
        %dma_start3A_17 = tpu.memref_squeeze %dma_start3A_16 : memref<1x128xi32, #tpu.memory_space<vmem>> -> memref<128xi32, #tpu.memory_space<vmem>>
        %dma_start3A_18 = arith.constant 0 : i32
        %dma_start3A_19 = tpu.memref_slice %arg8[%dma_start3A_18] : memref<10240xf32, #tpu.memory_space<vmem_shared>> -> memref<10240xf32, #tpu.memory_space<vmem_shared>>
        tpu.enqueue_indirect_dma source(%arg7 : memref<128xf32, #tpu.memory_space<vmem>>) target(%dma_start3A_19 : memref<10240xf32, #tpu.memory_space<vmem_shared>>) offsets(%dma_start3A_17 : memref<128xi32, #tpu.memory_space<vmem>>) semaphore(%run_scoped3A : memref<!tpu.dma_semaphore, #tpu.memory_space<semaphore_mem>>) {add = true}
        %dma_wait3A = arith.constant 0 : i32
        %dma_wait3A_20 = tpu.memref_slice %arg6[%scan3A_15, %dma_wait3A] : memref<40x128xi32, #tpu.memory_space<vmem>> -> memref<1x128xi32, #tpu.memory_space<vmem>>
        %dma_wait3A_21 = tpu.memref_squeeze %dma_wait3A_20 : memref<1x128xi32, #tpu.memory_space<vmem>> -> memref<128xi32, #tpu.memory_space<vmem>>
        %dma_wait3A_22 = arith.constant 0 : i32
        %dma_wait3A_23 = tpu.memref_slice %arg8[%dma_wait3A_22] : memref<10240xf32, #tpu.memory_space<vmem_shared>> -> memref<10240xf32, #tpu.memory_space<vmem_shared>>
        tpu.wait_indirect_dma semaphore(%run_scoped3A : memref<!tpu.dma_semaphore, #tpu.memory_space<semaphore_mem>>) src(%arg7 : memref<128xf32, #tpu.memory_space<vmem>>) dst(%dma_wait3A_23 : memref<10240xf32, #tpu.memory_space<vmem_shared>>)
        tpu.yield
      }) : () -> ()
    }
    %scan3A_7 = arith.constant 40 : i32
    %barrier3A_8 = arith.constant 0 : index
    tpu.barrier barrier_id(%barrier3A_8)
    %mul3A_9 = arith.constant 10240 : i32
    %mul3A_10 = arith.muli %arg0, %mul3A_9 : i32
    %mul3A_11 = arith.constant 640 : i32
    %mul3A_12 = arith.muli %arg1, %mul3A_11 : i32
    %add3A_13 = arith.addi %mul3A_10, %mul3A_12 : i32
    %multiple_of3A_14 = tpu.assume_multiple %add3A_13, 640 : i32
    "tpu.region"() ({
      %run_scoped3A = tpu.sem_alloc : memref<!tpu.dma_semaphore, #tpu.memory_space<semaphore_mem>>
      %dma_start3A = tpu.memref_slice %arg5[%multiple_of3A_14] : memref<20480xf32, #tpu.memory_space<hbm>> -> memref<640xf32, #tpu.memory_space<hbm>>
      %dma_start3A_15 = tpu.memref_slice %arg8[%multiple_of3A] : memref<10240xf32, #tpu.memory_space<vmem_shared>> -> memref<640xf32, #tpu.memory_space<vmem_shared>>
      tpu.enqueue_dma source(%dma_start3A_15 : memref<640xf32, #tpu.memory_space<vmem_shared>>) target(%dma_start3A : memref<640xf32, #tpu.memory_space<hbm>>) target_semaphore(%run_scoped3A : memref<!tpu.dma_semaphore, #tpu.memory_space<semaphore_mem>>)
      %dma_wait3A = tpu.memref_slice %arg5[%multiple_of3A_14] : memref<20480xf32, #tpu.memory_space<hbm>> -> memref<640xf32, #tpu.memory_space<hbm>>
      %dma_wait3A_16 = tpu.memref_slice %arg8[%multiple_of3A] : memref<10240xf32, #tpu.memory_space<vmem_shared>> -> memref<640xf32, #tpu.memory_space<vmem_shared>>
      tpu.wait_dma2 semaphore(%run_scoped3A : memref<!tpu.dma_semaphore, #tpu.memory_space<semaphore_mem>>) src(%dma_wait3A_16 : memref<640xf32, #tpu.memory_space<vmem_shared>>) dst(%dma_wait3A : memref<640xf32, #tpu.memory_space<hbm>>)
      tpu.yield
    }) : () -> ()
    return
  }
}

#map = affine_map<(d0, d1) -> (0, 0)>
module attributes {stable_mosaic.version = 14 : i64} {
  func.func @body(%arg0: i32, %arg1: i32, %arg2: memref<10000x128xf32, #tpu.memory_space<hbm>>, %arg3: memref<1280x128xi32, #tpu.memory_space<hbm>>, %arg4: memref<1280x128xi32, #tpu.memory_space<hbm>>, %arg5: memref<10240x128xf32, #tpu.memory_space<hbm>>, %arg6: memref<20480x128xf32, #tpu.memory_space<hbm>>, %arg7: memref<40x128xi32, #tpu.memory_space<vmem>>, %arg8: memref<40x128xi32, #tpu.memory_space<vmem>>, %arg9: memref<128x128xf32, #tpu.memory_space<vmem>>, %arg10: memref<128x128xf32, #tpu.memory_space<vmem>>, %arg11: memref<10240x128xf32, #tpu.memory_space<vmem_shared>>, %arg12: memref<!tpu.dma_semaphore, #tpu.memory_space<semaphore_mem>>, %arg13: memref<!tpu.dma_semaphore, #tpu.memory_space<semaphore_mem>>) attributes {dimension_semantics = [#tpu.dimension_semantics<core_parallel>, #tpu.dimension_semantics<subcore_parallel>], iteration_bounds = array<i64: 2, 16>, scalar_prefetch = 0 : i64, scratch_operands = 7 : i64, tpu.core_type = #tpu.core_type<sc_vector_subcore>, window_params = [{transform_indices = #map}, {transform_indices = #map}, {transform_indices = #map}, {transform_indices = #map}, {transform_indices = #map}]} {
    %mul3A = arith.constant 640 : i32
    %mul3A_0 = arith.muli %arg1, %mul3A : i32
    %multiple_of3A = tpu.assume_multiple %mul3A_0, 640 : i32
    "tpu.region"() ({
      %run_scoped3A = tpu.sem_alloc : memref<!tpu.dma_semaphore, #tpu.memory_space<semaphore_mem>>
      %dma_start3A = arith.constant 0 : i32
      %dma_start3A_9 = tpu.memref_slice %arg11[%multiple_of3A, %dma_start3A] : memref<10240x128xf32, #tpu.memory_space<vmem_shared>> -> memref<640x128xf32, #tpu.memory_space<vmem_shared>>
      %dma_start3A_10 = arith.constant 0 : i32
      %dma_start3A_11 = tpu.memref_slice %arg5[%multiple_of3A, %dma_start3A_10] : memref<10240x128xf32, #tpu.memory_space<hbm>> -> memref<640x128xf32, #tpu.memory_space<hbm>>
      tpu.enqueue_dma source(%dma_start3A_11 : memref<640x128xf32, #tpu.memory_space<hbm>>) target(%dma_start3A_9 : memref<640x128xf32, #tpu.memory_space<vmem_shared>>) target_semaphore(%run_scoped3A : memref<!tpu.dma_semaphore, #tpu.memory_space<semaphore_mem>>)
      %dma_wait3A = arith.constant 0 : i32
      %dma_wait3A_12 = tpu.memref_slice %arg11[%multiple_of3A, %dma_wait3A] : memref<10240x128xf32, #tpu.memory_space<vmem_shared>> -> memref<640x128xf32, #tpu.memory_space<vmem_shared>>
      %dma_wait3A_13 = arith.constant 0 : i32
      %dma_wait3A_14 = tpu.memref_slice %arg5[%multiple_of3A, %dma_wait3A_13] : memref<10240x128xf32, #tpu.memory_space<hbm>> -> memref<640x128xf32, #tpu.memory_space<hbm>>
      tpu.wait_dma2 semaphore(%run_scoped3A : memref<!tpu.dma_semaphore, #tpu.memory_space<semaphore_mem>>) src(%dma_wait3A_14 : memref<640x128xf32, #tpu.memory_space<hbm>>) dst(%dma_wait3A_12 : memref<640x128xf32, #tpu.memory_space<vmem_shared>>)
      tpu.yield
    }) : () -> ()
    %barrier3A = arith.constant 0 : index
    tpu.barrier barrier_id(%barrier3A)
    %eq3A = arith.constant 0 : i32
    %eq3A_1 = arith.cmpi eq, %arg0, %eq3A : i32
    %convert_element_type3A = arith.extui %eq3A_1 : i1 to i32
    %cond3A = arith.constant 0 : i32
    %cond3A_2 = arith.cmpi ne, %convert_element_type3A, %cond3A : i32
    scf.if %cond3A_2 {
      %mul3A_9 = arith.constant 40 : i32
      %mul3A_10 = arith.muli %arg1, %mul3A_9 : i32
      %add3A_11 = arith.constant 0 : i32
      %add3A_12 = arith.addi %add3A_11, %mul3A_10 : i32
      %add3A_13 = arith.constant 0 : i32
      %add3A_14 = arith.addi %add3A_12, %add3A_13 : i32
      %multiple_of3A_15 = tpu.assume_multiple %add3A_14, 8 : i32
      "tpu.region"() ({
        %run_scoped3A = tpu.sem_alloc : memref<!tpu.dma_semaphore, #tpu.memory_space<semaphore_mem>>
        %dma_start3A_27 = arith.constant 0 : i32
        %dma_start3A_28 = tpu.memref_slice %arg3[%multiple_of3A_15, %dma_start3A_27] : memref<1280x128xi32, #tpu.memory_space<hbm>> -> memref<40x128xi32, #tpu.memory_space<hbm>>
        %dma_start3A_29 = arith.constant 0 : i32
        %dma_start3A_30 = tpu.memref_slice %arg3[%multiple_of3A_15, %dma_start3A_29] : memref<1280x128xi32, #tpu.memory_space<hbm>> -> memref<40x128xi32, #tpu.memory_space<hbm>>
        tpu.enqueue_dma source(%dma_start3A_30 : memref<40x128xi32, #tpu.memory_space<hbm>>) target(%arg7 : memref<40x128xi32, #tpu.memory_space<vmem>>) target_semaphore(%run_scoped3A : memref<!tpu.dma_semaphore, #tpu.memory_space<semaphore_mem>>)
        %dma_wait3A = arith.constant 0 : i32
        %dma_wait3A_31 = tpu.memref_slice %arg3[%multiple_of3A_15, %dma_wait3A] : memref<1280x128xi32, #tpu.memory_space<hbm>> -> memref<40x128xi32, #tpu.memory_space<hbm>>
        %dma_wait3A_32 = arith.constant 0 : i32
        %dma_wait3A_33 = tpu.memref_slice %arg3[%multiple_of3A_15, %dma_wait3A_32] : memref<1280x128xi32, #tpu.memory_space<hbm>> -> memref<40x128xi32, #tpu.memory_space<hbm>>
        tpu.wait_dma2 semaphore(%run_scoped3A : memref<!tpu.dma_semaphore, #tpu.memory_space<semaphore_mem>>) src(%dma_wait3A_33 : memref<40x128xi32, #tpu.memory_space<hbm>>) dst(%arg7 : memref<40x128xi32, #tpu.memory_space<vmem>>)
        tpu.yield
      }) : () -> ()
      "tpu.region"() ({
        %run_scoped3A = tpu.sem_alloc : memref<!tpu.dma_semaphore, #tpu.memory_space<semaphore_mem>>
        %dma_start3A_27 = arith.constant 0 : i32
        %dma_start3A_28 = tpu.memref_slice %arg4[%multiple_of3A_15, %dma_start3A_27] : memref<1280x128xi32, #tpu.memory_space<hbm>> -> memref<40x128xi32, #tpu.memory_space<hbm>>
        %dma_start3A_29 = arith.constant 0 : i32
        %dma_start3A_30 = tpu.memref_slice %arg4[%multiple_of3A_15, %dma_start3A_29] : memref<1280x128xi32, #tpu.memory_space<hbm>> -> memref<40x128xi32, #tpu.memory_space<hbm>>
        tpu.enqueue_dma source(%dma_start3A_30 : memref<40x128xi32, #tpu.memory_space<hbm>>) target(%arg8 : memref<40x128xi32, #tpu.memory_space<vmem>>) target_semaphore(%run_scoped3A : memref<!tpu.dma_semaphore, #tpu.memory_space<semaphore_mem>>)
        %dma_wait3A = arith.constant 0 : i32
        %dma_wait3A_31 = tpu.memref_slice %arg4[%multiple_of3A_15, %dma_wait3A] : memref<1280x128xi32, #tpu.memory_space<hbm>> -> memref<40x128xi32, #tpu.memory_space<hbm>>
        %dma_wait3A_32 = arith.constant 0 : i32
        %dma_wait3A_33 = tpu.memref_slice %arg4[%multiple_of3A_15, %dma_wait3A_32] : memref<1280x128xi32, #tpu.memory_space<hbm>> -> memref<40x128xi32, #tpu.memory_space<hbm>>
        tpu.wait_dma2 semaphore(%run_scoped3A : memref<!tpu.dma_semaphore, #tpu.memory_space<semaphore_mem>>) src(%dma_wait3A_33 : memref<40x128xi32, #tpu.memory_space<hbm>>) dst(%arg8 : memref<40x128xi32, #tpu.memory_space<vmem>>)
        tpu.yield
      }) : () -> ()
      %dma_start3A = arith.constant 0 : i32
      %dma_start3A_16 = arith.constant 0 : i32
      %dma_start3A_17 = tpu.memref_slice %arg7[%dma_start3A, %dma_start3A_16] : memref<40x128xi32, #tpu.memory_space<vmem>> -> memref<1x128xi32, #tpu.memory_space<vmem>>
      %dma_start3A_18 = tpu.memref_squeeze %dma_start3A_17 : memref<1x128xi32, #tpu.memory_space<vmem>> -> memref<128xi32, #tpu.memory_space<vmem>>
      %dma_start3A_19 = arith.constant 0 : i32
      %dma_start3A_20 = arith.constant 0 : i32
      %dma_start3A_21 = tpu.memref_slice %arg2[%dma_start3A_19, %dma_start3A_20] : memref<10000x128xf32, #tpu.memory_space<hbm>> -> memref<10000x128xf32, #tpu.memory_space<hbm>>
      tpu.enqueue_indirect_dma source(%dma_start3A_21 : memref<10000x128xf32, #tpu.memory_space<hbm>>) target(%arg9 : memref<128x128xf32, #tpu.memory_space<vmem>>) offsets(%dma_start3A_18 : memref<128xi32, #tpu.memory_space<vmem>>) semaphore(%arg12 : memref<!tpu.dma_semaphore, #tpu.memory_space<semaphore_mem>>)
      %scan3A = arith.constant 0 : i32
      %scan3A_22 = arith.constant 0 : i32
      %scan3A_23 = arith.constant 20 : i32
      %scan3A_24 = arith.addi %scan3A_22, %scan3A_23 : i32
      %scan3A_25 = arith.constant 1 : i32
      scf.for %scan3A_27 = %scan3A_22 to %scan3A_24 step %scan3A_25  : i32 {
        %mul3A_28 = arith.constant 2 : i32
        %mul3A_29 = arith.muli %mul3A_28, %scan3A_27 : i32
        %add3A_30 = arith.constant 1 : i32
        %add3A_31 = arith.addi %mul3A_29, %add3A_30 : i32
        %dma_start3A_32 = arith.constant 0 : i32
        %dma_start3A_33 = tpu.memref_slice %arg7[%add3A_31, %dma_start3A_32] : memref<40x128xi32, #tpu.memory_space<vmem>> -> memref<1x128xi32, #tpu.memory_space<vmem>>
        %dma_start3A_34 = tpu.memref_squeeze %dma_start3A_33 : memref<1x128xi32, #tpu.memory_space<vmem>> -> memref<128xi32, #tpu.memory_space<vmem>>
        %dma_start3A_35 = arith.constant 0 : i32
        %dma_start3A_36 = arith.constant 0 : i32
        %dma_start3A_37 = tpu.memref_slice %arg2[%dma_start3A_35, %dma_start3A_36] : memref<10000x128xf32, #tpu.memory_space<hbm>> -> memref<10000x128xf32, #tpu.memory_space<hbm>>
        tpu.enqueue_indirect_dma source(%dma_start3A_37 : memref<10000x128xf32, #tpu.memory_space<hbm>>) target(%arg10 : memref<128x128xf32, #tpu.memory_space<vmem>>) offsets(%dma_start3A_34 : memref<128xi32, #tpu.memory_space<vmem>>) semaphore(%arg13 : memref<!tpu.dma_semaphore, #tpu.memory_space<semaphore_mem>>)
        %dma_wait3A = arith.constant 0 : i32
        %dma_wait3A_38 = tpu.memref_slice %arg7[%mul3A_29, %dma_wait3A] : memref<40x128xi32, #tpu.memory_space<vmem>> -> memref<1x128xi32, #tpu.memory_space<vmem>>
        %dma_wait3A_39 = tpu.memref_squeeze %dma_wait3A_38 : memref<1x128xi32, #tpu.memory_space<vmem>> -> memref<128xi32, #tpu.memory_space<vmem>>
        %dma_wait3A_40 = arith.constant 0 : i32
        %dma_wait3A_41 = arith.constant 0 : i32
        %dma_wait3A_42 = tpu.memref_slice %arg2[%dma_wait3A_40, %dma_wait3A_41] : memref<10000x128xf32, #tpu.memory_space<hbm>> -> memref<10000x128xf32, #tpu.memory_space<hbm>>
        tpu.wait_indirect_dma semaphore(%arg12 : memref<!tpu.dma_semaphore, #tpu.memory_space<semaphore_mem>>) src(%dma_wait3A_42 : memref<10000x128xf32, #tpu.memory_space<hbm>>) dst(%arg9 : memref<128x128xf32, #tpu.memory_space<vmem>>)
        "tpu.region"() ({
          %run_scoped3A = tpu.sem_alloc : memref<!tpu.dma_semaphore, #tpu.memory_space<semaphore_mem>>
          %dma_start3A_59 = arith.constant 0 : i32
          %dma_start3A_60 = tpu.memref_slice %arg8[%mul3A_29, %dma_start3A_59] : memref<40x128xi32, #tpu.memory_space<vmem>> -> memref<1x128xi32, #tpu.memory_space<vmem>>
          %dma_start3A_61 = tpu.memref_squeeze %dma_start3A_60 : memref<1x128xi32, #tpu.memory_space<vmem>> -> memref<128xi32, #tpu.memory_space<vmem>>
          %dma_start3A_62 = arith.constant 0 : i32
          %dma_start3A_63 = arith.constant 0 : i32
          %dma_start3A_64 = tpu.memref_slice %arg11[%dma_start3A_62, %dma_start3A_63] : memref<10240x128xf32, #tpu.memory_space<vmem_shared>> -> memref<10240x128xf32, #tpu.memory_space<vmem_shared>>
          tpu.enqueue_indirect_dma source(%arg9 : memref<128x128xf32, #tpu.memory_space<vmem>>) target(%dma_start3A_64 : memref<10240x128xf32, #tpu.memory_space<vmem_shared>>) offsets(%dma_start3A_61 : memref<128xi32, #tpu.memory_space<vmem>>) semaphore(%run_scoped3A : memref<!tpu.dma_semaphore, #tpu.memory_space<semaphore_mem>>) {add = true}
          %dma_wait3A_65 = arith.constant 0 : i32
          %dma_wait3A_66 = tpu.memref_slice %arg8[%mul3A_29, %dma_wait3A_65] : memref<40x128xi32, #tpu.memory_space<vmem>> -> memref<1x128xi32, #tpu.memory_space<vmem>>
          %dma_wait3A_67 = tpu.memref_squeeze %dma_wait3A_66 : memref<1x128xi32, #tpu.memory_space<vmem>> -> memref<128xi32, #tpu.memory_space<vmem>>
          %dma_wait3A_68 = arith.constant 0 : i32
          %dma_wait3A_69 = arith.constant 0 : i32
          %dma_wait3A_70 = tpu.memref_slice %arg11[%dma_wait3A_68, %dma_wait3A_69] : memref<10240x128xf32, #tpu.memory_space<vmem_shared>> -> memref<10240x128xf32, #tpu.memory_space<vmem_shared>>
          tpu.wait_indirect_dma semaphore(%run_scoped3A : memref<!tpu.dma_semaphore, #tpu.memory_space<semaphore_mem>>) src(%arg9 : memref<128x128xf32, #tpu.memory_space<vmem>>) dst(%dma_wait3A_70 : memref<10240x128xf32, #tpu.memory_space<vmem_shared>>)
          tpu.yield
        }) : () -> ()
        %add3A_43 = arith.constant 2 : i32
        %add3A_44 = arith.addi %mul3A_29, %add3A_43 : i32
        %lt3A = arith.constant 40 : i32
        %lt3A_45 = arith.cmpi slt, %add3A_44, %lt3A : i32
        %convert_element_type3A_46 = arith.extui %lt3A_45 : i1 to i32
        %cond3A_47 = arith.constant 0 : i32
        %cond3A_48 = arith.cmpi ne, %convert_element_type3A_46, %cond3A_47 : i32
        scf.if %cond3A_48 {
          %add3A_59 = arith.constant 2 : i32
          %add3A_60 = arith.addi %mul3A_29, %add3A_59 : i32
          %dma_start3A_61 = arith.constant 0 : i32
          %dma_start3A_62 = tpu.memref_slice %arg7[%add3A_60, %dma_start3A_61] : memref<40x128xi32, #tpu.memory_space<vmem>> -> memref<1x128xi32, #tpu.memory_space<vmem>>
          %dma_start3A_63 = tpu.memref_squeeze %dma_start3A_62 : memref<1x128xi32, #tpu.memory_space<vmem>> -> memref<128xi32, #tpu.memory_space<vmem>>
          %dma_start3A_64 = arith.constant 0 : i32
          %dma_start3A_65 = arith.constant 0 : i32
          %dma_start3A_66 = tpu.memref_slice %arg2[%dma_start3A_64, %dma_start3A_65] : memref<10000x128xf32, #tpu.memory_space<hbm>> -> memref<10000x128xf32, #tpu.memory_space<hbm>>
          tpu.enqueue_indirect_dma source(%dma_start3A_66 : memref<10000x128xf32, #tpu.memory_space<hbm>>) target(%arg9 : memref<128x128xf32, #tpu.memory_space<vmem>>) offsets(%dma_start3A_63 : memref<128xi32, #tpu.memory_space<vmem>>) semaphore(%arg12 : memref<!tpu.dma_semaphore, #tpu.memory_space<semaphore_mem>>)
        } else {
        }
        %add3A_49 = arith.constant 1 : i32
        %add3A_50 = arith.addi %mul3A_29, %add3A_49 : i32
        %dma_wait3A_51 = arith.constant 0 : i32
        %dma_wait3A_52 = tpu.memref_slice %arg7[%add3A_50, %dma_wait3A_51] : memref<40x128xi32, #tpu.memory_space<vmem>> -> memref<1x128xi32, #tpu.memory_space<vmem>>
        %dma_wait3A_53 = tpu.memref_squeeze %dma_wait3A_52 : memref<1x128xi32, #tpu.memory_space<vmem>> -> memref<128xi32, #tpu.memory_space<vmem>>
        %dma_wait3A_54 = arith.constant 0 : i32
        %dma_wait3A_55 = arith.constant 0 : i32
        %dma_wait3A_56 = tpu.memref_slice %arg2[%dma_wait3A_54, %dma_wait3A_55] : memref<10000x128xf32, #tpu.memory_space<hbm>> -> memref<10000x128xf32, #tpu.memory_space<hbm>>
        tpu.wait_indirect_dma semaphore(%arg13 : memref<!tpu.dma_semaphore, #tpu.memory_space<semaphore_mem>>) src(%dma_wait3A_56 : memref<10000x128xf32, #tpu.memory_space<hbm>>) dst(%arg10 : memref<128x128xf32, #tpu.memory_space<vmem>>)
        %add3A_57 = arith.constant 1 : i32
        %add3A_58 = arith.addi %mul3A_29, %add3A_57 : i32
        "tpu.region"() ({
          %run_scoped3A = tpu.sem_alloc : memref<!tpu.dma_semaphore, #tpu.memory_space<semaphore_mem>>
          %dma_start3A_59 = arith.constant 0 : i32
          %dma_start3A_60 = tpu.memref_slice %arg8[%add3A_58, %dma_start3A_59] : memref<40x128xi32, #tpu.memory_space<vmem>> -> memref<1x128xi32, #tpu.memory_space<vmem>>
          %dma_start3A_61 = tpu.memref_squeeze %dma_start3A_60 : memref<1x128xi32, #tpu.memory_space<vmem>> -> memref<128xi32, #tpu.memory_space<vmem>>
          %dma_start3A_62 = arith.constant 0 : i32
          %dma_start3A_63 = arith.constant 0 : i32
          %dma_start3A_64 = tpu.memref_slice %arg11[%dma_start3A_62, %dma_start3A_63] : memref<10240x128xf32, #tpu.memory_space<vmem_shared>> -> memref<10240x128xf32, #tpu.memory_space<vmem_shared>>
          tpu.enqueue_indirect_dma source(%arg10 : memref<128x128xf32, #tpu.memory_space<vmem>>) target(%dma_start3A_64 : memref<10240x128xf32, #tpu.memory_space<vmem_shared>>) offsets(%dma_start3A_61 : memref<128xi32, #tpu.memory_space<vmem>>) semaphore(%run_scoped3A : memref<!tpu.dma_semaphore, #tpu.memory_space<semaphore_mem>>) {add = true}
          %dma_wait3A_65 = arith.constant 0 : i32
          %dma_wait3A_66 = tpu.memref_slice %arg8[%add3A_58, %dma_wait3A_65] : memref<40x128xi32, #tpu.memory_space<vmem>> -> memref<1x128xi32, #tpu.memory_space<vmem>>
          %dma_wait3A_67 = tpu.memref_squeeze %dma_wait3A_66 : memref<1x128xi32, #tpu.memory_space<vmem>> -> memref<128xi32, #tpu.memory_space<vmem>>
          %dma_wait3A_68 = arith.constant 0 : i32
          %dma_wait3A_69 = arith.constant 0 : i32
          %dma_wait3A_70 = tpu.memref_slice %arg11[%dma_wait3A_68, %dma_wait3A_69] : memref<10240x128xf32, #tpu.memory_space<vmem_shared>> -> memref<10240x128xf32, #tpu.memory_space<vmem_shared>>
          tpu.wait_indirect_dma semaphore(%run_scoped3A : memref<!tpu.dma_semaphore, #tpu.memory_space<semaphore_mem>>) src(%arg10 : memref<128x128xf32, #tpu.memory_space<vmem>>) dst(%dma_wait3A_70 : memref<10240x128xf32, #tpu.memory_space<vmem_shared>>)
          tpu.yield
        }) : () -> ()
      }
      %scan3A_26 = arith.constant 20 : i32
    } else {
    }
    %barrier3A_3 = arith.constant 0 : index
    tpu.barrier barrier_id(%barrier3A_3)
    %mul3A_4 = arith.constant 10240 : i32
    %mul3A_5 = arith.muli %arg0, %mul3A_4 : i32
    %mul3A_6 = arith.constant 640 : i32
    %mul3A_7 = arith.muli %arg1, %mul3A_6 : i32
    %add3A = arith.addi %mul3A_5, %mul3A_7 : i32
    %multiple_of3A_8 = tpu.assume_multiple %add3A, 640 : i32
    "tpu.region"() ({
      %run_scoped3A = tpu.sem_alloc : memref<!tpu.dma_semaphore, #tpu.memory_space<semaphore_mem>>
      %dma_start3A = arith.constant 0 : i32
      %dma_start3A_9 = tpu.memref_slice %arg6[%multiple_of3A_8, %dma_start3A] : memref<20480x128xf32, #tpu.memory_space<hbm>> -> memref<640x128xf32, #tpu.memory_space<hbm>>
      %dma_start3A_10 = arith.constant 0 : i32
      %dma_start3A_11 = tpu.memref_slice %arg11[%multiple_of3A, %dma_start3A_10] : memref<10240x128xf32, #tpu.memory_space<vmem_shared>> -> memref<640x128xf32, #tpu.memory_space<vmem_shared>>
      tpu.enqueue_dma source(%dma_start3A_11 : memref<640x128xf32, #tpu.memory_space<vmem_shared>>) target(%dma_start3A_9 : memref<640x128xf32, #tpu.memory_space<hbm>>) target_semaphore(%run_scoped3A : memref<!tpu.dma_semaphore, #tpu.memory_space<semaphore_mem>>)
      %dma_wait3A = arith.constant 0 : i32
      %dma_wait3A_12 = tpu.memref_slice %arg6[%multiple_of3A_8, %dma_wait3A] : memref<20480x128xf32, #tpu.memory_space<hbm>> -> memref<640x128xf32, #tpu.memory_space<hbm>>
      %dma_wait3A_13 = arith.constant 0 : i32
      %dma_wait3A_14 = tpu.memref_slice %arg11[%multiple_of3A, %dma_wait3A_13] : memref<10240x128xf32, #tpu.memory_space<vmem_shared>> -> memref<640x128xf32, #tpu.memory_space<vmem_shared>>
      tpu.wait_dma2 semaphore(%run_scoped3A : memref<!tpu.dma_semaphore, #tpu.memory_space<semaphore_mem>>) src(%dma_wait3A_14 : memref<640x128xf32, #tpu.memory_space<vmem_shared>>) dst(%dma_wait3A_12 : memref<640x128xf32, #tpu.memory_space<hbm>>)
      tpu.yield
    }) : () -> ()
    return
  }
}

#map = affine_map<(d0, d1) -> (0, 0)>
module attributes {stable_mosaic.version = 14 : i64} {
  func.func @body(%arg0: i32, %arg1: i32, %arg2: memref<10000x128xf32, #tpu.memory_space<hbm>>, %arg3: memref<1280x128xi32, #tpu.memory_space<hbm>>, %arg4: memref<1280x128xi32, #tpu.memory_space<hbm>>, %arg5: memref<10240x128xf32, #tpu.memory_space<hbm>>, %arg6: memref<20480x128xf32, #tpu.memory_space<hbm>>, %arg7: memref<40x128xi32, #tpu.memory_space<vmem>>, %arg8: memref<40x128xi32, #tpu.memory_space<vmem>>, %arg9: memref<128x128xf32, #tpu.memory_space<vmem>>, %arg10: memref<128x128xf32, #tpu.memory_space<vmem>>, %arg11: memref<10240x128xf32, #tpu.memory_space<vmem_shared>>, %arg12: memref<!tpu.dma_semaphore, #tpu.memory_space<semaphore_mem>>, %arg13: memref<!tpu.dma_semaphore, #tpu.memory_space<semaphore_mem>>) attributes {dimension_semantics = [#tpu.dimension_semantics<core_parallel>, #tpu.dimension_semantics<subcore_parallel>], iteration_bounds = array<i64: 2, 16>, scalar_prefetch = 0 : i64, scratch_operands = 7 : i64, tpu.core_type = #tpu.core_type<sc_vector_subcore>, window_params = [{transform_indices = #map}, {transform_indices = #map}, {transform_indices = #map}, {transform_indices = #map}, {transform_indices = #map}]} {
    %mul3A = arith.constant 640 : i32
    %mul3A_0 = arith.muli %arg1, %mul3A : i32
    %multiple_of3A = tpu.assume_multiple %mul3A_0, 640 : i32
    "tpu.region"() ({
      %run_scoped3A = tpu.sem_alloc : memref<!tpu.dma_semaphore, #tpu.memory_space<semaphore_mem>>
      %dma_start3A = arith.constant 0 : i32
      %dma_start3A_9 = tpu.memref_slice %arg11[%multiple_of3A, %dma_start3A] : memref<10240x128xf32, #tpu.memory_space<vmem_shared>> -> memref<640x128xf32, #tpu.memory_space<vmem_shared>>
      %dma_start3A_10 = arith.constant 0 : i32
      %dma_start3A_11 = tpu.memref_slice %arg5[%multiple_of3A, %dma_start3A_10] : memref<10240x128xf32, #tpu.memory_space<hbm>> -> memref<640x128xf32, #tpu.memory_space<hbm>>
      tpu.enqueue_dma source(%dma_start3A_11 : memref<640x128xf32, #tpu.memory_space<hbm>>) target(%dma_start3A_9 : memref<640x128xf32, #tpu.memory_space<vmem_shared>>) target_semaphore(%run_scoped3A : memref<!tpu.dma_semaphore, #tpu.memory_space<semaphore_mem>>)
      %dma_wait3A = arith.constant 0 : i32
      %dma_wait3A_12 = tpu.memref_slice %arg11[%multiple_of3A, %dma_wait3A] : memref<10240x128xf32, #tpu.memory_space<vmem_shared>> -> memref<640x128xf32, #tpu.memory_space<vmem_shared>>
      %dma_wait3A_13 = arith.constant 0 : i32
      %dma_wait3A_14 = tpu.memref_slice %arg5[%multiple_of3A, %dma_wait3A_13] : memref<10240x128xf32, #tpu.memory_space<hbm>> -> memref<640x128xf32, #tpu.memory_space<hbm>>
      tpu.wait_dma2 semaphore(%run_scoped3A : memref<!tpu.dma_semaphore, #tpu.memory_space<semaphore_mem>>) src(%dma_wait3A_14 : memref<640x128xf32, #tpu.memory_space<hbm>>) dst(%dma_wait3A_12 : memref<640x128xf32, #tpu.memory_space<vmem_shared>>)
      tpu.yield
    }) : () -> ()
    %barrier3A = arith.constant 0 : index
    tpu.barrier barrier_id(%barrier3A)
    %eq3A = arith.constant 0 : i32
    %eq3A_1 = arith.cmpi eq, %arg0, %eq3A : i32
    %convert_element_type3A = arith.extui %eq3A_1 : i1 to i32
    %cond3A = arith.constant 0 : i32
    %cond3A_2 = arith.cmpi ne, %convert_element_type3A, %cond3A : i32
    scf.if %cond3A_2 {
      %mul3A_9 = arith.constant 40 : i32
      %mul3A_10 = arith.muli %arg1, %mul3A_9 : i32
      %add3A_11 = arith.constant 640 : i32
      %add3A_12 = arith.addi %add3A_11, %mul3A_10 : i32
      %add3A_13 = arith.constant 0 : i32
      %add3A_14 = arith.addi %add3A_12, %add3A_13 : i32
      %multiple_of3A_15 = tpu.assume_multiple %add3A_14, 8 : i32
      "tpu.region"() ({
        %run_scoped3A = tpu.sem_alloc : memref<!tpu.dma_semaphore, #tpu.memory_space<semaphore_mem>>
        %dma_start3A_27 = arith.constant 0 : i32
        %dma_start3A_28 = tpu.memref_slice %arg3[%multiple_of3A_15, %dma_start3A_27] : memref<1280x128xi32, #tpu.memory_space<hbm>> -> memref<40x128xi32, #tpu.memory_space<hbm>>
        %dma_start3A_29 = arith.constant 0 : i32
        %dma_start3A_30 = tpu.memref_slice %arg3[%multiple_of3A_15, %dma_start3A_29] : memref<1280x128xi32, #tpu.memory_space<hbm>> -> memref<40x128xi32, #tpu.memory_space<hbm>>
        tpu.enqueue_dma source(%dma_start3A_30 : memref<40x128xi32, #tpu.memory_space<hbm>>) target(%arg7 : memref<40x128xi32, #tpu.memory_space<vmem>>) target_semaphore(%run_scoped3A : memref<!tpu.dma_semaphore, #tpu.memory_space<semaphore_mem>>)
        %dma_wait3A = arith.constant 0 : i32
        %dma_wait3A_31 = tpu.memref_slice %arg3[%multiple_of3A_15, %dma_wait3A] : memref<1280x128xi32, #tpu.memory_space<hbm>> -> memref<40x128xi32, #tpu.memory_space<hbm>>
        %dma_wait3A_32 = arith.constant 0 : i32
        %dma_wait3A_33 = tpu.memref_slice %arg3[%multiple_of3A_15, %dma_wait3A_32] : memref<1280x128xi32, #tpu.memory_space<hbm>> -> memref<40x128xi32, #tpu.memory_space<hbm>>
        tpu.wait_dma2 semaphore(%run_scoped3A : memref<!tpu.dma_semaphore, #tpu.memory_space<semaphore_mem>>) src(%dma_wait3A_33 : memref<40x128xi32, #tpu.memory_space<hbm>>) dst(%arg7 : memref<40x128xi32, #tpu.memory_space<vmem>>)
        tpu.yield
      }) : () -> ()
      "tpu.region"() ({
        %run_scoped3A = tpu.sem_alloc : memref<!tpu.dma_semaphore, #tpu.memory_space<semaphore_mem>>
        %dma_start3A_27 = arith.constant 0 : i32
        %dma_start3A_28 = tpu.memref_slice %arg4[%multiple_of3A_15, %dma_start3A_27] : memref<1280x128xi32, #tpu.memory_space<hbm>> -> memref<40x128xi32, #tpu.memory_space<hbm>>
        %dma_start3A_29 = arith.constant 0 : i32
        %dma_start3A_30 = tpu.memref_slice %arg4[%multiple_of3A_15, %dma_start3A_29] : memref<1280x128xi32, #tpu.memory_space<hbm>> -> memref<40x128xi32, #tpu.memory_space<hbm>>
        tpu.enqueue_dma source(%dma_start3A_30 : memref<40x128xi32, #tpu.memory_space<hbm>>) target(%arg8 : memref<40x128xi32, #tpu.memory_space<vmem>>) target_semaphore(%run_scoped3A : memref<!tpu.dma_semaphore, #tpu.memory_space<semaphore_mem>>)
        %dma_wait3A = arith.constant 0 : i32
        %dma_wait3A_31 = tpu.memref_slice %arg4[%multiple_of3A_15, %dma_wait3A] : memref<1280x128xi32, #tpu.memory_space<hbm>> -> memref<40x128xi32, #tpu.memory_space<hbm>>
        %dma_wait3A_32 = arith.constant 0 : i32
        %dma_wait3A_33 = tpu.memref_slice %arg4[%multiple_of3A_15, %dma_wait3A_32] : memref<1280x128xi32, #tpu.memory_space<hbm>> -> memref<40x128xi32, #tpu.memory_space<hbm>>
        tpu.wait_dma2 semaphore(%run_scoped3A : memref<!tpu.dma_semaphore, #tpu.memory_space<semaphore_mem>>) src(%dma_wait3A_33 : memref<40x128xi32, #tpu.memory_space<hbm>>) dst(%arg8 : memref<40x128xi32, #tpu.memory_space<vmem>>)
        tpu.yield
      }) : () -> ()
      %dma_start3A = arith.constant 0 : i32
      %dma_start3A_16 = arith.constant 0 : i32
      %dma_start3A_17 = tpu.memref_slice %arg7[%dma_start3A, %dma_start3A_16] : memref<40x128xi32, #tpu.memory_space<vmem>> -> memref<1x128xi32, #tpu.memory_space<vmem>>
      %dma_start3A_18 = tpu.memref_squeeze %dma_start3A_17 : memref<1x128xi32, #tpu.memory_space<vmem>> -> memref<128xi32, #tpu.memory_space<vmem>>
      %dma_start3A_19 = arith.constant 0 : i32
      %dma_start3A_20 = arith.constant 0 : i32
      %dma_start3A_21 = tpu.memref_slice %arg2[%dma_start3A_19, %dma_start3A_20] : memref<10000x128xf32, #tpu.memory_space<hbm>> -> memref<10000x128xf32, #tpu.memory_space<hbm>>
      tpu.enqueue_indirect_dma source(%dma_start3A_21 : memref<10000x128xf32, #tpu.memory_space<hbm>>) target(%arg9 : memref<128x128xf32, #tpu.memory_space<vmem>>) offsets(%dma_start3A_18 : memref<128xi32, #tpu.memory_space<vmem>>) semaphore(%arg12 : memref<!tpu.dma_semaphore, #tpu.memory_space<semaphore_mem>>)
      %scan3A = arith.constant 0 : i32
      %scan3A_22 = arith.constant 0 : i32
      %scan3A_23 = arith.constant 20 : i32
      %scan3A_24 = arith.addi %scan3A_22, %scan3A_23 : i32
      %scan3A_25 = arith.constant 1 : i32
      scf.for %scan3A_27 = %scan3A_22 to %scan3A_24 step %scan3A_25  : i32 {
        %mul3A_28 = arith.constant 2 : i32
        %mul3A_29 = arith.muli %mul3A_28, %scan3A_27 : i32
        %add3A_30 = arith.constant 1 : i32
        %add3A_31 = arith.addi %mul3A_29, %add3A_30 : i32
        %dma_start3A_32 = arith.constant 0 : i32
        %dma_start3A_33 = tpu.memref_slice %arg7[%add3A_31, %dma_start3A_32] : memref<40x128xi32, #tpu.memory_space<vmem>> -> memref<1x128xi32, #tpu.memory_space<vmem>>
        %dma_start3A_34 = tpu.memref_squeeze %dma_start3A_33 : memref<1x128xi32, #tpu.memory_space<vmem>> -> memref<128xi32, #tpu.memory_space<vmem>>
        %dma_start3A_35 = arith.constant 0 : i32
        %dma_start3A_36 = arith.constant 0 : i32
        %dma_start3A_37 = tpu.memref_slice %arg2[%dma_start3A_35, %dma_start3A_36] : memref<10000x128xf32, #tpu.memory_space<hbm>> -> memref<10000x128xf32, #tpu.memory_space<hbm>>
        tpu.enqueue_indirect_dma source(%dma_start3A_37 : memref<10000x128xf32, #tpu.memory_space<hbm>>) target(%arg10 : memref<128x128xf32, #tpu.memory_space<vmem>>) offsets(%dma_start3A_34 : memref<128xi32, #tpu.memory_space<vmem>>) semaphore(%arg13 : memref<!tpu.dma_semaphore, #tpu.memory_space<semaphore_mem>>)
        %dma_wait3A = arith.constant 0 : i32
        %dma_wait3A_38 = tpu.memref_slice %arg7[%mul3A_29, %dma_wait3A] : memref<40x128xi32, #tpu.memory_space<vmem>> -> memref<1x128xi32, #tpu.memory_space<vmem>>
        %dma_wait3A_39 = tpu.memref_squeeze %dma_wait3A_38 : memref<1x128xi32, #tpu.memory_space<vmem>> -> memref<128xi32, #tpu.memory_space<vmem>>
        %dma_wait3A_40 = arith.constant 0 : i32
        %dma_wait3A_41 = arith.constant 0 : i32
        %dma_wait3A_42 = tpu.memref_slice %arg2[%dma_wait3A_40, %dma_wait3A_41] : memref<10000x128xf32, #tpu.memory_space<hbm>> -> memref<10000x128xf32, #tpu.memory_space<hbm>>
        tpu.wait_indirect_dma semaphore(%arg12 : memref<!tpu.dma_semaphore, #tpu.memory_space<semaphore_mem>>) src(%dma_wait3A_42 : memref<10000x128xf32, #tpu.memory_space<hbm>>) dst(%arg9 : memref<128x128xf32, #tpu.memory_space<vmem>>)
        "tpu.region"() ({
          %run_scoped3A = tpu.sem_alloc : memref<!tpu.dma_semaphore, #tpu.memory_space<semaphore_mem>>
          %dma_start3A_59 = arith.constant 0 : i32
          %dma_start3A_60 = tpu.memref_slice %arg8[%mul3A_29, %dma_start3A_59] : memref<40x128xi32, #tpu.memory_space<vmem>> -> memref<1x128xi32, #tpu.memory_space<vmem>>
          %dma_start3A_61 = tpu.memref_squeeze %dma_start3A_60 : memref<1x128xi32, #tpu.memory_space<vmem>> -> memref<128xi32, #tpu.memory_space<vmem>>
          %dma_start3A_62 = arith.constant 0 : i32
          %dma_start3A_63 = arith.constant 0 : i32
          %dma_start3A_64 = tpu.memref_slice %arg11[%dma_start3A_62, %dma_start3A_63] : memref<10240x128xf32, #tpu.memory_space<vmem_shared>> -> memref<10240x128xf32, #tpu.memory_space<vmem_shared>>
          tpu.enqueue_indirect_dma source(%arg9 : memref<128x128xf32, #tpu.memory_space<vmem>>) target(%dma_start3A_64 : memref<10240x128xf32, #tpu.memory_space<vmem_shared>>) offsets(%dma_start3A_61 : memref<128xi32, #tpu.memory_space<vmem>>) semaphore(%run_scoped3A : memref<!tpu.dma_semaphore, #tpu.memory_space<semaphore_mem>>) {add = true}
          %dma_wait3A_65 = arith.constant 0 : i32
          %dma_wait3A_66 = tpu.memref_slice %arg8[%mul3A_29, %dma_wait3A_65] : memref<40x128xi32, #tpu.memory_space<vmem>> -> memref<1x128xi32, #tpu.memory_space<vmem>>
          %dma_wait3A_67 = tpu.memref_squeeze %dma_wait3A_66 : memref<1x128xi32, #tpu.memory_space<vmem>> -> memref<128xi32, #tpu.memory_space<vmem>>
          %dma_wait3A_68 = arith.constant 0 : i32
          %dma_wait3A_69 = arith.constant 0 : i32
          %dma_wait3A_70 = tpu.memref_slice %arg11[%dma_wait3A_68, %dma_wait3A_69] : memref<10240x128xf32, #tpu.memory_space<vmem_shared>> -> memref<10240x128xf32, #tpu.memory_space<vmem_shared>>
          tpu.wait_indirect_dma semaphore(%run_scoped3A : memref<!tpu.dma_semaphore, #tpu.memory_space<semaphore_mem>>) src(%arg9 : memref<128x128xf32, #tpu.memory_space<vmem>>) dst(%dma_wait3A_70 : memref<10240x128xf32, #tpu.memory_space<vmem_shared>>)
          tpu.yield
        }) : () -> ()
        %add3A_43 = arith.constant 2 : i32
        %add3A_44 = arith.addi %mul3A_29, %add3A_43 : i32
        %lt3A = arith.constant 40 : i32
        %lt3A_45 = arith.cmpi slt, %add3A_44, %lt3A : i32
        %convert_element_type3A_46 = arith.extui %lt3A_45 : i1 to i32
        %cond3A_47 = arith.constant 0 : i32
        %cond3A_48 = arith.cmpi ne, %convert_element_type3A_46, %cond3A_47 : i32
        scf.if %cond3A_48 {
          %add3A_59 = arith.constant 2 : i32
          %add3A_60 = arith.addi %mul3A_29, %add3A_59 : i32
          %dma_start3A_61 = arith.constant 0 : i32
          %dma_start3A_62 = tpu.memref_slice %arg7[%add3A_60, %dma_start3A_61] : memref<40x128xi32, #tpu.memory_space<vmem>> -> memref<1x128xi32, #tpu.memory_space<vmem>>
          %dma_start3A_63 = tpu.memref_squeeze %dma_start3A_62 : memref<1x128xi32, #tpu.memory_space<vmem>> -> memref<128xi32, #tpu.memory_space<vmem>>
          %dma_start3A_64 = arith.constant 0 : i32
          %dma_start3A_65 = arith.constant 0 : i32
          %dma_start3A_66 = tpu.memref_slice %arg2[%dma_start3A_64, %dma_start3A_65] : memref<10000x128xf32, #tpu.memory_space<hbm>> -> memref<10000x128xf32, #tpu.memory_space<hbm>>
          tpu.enqueue_indirect_dma source(%dma_start3A_66 : memref<10000x128xf32, #tpu.memory_space<hbm>>) target(%arg9 : memref<128x128xf32, #tpu.memory_space<vmem>>) offsets(%dma_start3A_63 : memref<128xi32, #tpu.memory_space<vmem>>) semaphore(%arg12 : memref<!tpu.dma_semaphore, #tpu.memory_space<semaphore_mem>>)
        } else {
        }
        %add3A_49 = arith.constant 1 : i32
        %add3A_50 = arith.addi %mul3A_29, %add3A_49 : i32
        %dma_wait3A_51 = arith.constant 0 : i32
        %dma_wait3A_52 = tpu.memref_slice %arg7[%add3A_50, %dma_wait3A_51] : memref<40x128xi32, #tpu.memory_space<vmem>> -> memref<1x128xi32, #tpu.memory_space<vmem>>
        %dma_wait3A_53 = tpu.memref_squeeze %dma_wait3A_52 : memref<1x128xi32, #tpu.memory_space<vmem>> -> memref<128xi32, #tpu.memory_space<vmem>>
        %dma_wait3A_54 = arith.constant 0 : i32
        %dma_wait3A_55 = arith.constant 0 : i32
        %dma_wait3A_56 = tpu.memref_slice %arg2[%dma_wait3A_54, %dma_wait3A_55] : memref<10000x128xf32, #tpu.memory_space<hbm>> -> memref<10000x128xf32, #tpu.memory_space<hbm>>
        tpu.wait_indirect_dma semaphore(%arg13 : memref<!tpu.dma_semaphore, #tpu.memory_space<semaphore_mem>>) src(%dma_wait3A_56 : memref<10000x128xf32, #tpu.memory_space<hbm>>) dst(%arg10 : memref<128x128xf32, #tpu.memory_space<vmem>>)
        %add3A_57 = arith.constant 1 : i32
        %add3A_58 = arith.addi %mul3A_29, %add3A_57 : i32
        "tpu.region"() ({
          %run_scoped3A = tpu.sem_alloc : memref<!tpu.dma_semaphore, #tpu.memory_space<semaphore_mem>>
          %dma_start3A_59 = arith.constant 0 : i32
          %dma_start3A_60 = tpu.memref_slice %arg8[%add3A_58, %dma_start3A_59] : memref<40x128xi32, #tpu.memory_space<vmem>> -> memref<1x128xi32, #tpu.memory_space<vmem>>
          %dma_start3A_61 = tpu.memref_squeeze %dma_start3A_60 : memref<1x128xi32, #tpu.memory_space<vmem>> -> memref<128xi32, #tpu.memory_space<vmem>>
          %dma_start3A_62 = arith.constant 0 : i32
          %dma_start3A_63 = arith.constant 0 : i32
          %dma_start3A_64 = tpu.memref_slice %arg11[%dma_start3A_62, %dma_start3A_63] : memref<10240x128xf32, #tpu.memory_space<vmem_shared>> -> memref<10240x128xf32, #tpu.memory_space<vmem_shared>>
          tpu.enqueue_indirect_dma source(%arg10 : memref<128x128xf32, #tpu.memory_space<vmem>>) target(%dma_start3A_64 : memref<10240x128xf32, #tpu.memory_space<vmem_shared>>) offsets(%dma_start3A_61 : memref<128xi32, #tpu.memory_space<vmem>>) semaphore(%run_scoped3A : memref<!tpu.dma_semaphore, #tpu.memory_space<semaphore_mem>>) {add = true}
          %dma_wait3A_65 = arith.constant 0 : i32
          %dma_wait3A_66 = tpu.memref_slice %arg8[%add3A_58, %dma_wait3A_65] : memref<40x128xi32, #tpu.memory_space<vmem>> -> memref<1x128xi32, #tpu.memory_space<vmem>>
          %dma_wait3A_67 = tpu.memref_squeeze %dma_wait3A_66 : memref<1x128xi32, #tpu.memory_space<vmem>> -> memref<128xi32, #tpu.memory_space<vmem>>
          %dma_wait3A_68 = arith.constant 0 : i32
          %dma_wait3A_69 = arith.constant 0 : i32
          %dma_wait3A_70 = tpu.memref_slice %arg11[%dma_wait3A_68, %dma_wait3A_69] : memref<10240x128xf32, #tpu.memory_space<vmem_shared>> -> memref<10240x128xf32, #tpu.memory_space<vmem_shared>>
          tpu.wait_indirect_dma semaphore(%run_scoped3A : memref<!tpu.dma_semaphore, #tpu.memory_space<semaphore_mem>>) src(%arg10 : memref<128x128xf32, #tpu.memory_space<vmem>>) dst(%dma_wait3A_70 : memref<10240x128xf32, #tpu.memory_space<vmem_shared>>)
          tpu.yield
        }) : () -> ()
      }
      %scan3A_26 = arith.constant 20 : i32
    } else {
    }
    %barrier3A_3 = arith.constant 0 : index
    tpu.barrier barrier_id(%barrier3A_3)
    %mul3A_4 = arith.constant 10240 : i32
    %mul3A_5 = arith.muli %arg0, %mul3A_4 : i32
    %mul3A_6 = arith.constant 640 : i32
    %mul3A_7 = arith.muli %arg1, %mul3A_6 : i32
    %add3A = arith.addi %mul3A_5, %mul3A_7 : i32
    %multiple_of3A_8 = tpu.assume_multiple %add3A, 640 : i32
    "tpu.region"() ({
      %run_scoped3A = tpu.sem_alloc : memref<!tpu.dma_semaphore, #tpu.memory_space<semaphore_mem>>
      %dma_start3A = arith.constant 0 : i32
      %dma_start3A_9 = tpu.memref_slice %arg6[%multiple_of3A_8, %dma_start3A] : memref<20480x128xf32, #tpu.memory_space<hbm>> -> memref<640x128xf32, #tpu.memory_space<hbm>>
      %dma_start3A_10 = arith.constant 0 : i32
      %dma_start3A_11 = tpu.memref_slice %arg11[%multiple_of3A, %dma_start3A_10] : memref<10240x128xf32, #tpu.memory_space<vmem_shared>> -> memref<640x128xf32, #tpu.memory_space<vmem_shared>>
      tpu.enqueue_dma source(%dma_start3A_11 : memref<640x128xf32, #tpu.memory_space<vmem_shared>>) target(%dma_start3A_9 : memref<640x128xf32, #tpu.memory_space<hbm>>) target_semaphore(%run_scoped3A : memref<!tpu.dma_semaphore, #tpu.memory_space<semaphore_mem>>)
      %dma_wait3A = arith.constant 0 : i32
      %dma_wait3A_12 = tpu.memref_slice %arg6[%multiple_of3A_8, %dma_wait3A] : memref<20480x128xf32, #tpu.memory_space<hbm>> -> memref<640x128xf32, #tpu.memory_space<hbm>>
      %dma_wait3A_13 = arith.constant 0 : i32
      %dma_wait3A_14 = tpu.memref_slice %arg11[%multiple_of3A, %dma_wait3A_13] : memref<10240x128xf32, #tpu.memory_space<vmem_shared>> -> memref<640x128xf32, #tpu.memory_space<vmem_shared>>
      tpu.wait_dma2 semaphore(%run_scoped3A : memref<!tpu.dma_semaphore, #tpu.memory_space<semaphore_mem>>) src(%dma_wait3A_14 : memref<640x128xf32, #tpu.memory_space<vmem_shared>>) dst(%dma_wait3A_12 : memref<640x128xf32, #tpu.memory_space<hbm>>)
      tpu.yield
    }) : () -> ()
    return
  }
}

#map = affine_map<(d0, d1) -> (0, 0)>
module attributes {stable_mosaic.version = 14 : i64} {
  func.func @body(%arg0: i32, %arg1: i32, %arg2: memref<10000x128xf32, #tpu.memory_space<hbm>>, %arg3: memref<1280x128xi32, #tpu.memory_space<hbm>>, %arg4: memref<1280x128xi32, #tpu.memory_space<hbm>>, %arg5: memref<10240x128xf32, #tpu.memory_space<hbm>>, %arg6: memref<20480x128xf32, #tpu.memory_space<hbm>>, %arg7: memref<40x128xi32, #tpu.memory_space<vmem>>, %arg8: memref<40x128xi32, #tpu.memory_space<vmem>>, %arg9: memref<128x128xf32, #tpu.memory_space<vmem>>, %arg10: memref<128x128xf32, #tpu.memory_space<vmem>>, %arg11: memref<10240x128xf32, #tpu.memory_space<vmem_shared>>, %arg12: memref<!tpu.dma_semaphore, #tpu.memory_space<semaphore_mem>>, %arg13: memref<!tpu.dma_semaphore, #tpu.memory_space<semaphore_mem>>) attributes {dimension_semantics = [#tpu.dimension_semantics<core_parallel>, #tpu.dimension_semantics<subcore_parallel>], iteration_bounds = array<i64: 2, 16>, scalar_prefetch = 0 : i64, scratch_operands = 7 : i64, tpu.core_type = #tpu.core_type<sc_vector_subcore>, window_params = [{transform_indices = #map}, {transform_indices = #map}, {transform_indices = #map}, {transform_indices = #map}, {transform_indices = #map}]} {
    %mul3A = arith.constant 640 : i32
    %mul3A_0 = arith.muli %arg1, %mul3A : i32
    %multiple_of3A = tpu.assume_multiple %mul3A_0, 640 : i32
    "tpu.region"() ({
      %run_scoped3A = tpu.sem_alloc : memref<!tpu.dma_semaphore, #tpu.memory_space<semaphore_mem>>
      %dma_start3A = arith.constant 0 : i32
      %dma_start3A_9 = tpu.memref_slice %arg11[%multiple_of3A, %dma_start3A] : memref<10240x128xf32, #tpu.memory_space<vmem_shared>> -> memref<640x128xf32, #tpu.memory_space<vmem_shared>>
      %dma_start3A_10 = arith.constant 0 : i32
      %dma_start3A_11 = tpu.memref_slice %arg5[%multiple_of3A, %dma_start3A_10] : memref<10240x128xf32, #tpu.memory_space<hbm>> -> memref<640x128xf32, #tpu.memory_space<hbm>>
      tpu.enqueue_dma source(%dma_start3A_11 : memref<640x128xf32, #tpu.memory_space<hbm>>) target(%dma_start3A_9 : memref<640x128xf32, #tpu.memory_space<vmem_shared>>) target_semaphore(%run_scoped3A : memref<!tpu.dma_semaphore, #tpu.memory_space<semaphore_mem>>)
      %dma_wait3A = arith.constant 0 : i32
      %dma_wait3A_12 = tpu.memref_slice %arg11[%multiple_of3A, %dma_wait3A] : memref<10240x128xf32, #tpu.memory_space<vmem_shared>> -> memref<640x128xf32, #tpu.memory_space<vmem_shared>>
      %dma_wait3A_13 = arith.constant 0 : i32
      %dma_wait3A_14 = tpu.memref_slice %arg5[%multiple_of3A, %dma_wait3A_13] : memref<10240x128xf32, #tpu.memory_space<hbm>> -> memref<640x128xf32, #tpu.memory_space<hbm>>
      tpu.wait_dma2 semaphore(%run_scoped3A : memref<!tpu.dma_semaphore, #tpu.memory_space<semaphore_mem>>) src(%dma_wait3A_14 : memref<640x128xf32, #tpu.memory_space<hbm>>) dst(%dma_wait3A_12 : memref<640x128xf32, #tpu.memory_space<vmem_shared>>)
      tpu.yield
    }) : () -> ()
    %barrier3A = arith.constant 0 : index
    tpu.barrier barrier_id(%barrier3A)
    %eq3A = arith.constant 0 : i32
    %eq3A_1 = arith.cmpi eq, %arg0, %eq3A : i32
    %convert_element_type3A = arith.extui %eq3A_1 : i1 to i32
    %cond3A = arith.constant 0 : i32
    %cond3A_2 = arith.cmpi ne, %convert_element_type3A, %cond3A : i32
    scf.if %cond3A_2 {
      %mul3A_9 = arith.constant 40 : i32
      %mul3A_10 = arith.muli %arg1, %mul3A_9 : i32
      %add3A_11 = arith.constant 640 : i32
      %add3A_12 = arith.addi %add3A_11, %mul3A_10 : i32
      %add3A_13 = arith.constant 0 : i32
      %add3A_14 = arith.addi %add3A_12, %add3A_13 : i32
      %multiple_of3A_15 = tpu.assume_multiple %add3A_14, 8 : i32
      "tpu.region"() ({
        %run_scoped3A = tpu.sem_alloc : memref<!tpu.dma_semaphore, #tpu.memory_space<semaphore_mem>>
        %dma_start3A_27 = arith.constant 0 : i32
        %dma_start3A_28 = tpu.memref_slice %arg3[%multiple_of3A_15, %dma_start3A_27] : memref<1280x128xi32, #tpu.memory_space<hbm>> -> memref<40x128xi32, #tpu.memory_space<hbm>>
        %dma_start3A_29 = arith.constant 0 : i32
        %dma_start3A_30 = tpu.memref_slice %arg3[%multiple_of3A_15, %dma_start3A_29] : memref<1280x128xi32, #tpu.memory_space<hbm>> -> memref<40x128xi32, #tpu.memory_space<hbm>>
        tpu.enqueue_dma source(%dma_start3A_30 : memref<40x128xi32, #tpu.memory_space<hbm>>) target(%arg7 : memref<40x128xi32, #tpu.memory_space<vmem>>) target_semaphore(%run_scoped3A : memref<!tpu.dma_semaphore, #tpu.memory_space<semaphore_mem>>)
        %dma_wait3A = arith.constant 0 : i32
        %dma_wait3A_31 = tpu.memref_slice %arg3[%multiple_of3A_15, %dma_wait3A] : memref<1280x128xi32, #tpu.memory_space<hbm>> -> memref<40x128xi32, #tpu.memory_space<hbm>>
        %dma_wait3A_32 = arith.constant 0 : i32
        %dma_wait3A_33 = tpu.memref_slice %arg3[%multiple_of3A_15, %dma_wait3A_32] : memref<1280x128xi32, #tpu.memory_space<hbm>> -> memref<40x128xi32, #tpu.memory_space<hbm>>
        tpu.wait_dma2 semaphore(%run_scoped3A : memref<!tpu.dma_semaphore, #tpu.memory_space<semaphore_mem>>) src(%dma_wait3A_33 : memref<40x128xi32, #tpu.memory_space<hbm>>) dst(%arg7 : memref<40x128xi32, #tpu.memory_space<vmem>>)
        tpu.yield
      }) : () -> ()
      "tpu.region"() ({
        %run_scoped3A = tpu.sem_alloc : memref<!tpu.dma_semaphore, #tpu.memory_space<semaphore_mem>>
        %dma_start3A_27 = arith.constant 0 : i32
        %dma_start3A_28 = tpu.memref_slice %arg4[%multiple_of3A_15, %dma_start3A_27] : memref<1280x128xi32, #tpu.memory_space<hbm>> -> memref<40x128xi32, #tpu.memory_space<hbm>>
        %dma_start3A_29 = arith.constant 0 : i32
        %dma_start3A_30 = tpu.memref_slice %arg4[%multiple_of3A_15, %dma_start3A_29] : memref<1280x128xi32, #tpu.memory_space<hbm>> -> memref<40x128xi32, #tpu.memory_space<hbm>>
        tpu.enqueue_dma source(%dma_start3A_30 : memref<40x128xi32, #tpu.memory_space<hbm>>) target(%arg8 : memref<40x128xi32, #tpu.memory_space<vmem>>) target_semaphore(%run_scoped3A : memref<!tpu.dma_semaphore, #tpu.memory_space<semaphore_mem>>)
        %dma_wait3A = arith.constant 0 : i32
        %dma_wait3A_31 = tpu.memref_slice %arg4[%multiple_of3A_15, %dma_wait3A] : memref<1280x128xi32, #tpu.memory_space<hbm>> -> memref<40x128xi32, #tpu.memory_space<hbm>>
        %dma_wait3A_32 = arith.constant 0 : i32
        %dma_wait3A_33 = tpu.memref_slice %arg4[%multiple_of3A_15, %dma_wait3A_32] : memref<1280x128xi32, #tpu.memory_space<hbm>> -> memref<40x128xi32, #tpu.memory_space<hbm>>
        tpu.wait_dma2 semaphore(%run_scoped3A : memref<!tpu.dma_semaphore, #tpu.memory_space<semaphore_mem>>) src(%dma_wait3A_33 : memref<40x128xi32, #tpu.memory_space<hbm>>) dst(%arg8 : memref<40x128xi32, #tpu.memory_space<vmem>>)
        tpu.yield
      }) : () -> ()
      %dma_start3A = arith.constant 0 : i32
      %dma_start3A_16 = arith.constant 0 : i32
      %dma_start3A_17 = tpu.memref_slice %arg7[%dma_start3A, %dma_start3A_16] : memref<40x128xi32, #tpu.memory_space<vmem>> -> memref<1x128xi32, #tpu.memory_space<vmem>>
      %dma_start3A_18 = tpu.memref_squeeze %dma_start3A_17 : memref<1x128xi32, #tpu.memory_space<vmem>> -> memref<128xi32, #tpu.memory_space<vmem>>
      %dma_start3A_19 = arith.constant 0 : i32
      %dma_start3A_20 = arith.constant 0 : i32
      %dma_start3A_21 = tpu.memref_slice %arg2[%dma_start3A_19, %dma_start3A_20] : memref<10000x128xf32, #tpu.memory_space<hbm>> -> memref<10000x128xf32, #tpu.memory_space<hbm>>
      tpu.enqueue_indirect_dma source(%dma_start3A_21 : memref<10000x128xf32, #tpu.memory_space<hbm>>) target(%arg9 : memref<128x128xf32, #tpu.memory_space<vmem>>) offsets(%dma_start3A_18 : memref<128xi32, #tpu.memory_space<vmem>>) semaphore(%arg12 : memref<!tpu.dma_semaphore, #tpu.memory_space<semaphore_mem>>)
      %scan3A = arith.constant 0 : i32
      %scan3A_22 = arith.constant 0 : i32
      %scan3A_23 = arith.constant 20 : i32
      %scan3A_24 = arith.addi %scan3A_22, %scan3A_23 : i32
      %scan3A_25 = arith.constant 1 : i32
      scf.for %scan3A_27 = %scan3A_22 to %scan3A_24 step %scan3A_25  : i32 {
        %mul3A_28 = arith.constant 2 : i32
        %mul3A_29 = arith.muli %mul3A_28, %scan3A_27 : i32
        %add3A_30 = arith.constant 1 : i32
        %add3A_31 = arith.addi %mul3A_29, %add3A_30 : i32
        %dma_start3A_32 = arith.constant 0 : i32
        %dma_start3A_33 = tpu.memref_slice %arg7[%add3A_31, %dma_start3A_32] : memref<40x128xi32, #tpu.memory_space<vmem>> -> memref<1x128xi32, #tpu.memory_space<vmem>>
        %dma_start3A_34 = tpu.memref_squeeze %dma_start3A_33 : memref<1x128xi32, #tpu.memory_space<vmem>> -> memref<128xi32, #tpu.memory_space<vmem>>
        %dma_start3A_35 = arith.constant 0 : i32
        %dma_start3A_36 = arith.constant 0 : i32
        %dma_start3A_37 = tpu.memref_slice %arg2[%dma_start3A_35, %dma_start3A_36] : memref<10000x128xf32, #tpu.memory_space<hbm>> -> memref<10000x128xf32, #tpu.memory_space<hbm>>
        tpu.enqueue_indirect_dma source(%dma_start3A_37 : memref<10000x128xf32, #tpu.memory_space<hbm>>) target(%arg10 : memref<128x128xf32, #tpu.memory_space<vmem>>) offsets(%dma_start3A_34 : memref<128xi32, #tpu.memory_space<vmem>>) semaphore(%arg13 : memref<!tpu.dma_semaphore, #tpu.memory_space<semaphore_mem>>)
        %dma_wait3A = arith.constant 0 : i32
        %dma_wait3A_38 = tpu.memref_slice %arg7[%mul3A_29, %dma_wait3A] : memref<40x128xi32, #tpu.memory_space<vmem>> -> memref<1x128xi32, #tpu.memory_space<vmem>>
        %dma_wait3A_39 = tpu.memref_squeeze %dma_wait3A_38 : memref<1x128xi32, #tpu.memory_space<vmem>> -> memref<128xi32, #tpu.memory_space<vmem>>
        %dma_wait3A_40 = arith.constant 0 : i32
        %dma_wait3A_41 = arith.constant 0 : i32
        %dma_wait3A_42 = tpu.memref_slice %arg2[%dma_wait3A_40, %dma_wait3A_41] : memref<10000x128xf32, #tpu.memory_space<hbm>> -> memref<10000x128xf32, #tpu.memory_space<hbm>>
        tpu.wait_indirect_dma semaphore(%arg12 : memref<!tpu.dma_semaphore, #tpu.memory_space<semaphore_mem>>) src(%dma_wait3A_42 : memref<10000x128xf32, #tpu.memory_space<hbm>>) dst(%arg9 : memref<128x128xf32, #tpu.memory_space<vmem>>)
        "tpu.region"() ({
          %run_scoped3A = tpu.sem_alloc : memref<!tpu.dma_semaphore, #tpu.memory_space<semaphore_mem>>
          %dma_start3A_59 = arith.constant 0 : i32
          %dma_start3A_60 = tpu.memref_slice %arg8[%mul3A_29, %dma_start3A_59] : memref<40x128xi32, #tpu.memory_space<vmem>> -> memref<1x128xi32, #tpu.memory_space<vmem>>
          %dma_start3A_61 = tpu.memref_squeeze %dma_start3A_60 : memref<1x128xi32, #tpu.memory_space<vmem>> -> memref<128xi32, #tpu.memory_space<vmem>>
          %dma_start3A_62 = arith.constant 0 : i32
          %dma_start3A_63 = arith.constant 0 : i32
          %dma_start3A_64 = tpu.memref_slice %arg11[%dma_start3A_62, %dma_start3A_63] : memref<10240x128xf32, #tpu.memory_space<vmem_shared>> -> memref<10240x128xf32, #tpu.memory_space<vmem_shared>>
          tpu.enqueue_indirect_dma source(%arg9 : memref<128x128xf32, #tpu.memory_space<vmem>>) target(%dma_start3A_64 : memref<10240x128xf32, #tpu.memory_space<vmem_shared>>) offsets(%dma_start3A_61 : memref<128xi32, #tpu.memory_space<vmem>>) semaphore(%run_scoped3A : memref<!tpu.dma_semaphore, #tpu.memory_space<semaphore_mem>>) {add = true}
          %dma_wait3A_65 = arith.constant 0 : i32
          %dma_wait3A_66 = tpu.memref_slice %arg8[%mul3A_29, %dma_wait3A_65] : memref<40x128xi32, #tpu.memory_space<vmem>> -> memref<1x128xi32, #tpu.memory_space<vmem>>
          %dma_wait3A_67 = tpu.memref_squeeze %dma_wait3A_66 : memref<1x128xi32, #tpu.memory_space<vmem>> -> memref<128xi32, #tpu.memory_space<vmem>>
          %dma_wait3A_68 = arith.constant 0 : i32
          %dma_wait3A_69 = arith.constant 0 : i32
          %dma_wait3A_70 = tpu.memref_slice %arg11[%dma_wait3A_68, %dma_wait3A_69] : memref<10240x128xf32, #tpu.memory_space<vmem_shared>> -> memref<10240x128xf32, #tpu.memory_space<vmem_shared>>
          tpu.wait_indirect_dma semaphore(%run_scoped3A : memref<!tpu.dma_semaphore, #tpu.memory_space<semaphore_mem>>) src(%arg9 : memref<128x128xf32, #tpu.memory_space<vmem>>) dst(%dma_wait3A_70 : memref<10240x128xf32, #tpu.memory_space<vmem_shared>>)
          tpu.yield
        }) : () -> ()
        %add3A_43 = arith.constant 2 : i32
        %add3A_44 = arith.addi %mul3A_29, %add3A_43 : i32
        %lt3A = arith.constant 40 : i32
        %lt3A_45 = arith.cmpi slt, %add3A_44, %lt3A : i32
        %convert_element_type3A_46 = arith.extui %lt3A_45 : i1 to i32
        %cond3A_47 = arith.constant 0 : i32
        %cond3A_48 = arith.cmpi ne, %convert_element_type3A_46, %cond3A_47 : i32
        scf.if %cond3A_48 {
          %add3A_59 = arith.constant 2 : i32
          %add3A_60 = arith.addi %mul3A_29, %add3A_59 : i32
          %dma_start3A_61 = arith.constant 0 : i32
          %dma_start3A_62 = tpu.memref_slice %arg7[%add3A_60, %dma_start3A_61] : memref<40x128xi32, #tpu.memory_space<vmem>> -> memref<1x128xi32, #tpu.memory_space<vmem>>
          %dma_start3A_63 = tpu.memref_squeeze %dma_start3A_62 : memref<1x128xi32, #tpu.memory_space<vmem>> -> memref<128xi32, #tpu.memory_space<vmem>>
          %dma_start3A_64 = arith.constant 0 : i32
          %dma_start3A_65 = arith.constant 0 : i32
          %dma_start3A_66 = tpu.memref_slice %arg2[%dma_start3A_64, %dma_start3A_65] : memref<10000x128xf32, #tpu.memory_space<hbm>> -> memref<10000x128xf32, #tpu.memory_space<hbm>>
          tpu.enqueue_indirect_dma source(%dma_start3A_66 : memref<10000x128xf32, #tpu.memory_space<hbm>>) target(%arg9 : memref<128x128xf32, #tpu.memory_space<vmem>>) offsets(%dma_start3A_63 : memref<128xi32, #tpu.memory_space<vmem>>) semaphore(%arg12 : memref<!tpu.dma_semaphore, #tpu.memory_space<semaphore_mem>>)
        } else {
        }
        %add3A_49 = arith.constant 1 : i32
        %add3A_50 = arith.addi %mul3A_29, %add3A_49 : i32
        %dma_wait3A_51 = arith.constant 0 : i32
        %dma_wait3A_52 = tpu.memref_slice %arg7[%add3A_50, %dma_wait3A_51] : memref<40x128xi32, #tpu.memory_space<vmem>> -> memref<1x128xi32, #tpu.memory_space<vmem>>
        %dma_wait3A_53 = tpu.memref_squeeze %dma_wait3A_52 : memref<1x128xi32, #tpu.memory_space<vmem>> -> memref<128xi32, #tpu.memory_space<vmem>>
        %dma_wait3A_54 = arith.constant 0 : i32
        %dma_wait3A_55 = arith.constant 0 : i32
        %dma_wait3A_56 = tpu.memref_slice %arg2[%dma_wait3A_54, %dma_wait3A_55] : memref<10000x128xf32, #tpu.memory_space<hbm>> -> memref<10000x128xf32, #tpu.memory_space<hbm>>
        tpu.wait_indirect_dma semaphore(%arg13 : memref<!tpu.dma_semaphore, #tpu.memory_space<semaphore_mem>>) src(%dma_wait3A_56 : memref<10000x128xf32, #tpu.memory_space<hbm>>) dst(%arg10 : memref<128x128xf32, #tpu.memory_space<vmem>>)
        %add3A_57 = arith.constant 1 : i32
        %add3A_58 = arith.addi %mul3A_29, %add3A_57 : i32
        "tpu.region"() ({
          %run_scoped3A = tpu.sem_alloc : memref<!tpu.dma_semaphore, #tpu.memory_space<semaphore_mem>>
          %dma_start3A_59 = arith.constant 0 : i32
          %dma_start3A_60 = tpu.memref_slice %arg8[%add3A_58, %dma_start3A_59] : memref<40x128xi32, #tpu.memory_space<vmem>> -> memref<1x128xi32, #tpu.memory_space<vmem>>
          %dma_start3A_61 = tpu.memref_squeeze %dma_start3A_60 : memref<1x128xi32, #tpu.memory_space<vmem>> -> memref<128xi32, #tpu.memory_space<vmem>>
          %dma_start3A_62 = arith.constant 0 : i32
          %dma_start3A_63 = arith.constant 0 : i32
          %dma_start3A_64 = tpu.memref_slice %arg11[%dma_start3A_62, %dma_start3A_63] : memref<10240x128xf32, #tpu.memory_space<vmem_shared>> -> memref<10240x128xf32, #tpu.memory_space<vmem_shared>>
          tpu.enqueue_indirect_dma source(%arg10 : memref<128x128xf32, #tpu.memory_space<vmem>>) target(%dma_start3A_64 : memref<10240x128xf32, #tpu.memory_space<vmem_shared>>) offsets(%dma_start3A_61 : memref<128xi32, #tpu.memory_space<vmem>>) semaphore(%run_scoped3A : memref<!tpu.dma_semaphore, #tpu.memory_space<semaphore_mem>>) {add = true}
          %dma_wait3A_65 = arith.constant 0 : i32
          %dma_wait3A_66 = tpu.memref_slice %arg8[%add3A_58, %dma_wait3A_65] : memref<40x128xi32, #tpu.memory_space<vmem>> -> memref<1x128xi32, #tpu.memory_space<vmem>>
          %dma_wait3A_67 = tpu.memref_squeeze %dma_wait3A_66 : memref<1x128xi32, #tpu.memory_space<vmem>> -> memref<128xi32, #tpu.memory_space<vmem>>
          %dma_wait3A_68 = arith.constant 0 : i32
          %dma_wait3A_69 = arith.constant 0 : i32
          %dma_wait3A_70 = tpu.memref_slice %arg11[%dma_wait3A_68, %dma_wait3A_69] : memref<10240x128xf32, #tpu.memory_space<vmem_shared>> -> memref<10240x128xf32, #tpu.memory_space<vmem_shared>>
          tpu.wait_indirect_dma semaphore(%run_scoped3A : memref<!tpu.dma_semaphore, #tpu.memory_space<semaphore_mem>>) src(%arg10 : memref<128x128xf32, #tpu.memory_space<vmem>>) dst(%dma_wait3A_70 : memref<10240x128xf32, #tpu.memory_space<vmem_shared>>)
          tpu.yield
        }) : () -> ()
      }
      %scan3A_26 = arith.constant 20 : i32
    } else {
    }
    %barrier3A_3 = arith.constant 0 : index
    tpu.barrier barrier_id(%barrier3A_3)
    %mul3A_4 = arith.constant 10240 : i32
    %mul3A_5 = arith.muli %arg0, %mul3A_4 : i32
    %mul3A_6 = arith.constant 640 : i32
    %mul3A_7 = arith.muli %arg1, %mul3A_6 : i32
    %add3A = arith.addi %mul3A_5, %mul3A_7 : i32
    %multiple_of3A_8 = tpu.assume_multiple %add3A, 640 : i32
    "tpu.region"() ({
      %run_scoped3A = tpu.sem_alloc : memref<!tpu.dma_semaphore, #tpu.memory_space<semaphore_mem>>
      %dma_start3A = arith.constant 0 : i32
      %dma_start3A_9 = tpu.memref_slice %arg6[%multiple_of3A_8, %dma_start3A] : memref<20480x128xf32, #tpu.memory_space<hbm>> -> memref<640x128xf32, #tpu.memory_space<hbm>>
      %dma_start3A_10 = arith.constant 0 : i32
      %dma_start3A_11 = tpu.memref_slice %arg11[%multiple_of3A, %dma_start3A_10] : memref<10240x128xf32, #tpu.memory_space<vmem_shared>> -> memref<640x128xf32, #tpu.memory_space<vmem_shared>>
      tpu.enqueue_dma source(%dma_start3A_11 : memref<640x128xf32, #tpu.memory_space<vmem_shared>>) target(%dma_start3A_9 : memref<640x128xf32, #tpu.memory_space<hbm>>) target_semaphore(%run_scoped3A : memref<!tpu.dma_semaphore, #tpu.memory_space<semaphore_mem>>)
      %dma_wait3A = arith.constant 0 : i32
      %dma_wait3A_12 = tpu.memref_slice %arg6[%multiple_of3A_8, %dma_wait3A] : memref<20480x128xf32, #tpu.memory_space<hbm>> -> memref<640x128xf32, #tpu.memory_space<hbm>>
      %dma_wait3A_13 = arith.constant 0 : i32
      %dma_wait3A_14 = tpu.memref_slice %arg11[%multiple_of3A, %dma_wait3A_13] : memref<10240x128xf32, #tpu.memory_space<vmem_shared>> -> memref<640x128xf32, #tpu.memory_space<vmem_shared>>
      tpu.wait_dma2 semaphore(%run_scoped3A : memref<!tpu.dma_semaphore, #tpu.memory_space<semaphore_mem>>) src(%dma_wait3A_14 : memref<640x128xf32, #tpu.memory_space<vmem_shared>>) dst(%dma_wait3A_12 : memref<640x128xf32, #tpu.memory_space<hbm>>)
      tpu.yield
    }) : () -> ()
    return
  }
}

#map = affine_map<(d0, d1) -> (0, 0)>
module attributes {stable_mosaic.version = 14 : i64} {
  func.func @body(%arg0: i32, %arg1: i32, %arg2: memref<10000x128xf32, #tpu.memory_space<hbm>>, %arg3: memref<1280x128xi32, #tpu.memory_space<hbm>>, %arg4: memref<1280x128xi32, #tpu.memory_space<hbm>>, %arg5: memref<10240x128xf32, #tpu.memory_space<hbm>>, %arg6: memref<20480x128xf32, #tpu.memory_space<hbm>>, %arg7: memref<40x128xi32, #tpu.memory_space<vmem>>, %arg8: memref<40x128xi32, #tpu.memory_space<vmem>>, %arg9: memref<128x128xf32, #tpu.memory_space<vmem>>, %arg10: memref<128x128xf32, #tpu.memory_space<vmem>>, %arg11: memref<10240x128xf32, #tpu.memory_space<vmem_shared>>, %arg12: memref<!tpu.dma_semaphore, #tpu.memory_space<semaphore_mem>>, %arg13: memref<!tpu.dma_semaphore, #tpu.memory_space<semaphore_mem>>) attributes {dimension_semantics = [#tpu.dimension_semantics<core_parallel>, #tpu.dimension_semantics<subcore_parallel>], iteration_bounds = array<i64: 2, 16>, scalar_prefetch = 0 : i64, scratch_operands = 7 : i64, tpu.core_type = #tpu.core_type<sc_vector_subcore>, window_params = [{transform_indices = #map}, {transform_indices = #map}, {transform_indices = #map}, {transform_indices = #map}, {transform_indices = #map}]} {
    %mul3A = arith.constant 640 : i32
    %mul3A_0 = arith.muli %arg1, %mul3A : i32
    %multiple_of3A = tpu.assume_multiple %mul3A_0, 640 : i32
    "tpu.region"() ({
      %run_scoped3A = tpu.sem_alloc : memref<!tpu.dma_semaphore, #tpu.memory_space<semaphore_mem>>
      %dma_start3A = arith.constant 0 : i32
      %dma_start3A_9 = tpu.memref_slice %arg11[%multiple_of3A, %dma_start3A] : memref<10240x128xf32, #tpu.memory_space<vmem_shared>> -> memref<640x128xf32, #tpu.memory_space<vmem_shared>>
      %dma_start3A_10 = arith.constant 0 : i32
      %dma_start3A_11 = tpu.memref_slice %arg5[%multiple_of3A, %dma_start3A_10] : memref<10240x128xf32, #tpu.memory_space<hbm>> -> memref<640x128xf32, #tpu.memory_space<hbm>>
      tpu.enqueue_dma source(%dma_start3A_11 : memref<640x128xf32, #tpu.memory_space<hbm>>) target(%dma_start3A_9 : memref<640x128xf32, #tpu.memory_space<vmem_shared>>) target_semaphore(%run_scoped3A : memref<!tpu.dma_semaphore, #tpu.memory_space<semaphore_mem>>)
      %dma_wait3A = arith.constant 0 : i32
      %dma_wait3A_12 = tpu.memref_slice %arg11[%multiple_of3A, %dma_wait3A] : memref<10240x128xf32, #tpu.memory_space<vmem_shared>> -> memref<640x128xf32, #tpu.memory_space<vmem_shared>>
      %dma_wait3A_13 = arith.constant 0 : i32
      %dma_wait3A_14 = tpu.memref_slice %arg5[%multiple_of3A, %dma_wait3A_13] : memref<10240x128xf32, #tpu.memory_space<hbm>> -> memref<640x128xf32, #tpu.memory_space<hbm>>
      tpu.wait_dma2 semaphore(%run_scoped3A : memref<!tpu.dma_semaphore, #tpu.memory_space<semaphore_mem>>) src(%dma_wait3A_14 : memref<640x128xf32, #tpu.memory_space<hbm>>) dst(%dma_wait3A_12 : memref<640x128xf32, #tpu.memory_space<vmem_shared>>)
      tpu.yield
    }) : () -> ()
    %barrier3A = arith.constant 0 : index
    tpu.barrier barrier_id(%barrier3A)
    %eq3A = arith.constant 0 : i32
    %eq3A_1 = arith.cmpi eq, %arg0, %eq3A : i32
    %convert_element_type3A = arith.extui %eq3A_1 : i1 to i32
    %cond3A = arith.constant 0 : i32
    %cond3A_2 = arith.cmpi ne, %convert_element_type3A, %cond3A : i32
    scf.if %cond3A_2 {
      %mul3A_9 = arith.constant 40 : i32
      %mul3A_10 = arith.muli %arg1, %mul3A_9 : i32
      %add3A_11 = arith.constant 0 : i32
      %add3A_12 = arith.addi %add3A_11, %mul3A_10 : i32
      %add3A_13 = arith.constant 0 : i32
      %add3A_14 = arith.addi %add3A_12, %add3A_13 : i32
      %multiple_of3A_15 = tpu.assume_multiple %add3A_14, 8 : i32
      "tpu.region"() ({
        %run_scoped3A = tpu.sem_alloc : memref<!tpu.dma_semaphore, #tpu.memory_space<semaphore_mem>>
        %dma_start3A_27 = arith.constant 0 : i32
        %dma_start3A_28 = tpu.memref_slice %arg3[%multiple_of3A_15, %dma_start3A_27] : memref<1280x128xi32, #tpu.memory_space<hbm>> -> memref<40x128xi32, #tpu.memory_space<hbm>>
        %dma_start3A_29 = arith.constant 0 : i32
        %dma_start3A_30 = tpu.memref_slice %arg3[%multiple_of3A_15, %dma_start3A_29] : memref<1280x128xi32, #tpu.memory_space<hbm>> -> memref<40x128xi32, #tpu.memory_space<hbm>>
        tpu.enqueue_dma source(%dma_start3A_30 : memref<40x128xi32, #tpu.memory_space<hbm>>) target(%arg7 : memref<40x128xi32, #tpu.memory_space<vmem>>) target_semaphore(%run_scoped3A : memref<!tpu.dma_semaphore, #tpu.memory_space<semaphore_mem>>)
        %dma_wait3A = arith.constant 0 : i32
        %dma_wait3A_31 = tpu.memref_slice %arg3[%multiple_of3A_15, %dma_wait3A] : memref<1280x128xi32, #tpu.memory_space<hbm>> -> memref<40x128xi32, #tpu.memory_space<hbm>>
        %dma_wait3A_32 = arith.constant 0 : i32
        %dma_wait3A_33 = tpu.memref_slice %arg3[%multiple_of3A_15, %dma_wait3A_32] : memref<1280x128xi32, #tpu.memory_space<hbm>> -> memref<40x128xi32, #tpu.memory_space<hbm>>
        tpu.wait_dma2 semaphore(%run_scoped3A : memref<!tpu.dma_semaphore, #tpu.memory_space<semaphore_mem>>) src(%dma_wait3A_33 : memref<40x128xi32, #tpu.memory_space<hbm>>) dst(%arg7 : memref<40x128xi32, #tpu.memory_space<vmem>>)
        tpu.yield
      }) : () -> ()
      "tpu.region"() ({
        %run_scoped3A = tpu.sem_alloc : memref<!tpu.dma_semaphore, #tpu.memory_space<semaphore_mem>>
        %dma_start3A_27 = arith.constant 0 : i32
        %dma_start3A_28 = tpu.memref_slice %arg4[%multiple_of3A_15, %dma_start3A_27] : memref<1280x128xi32, #tpu.memory_space<hbm>> -> memref<40x128xi32, #tpu.memory_space<hbm>>
        %dma_start3A_29 = arith.constant 0 : i32
        %dma_start3A_30 = tpu.memref_slice %arg4[%multiple_of3A_15, %dma_start3A_29] : memref<1280x128xi32, #tpu.memory_space<hbm>> -> memref<40x128xi32, #tpu.memory_space<hbm>>
        tpu.enqueue_dma source(%dma_start3A_30 : memref<40x128xi32, #tpu.memory_space<hbm>>) target(%arg8 : memref<40x128xi32, #tpu.memory_space<vmem>>) target_semaphore(%run_scoped3A : memref<!tpu.dma_semaphore, #tpu.memory_space<semaphore_mem>>)
        %dma_wait3A = arith.constant 0 : i32
        %dma_wait3A_31 = tpu.memref_slice %arg4[%multiple_of3A_15, %dma_wait3A] : memref<1280x128xi32, #tpu.memory_space<hbm>> -> memref<40x128xi32, #tpu.memory_space<hbm>>
        %dma_wait3A_32 = arith.constant 0 : i32
        %dma_wait3A_33 = tpu.memref_slice %arg4[%multiple_of3A_15, %dma_wait3A_32] : memref<1280x128xi32, #tpu.memory_space<hbm>> -> memref<40x128xi32, #tpu.memory_space<hbm>>
        tpu.wait_dma2 semaphore(%run_scoped3A : memref<!tpu.dma_semaphore, #tpu.memory_space<semaphore_mem>>) src(%dma_wait3A_33 : memref<40x128xi32, #tpu.memory_space<hbm>>) dst(%arg8 : memref<40x128xi32, #tpu.memory_space<vmem>>)
        tpu.yield
      }) : () -> ()
      %dma_start3A = arith.constant 0 : i32
      %dma_start3A_16 = arith.constant 0 : i32
      %dma_start3A_17 = tpu.memref_slice %arg7[%dma_start3A, %dma_start3A_16] : memref<40x128xi32, #tpu.memory_space<vmem>> -> memref<1x128xi32, #tpu.memory_space<vmem>>
      %dma_start3A_18 = tpu.memref_squeeze %dma_start3A_17 : memref<1x128xi32, #tpu.memory_space<vmem>> -> memref<128xi32, #tpu.memory_space<vmem>>
      %dma_start3A_19 = arith.constant 0 : i32
      %dma_start3A_20 = arith.constant 0 : i32
      %dma_start3A_21 = tpu.memref_slice %arg2[%dma_start3A_19, %dma_start3A_20] : memref<10000x128xf32, #tpu.memory_space<hbm>> -> memref<10000x128xf32, #tpu.memory_space<hbm>>
      tpu.enqueue_indirect_dma source(%dma_start3A_21 : memref<10000x128xf32, #tpu.memory_space<hbm>>) target(%arg9 : memref<128x128xf32, #tpu.memory_space<vmem>>) offsets(%dma_start3A_18 : memref<128xi32, #tpu.memory_space<vmem>>) semaphore(%arg12 : memref<!tpu.dma_semaphore, #tpu.memory_space<semaphore_mem>>)
      %scan3A = arith.constant 0 : i32
      %scan3A_22 = arith.constant 0 : i32
      %scan3A_23 = arith.constant 20 : i32
      %scan3A_24 = arith.addi %scan3A_22, %scan3A_23 : i32
      %scan3A_25 = arith.constant 1 : i32
      scf.for %scan3A_27 = %scan3A_22 to %scan3A_24 step %scan3A_25  : i32 {
        %mul3A_28 = arith.constant 2 : i32
        %mul3A_29 = arith.muli %mul3A_28, %scan3A_27 : i32
        %add3A_30 = arith.constant 1 : i32
        %add3A_31 = arith.addi %mul3A_29, %add3A_30 : i32
        %dma_start3A_32 = arith.constant 0 : i32
        %dma_start3A_33 = tpu.memref_slice %arg7[%add3A_31, %dma_start3A_32] : memref<40x128xi32, #tpu.memory_space<vmem>> -> memref<1x128xi32, #tpu.memory_space<vmem>>
        %dma_start3A_34 = tpu.memref_squeeze %dma_start3A_33 : memref<1x128xi32, #tpu.memory_space<vmem>> -> memref<128xi32, #tpu.memory_space<vmem>>
        %dma_start3A_35 = arith.constant 0 : i32
        %dma_start3A_36 = arith.constant 0 : i32
        %dma_start3A_37 = tpu.memref_slice %arg2[%dma_start3A_35, %dma_start3A_36] : memref<10000x128xf32, #tpu.memory_space<hbm>> -> memref<10000x128xf32, #tpu.memory_space<hbm>>
        tpu.enqueue_indirect_dma source(%dma_start3A_37 : memref<10000x128xf32, #tpu.memory_space<hbm>>) target(%arg10 : memref<128x128xf32, #tpu.memory_space<vmem>>) offsets(%dma_start3A_34 : memref<128xi32, #tpu.memory_space<vmem>>) semaphore(%arg13 : memref<!tpu.dma_semaphore, #tpu.memory_space<semaphore_mem>>)
        %dma_wait3A = arith.constant 0 : i32
        %dma_wait3A_38 = tpu.memref_slice %arg7[%mul3A_29, %dma_wait3A] : memref<40x128xi32, #tpu.memory_space<vmem>> -> memref<1x128xi32, #tpu.memory_space<vmem>>
        %dma_wait3A_39 = tpu.memref_squeeze %dma_wait3A_38 : memref<1x128xi32, #tpu.memory_space<vmem>> -> memref<128xi32, #tpu.memory_space<vmem>>
        %dma_wait3A_40 = arith.constant 0 : i32
        %dma_wait3A_41 = arith.constant 0 : i32
        %dma_wait3A_42 = tpu.memref_slice %arg2[%dma_wait3A_40, %dma_wait3A_41] : memref<10000x128xf32, #tpu.memory_space<hbm>> -> memref<10000x128xf32, #tpu.memory_space<hbm>>
        tpu.wait_indirect_dma semaphore(%arg12 : memref<!tpu.dma_semaphore, #tpu.memory_space<semaphore_mem>>) src(%dma_wait3A_42 : memref<10000x128xf32, #tpu.memory_space<hbm>>) dst(%arg9 : memref<128x128xf32, #tpu.memory_space<vmem>>)
        "tpu.region"() ({
          %run_scoped3A = tpu.sem_alloc : memref<!tpu.dma_semaphore, #tpu.memory_space<semaphore_mem>>
          %dma_start3A_59 = arith.constant 0 : i32
          %dma_start3A_60 = tpu.memref_slice %arg8[%mul3A_29, %dma_start3A_59] : memref<40x128xi32, #tpu.memory_space<vmem>> -> memref<1x128xi32, #tpu.memory_space<vmem>>
          %dma_start3A_61 = tpu.memref_squeeze %dma_start3A_60 : memref<1x128xi32, #tpu.memory_space<vmem>> -> memref<128xi32, #tpu.memory_space<vmem>>
          %dma_start3A_62 = arith.constant 0 : i32
          %dma_start3A_63 = arith.constant 0 : i32
          %dma_start3A_64 = tpu.memref_slice %arg11[%dma_start3A_62, %dma_start3A_63] : memref<10240x128xf32, #tpu.memory_space<vmem_shared>> -> memref<10240x128xf32, #tpu.memory_space<vmem_shared>>
          tpu.enqueue_indirect_dma source(%arg9 : memref<128x128xf32, #tpu.memory_space<vmem>>) target(%dma_start3A_64 : memref<10240x128xf32, #tpu.memory_space<vmem_shared>>) offsets(%dma_start3A_61 : memref<128xi32, #tpu.memory_space<vmem>>) semaphore(%run_scoped3A : memref<!tpu.dma_semaphore, #tpu.memory_space<semaphore_mem>>) {add = true}
          %dma_wait3A_65 = arith.constant 0 : i32
          %dma_wait3A_66 = tpu.memref_slice %arg8[%mul3A_29, %dma_wait3A_65] : memref<40x128xi32, #tpu.memory_space<vmem>> -> memref<1x128xi32, #tpu.memory_space<vmem>>
          %dma_wait3A_67 = tpu.memref_squeeze %dma_wait3A_66 : memref<1x128xi32, #tpu.memory_space<vmem>> -> memref<128xi32, #tpu.memory_space<vmem>>
          %dma_wait3A_68 = arith.constant 0 : i32
          %dma_wait3A_69 = arith.constant 0 : i32
          %dma_wait3A_70 = tpu.memref_slice %arg11[%dma_wait3A_68, %dma_wait3A_69] : memref<10240x128xf32, #tpu.memory_space<vmem_shared>> -> memref<10240x128xf32, #tpu.memory_space<vmem_shared>>
          tpu.wait_indirect_dma semaphore(%run_scoped3A : memref<!tpu.dma_semaphore, #tpu.memory_space<semaphore_mem>>) src(%arg9 : memref<128x128xf32, #tpu.memory_space<vmem>>) dst(%dma_wait3A_70 : memref<10240x128xf32, #tpu.memory_space<vmem_shared>>)
          tpu.yield
        }) : () -> ()
        %add3A_43 = arith.constant 2 : i32
        %add3A_44 = arith.addi %mul3A_29, %add3A_43 : i32
        %lt3A = arith.constant 40 : i32
        %lt3A_45 = arith.cmpi slt, %add3A_44, %lt3A : i32
        %convert_element_type3A_46 = arith.extui %lt3A_45 : i1 to i32
        %cond3A_47 = arith.constant 0 : i32
        %cond3A_48 = arith.cmpi ne, %convert_element_type3A_46, %cond3A_47 : i32
        scf.if %cond3A_48 {
          %add3A_59 = arith.constant 2 : i32
          %add3A_60 = arith.addi %mul3A_29, %add3A_59 : i32
          %dma_start3A_61 = arith.constant 0 : i32
          %dma_start3A_62 = tpu.memref_slice %arg7[%add3A_60, %dma_start3A_61] : memref<40x128xi32, #tpu.memory_space<vmem>> -> memref<1x128xi32, #tpu.memory_space<vmem>>
          %dma_start3A_63 = tpu.memref_squeeze %dma_start3A_62 : memref<1x128xi32, #tpu.memory_space<vmem>> -> memref<128xi32, #tpu.memory_space<vmem>>
          %dma_start3A_64 = arith.constant 0 : i32
          %dma_start3A_65 = arith.constant 0 : i32
          %dma_start3A_66 = tpu.memref_slice %arg2[%dma_start3A_64, %dma_start3A_65] : memref<10000x128xf32, #tpu.memory_space<hbm>> -> memref<10000x128xf32, #tpu.memory_space<hbm>>
          tpu.enqueue_indirect_dma source(%dma_start3A_66 : memref<10000x128xf32, #tpu.memory_space<hbm>>) target(%arg9 : memref<128x128xf32, #tpu.memory_space<vmem>>) offsets(%dma_start3A_63 : memref<128xi32, #tpu.memory_space<vmem>>) semaphore(%arg12 : memref<!tpu.dma_semaphore, #tpu.memory_space<semaphore_mem>>)
        } else {
        }
        %add3A_49 = arith.constant 1 : i32
        %add3A_50 = arith.addi %mul3A_29, %add3A_49 : i32
        %dma_wait3A_51 = arith.constant 0 : i32
        %dma_wait3A_52 = tpu.memref_slice %arg7[%add3A_50, %dma_wait3A_51] : memref<40x128xi32, #tpu.memory_space<vmem>> -> memref<1x128xi32, #tpu.memory_space<vmem>>
        %dma_wait3A_53 = tpu.memref_squeeze %dma_wait3A_52 : memref<1x128xi32, #tpu.memory_space<vmem>> -> memref<128xi32, #tpu.memory_space<vmem>>
        %dma_wait3A_54 = arith.constant 0 : i32
        %dma_wait3A_55 = arith.constant 0 : i32
        %dma_wait3A_56 = tpu.memref_slice %arg2[%dma_wait3A_54, %dma_wait3A_55] : memref<10000x128xf32, #tpu.memory_space<hbm>> -> memref<10000x128xf32, #tpu.memory_space<hbm>>
        tpu.wait_indirect_dma semaphore(%arg13 : memref<!tpu.dma_semaphore, #tpu.memory_space<semaphore_mem>>) src(%dma_wait3A_56 : memref<10000x128xf32, #tpu.memory_space<hbm>>) dst(%arg10 : memref<128x128xf32, #tpu.memory_space<vmem>>)
        %add3A_57 = arith.constant 1 : i32
        %add3A_58 = arith.addi %mul3A_29, %add3A_57 : i32
        "tpu.region"() ({
          %run_scoped3A = tpu.sem_alloc : memref<!tpu.dma_semaphore, #tpu.memory_space<semaphore_mem>>
          %dma_start3A_59 = arith.constant 0 : i32
          %dma_start3A_60 = tpu.memref_slice %arg8[%add3A_58, %dma_start3A_59] : memref<40x128xi32, #tpu.memory_space<vmem>> -> memref<1x128xi32, #tpu.memory_space<vmem>>
          %dma_start3A_61 = tpu.memref_squeeze %dma_start3A_60 : memref<1x128xi32, #tpu.memory_space<vmem>> -> memref<128xi32, #tpu.memory_space<vmem>>
          %dma_start3A_62 = arith.constant 0 : i32
          %dma_start3A_63 = arith.constant 0 : i32
          %dma_start3A_64 = tpu.memref_slice %arg11[%dma_start3A_62, %dma_start3A_63] : memref<10240x128xf32, #tpu.memory_space<vmem_shared>> -> memref<10240x128xf32, #tpu.memory_space<vmem_shared>>
          tpu.enqueue_indirect_dma source(%arg10 : memref<128x128xf32, #tpu.memory_space<vmem>>) target(%dma_start3A_64 : memref<10240x128xf32, #tpu.memory_space<vmem_shared>>) offsets(%dma_start3A_61 : memref<128xi32, #tpu.memory_space<vmem>>) semaphore(%run_scoped3A : memref<!tpu.dma_semaphore, #tpu.memory_space<semaphore_mem>>) {add = true}
          %dma_wait3A_65 = arith.constant 0 : i32
          %dma_wait3A_66 = tpu.memref_slice %arg8[%add3A_58, %dma_wait3A_65] : memref<40x128xi32, #tpu.memory_space<vmem>> -> memref<1x128xi32, #tpu.memory_space<vmem>>
          %dma_wait3A_67 = tpu.memref_squeeze %dma_wait3A_66 : memref<1x128xi32, #tpu.memory_space<vmem>> -> memref<128xi32, #tpu.memory_space<vmem>>
          %dma_wait3A_68 = arith.constant 0 : i32
          %dma_wait3A_69 = arith.constant 0 : i32
          %dma_wait3A_70 = tpu.memref_slice %arg11[%dma_wait3A_68, %dma_wait3A_69] : memref<10240x128xf32, #tpu.memory_space<vmem_shared>> -> memref<10240x128xf32, #tpu.memory_space<vmem_shared>>
          tpu.wait_indirect_dma semaphore(%run_scoped3A : memref<!tpu.dma_semaphore, #tpu.memory_space<semaphore_mem>>) src(%arg10 : memref<128x128xf32, #tpu.memory_space<vmem>>) dst(%dma_wait3A_70 : memref<10240x128xf32, #tpu.memory_space<vmem_shared>>)
          tpu.yield
        }) : () -> ()
      }
      %scan3A_26 = arith.constant 20 : i32
    } else {
    }
    %barrier3A_3 = arith.constant 0 : index
    tpu.barrier barrier_id(%barrier3A_3)
    %mul3A_4 = arith.constant 10240 : i32
    %mul3A_5 = arith.muli %arg0, %mul3A_4 : i32
    %mul3A_6 = arith.constant 640 : i32
    %mul3A_7 = arith.muli %arg1, %mul3A_6 : i32
    %add3A = arith.addi %mul3A_5, %mul3A_7 : i32
    %multiple_of3A_8 = tpu.assume_multiple %add3A, 640 : i32
    "tpu.region"() ({
      %run_scoped3A = tpu.sem_alloc : memref<!tpu.dma_semaphore, #tpu.memory_space<semaphore_mem>>
      %dma_start3A = arith.constant 0 : i32
      %dma_start3A_9 = tpu.memref_slice %arg6[%multiple_of3A_8, %dma_start3A] : memref<20480x128xf32, #tpu.memory_space<hbm>> -> memref<640x128xf32, #tpu.memory_space<hbm>>
      %dma_start3A_10 = arith.constant 0 : i32
      %dma_start3A_11 = tpu.memref_slice %arg11[%multiple_of3A, %dma_start3A_10] : memref<10240x128xf32, #tpu.memory_space<vmem_shared>> -> memref<640x128xf32, #tpu.memory_space<vmem_shared>>
      tpu.enqueue_dma source(%dma_start3A_11 : memref<640x128xf32, #tpu.memory_space<vmem_shared>>) target(%dma_start3A_9 : memref<640x128xf32, #tpu.memory_space<hbm>>) target_semaphore(%run_scoped3A : memref<!tpu.dma_semaphore, #tpu.memory_space<semaphore_mem>>)
      %dma_wait3A = arith.constant 0 : i32
      %dma_wait3A_12 = tpu.memref_slice %arg6[%multiple_of3A_8, %dma_wait3A] : memref<20480x128xf32, #tpu.memory_space<hbm>> -> memref<640x128xf32, #tpu.memory_space<hbm>>
      %dma_wait3A_13 = arith.constant 0 : i32
      %dma_wait3A_14 = tpu.memref_slice %arg11[%multiple_of3A, %dma_wait3A_13] : memref<10240x128xf32, #tpu.memory_space<vmem_shared>> -> memref<640x128xf32, #tpu.memory_space<vmem_shared>>
      tpu.wait_dma2 semaphore(%run_scoped3A : memref<!tpu.dma_semaphore, #tpu.memory_space<semaphore_mem>>) src(%dma_wait3A_14 : memref<640x128xf32, #tpu.memory_space<vmem_shared>>) dst(%dma_wait3A_12 : memref<640x128xf32, #tpu.memory_space<hbm>>)
      tpu.yield
    }) : () -> ()
    return
  }
}

module attributes {stable_mosaic.version = 14 : i64} {
  func.func @_tc_y1_body(%arg0: i32, %arg1: memref<1000x128xf32, #tpu.memory_space<vmem>>, %arg2: memref<128x128xf32, #tpu.memory_space<vmem>>, %arg3: memref<1000x1xf32, #tpu.memory_space<vmem>>, %arg4: memref<1000x1xf32, #tpu.memory_space<vmem>>, %arg5: memref<1000x128xf32, #tpu.memory_space<vmem>>, %arg6: memref<1000x1xf32, #tpu.memory_space<vmem>>) attributes {dimension_semantics = [#tpu.dimension_semantics<arbitrary>], iteration_bounds = array<i64: 10>, scalar_prefetch = 0 : i64, scratch_operands = 0 : i64, tpu.core_type = #tpu.core_type<tc>, window_params = [{transform_indices = @transform_0, window_bounds = array<i64: 1000, 128>}, {pipeline_mode = #tpu.pipeline_mode<synchronous>, transform_indices = @transform_1, window_bounds = array<i64: 128, 128>}, {transform_indices = @transform_2, window_bounds = array<i64: 1000, 1>}, {transform_indices = @transform_3, window_bounds = array<i64: 1000, 1>}, {transform_indices = @transform_4, window_bounds = array<i64: 1000, 128>}, {transform_indices = @transform_5, window_bounds = array<i64: 1000, 1>}]} {
    %get3A = arith.constant 0 : index
    %get3A_0 = arith.constant 0 : index
    %get3A_1 = vector.load %arg3[%get3A, %get3A_0] : memref<1000x1xf32, #tpu.memory_space<vmem>>, vector<1000x1xf32>
    %get3A_2 = arith.constant 0 : index
    %get3A_3 = arith.constant 0 : index
    %get3A_4 = vector.load %arg4[%get3A_2, %get3A_3] : memref<1000x1xf32, #tpu.memory_space<vmem>>, vector<1000x1xf32>
    %add3A = arith.addf %get3A_1, %get3A_4 : vector<1000x1xf32>
    %add3A_5 = arith.constant 1.000000e+00 : f32
    %add3A_6 = vector.broadcast %add3A_5 : f32 to vector<1000x1xf32>
    %add3A_7 = arith.addf %add3A, %add3A_6 : vector<1000x1xf32>
    %rsqrt3A = math.rsqrt %add3A_7 : vector<1000x1xf32>
    %swap3A = arith.constant 0 : index
    %swap3A_8 = arith.constant 0 : index
    %swap3A_9 = vector.load %arg6[%swap3A, %swap3A_8] : memref<1000x1xf32, #tpu.memory_space<vmem>>, vector<1000x1xf32>
    tpu.vector_store %arg6[%swap3A, %swap3A_8], %rsqrt3A {strides = array<i32>} : memref<1000x1xf32, #tpu.memory_space<vmem>>, vector<1000x1xf32>,
    %get3A_10 = arith.constant 0 : index
    %get3A_11 = arith.constant 0 : index
    %get3A_12 = vector.load %arg1[%get3A_10, %get3A_11] : memref<1000x128xf32, #tpu.memory_space<vmem>>, vector<1000x128xf32>
    %get3A_13 = arith.constant 0 : index
    %get3A_14 = arith.constant 0 : index
    %get3A_15 = vector.load %arg2[%get3A_13, %get3A_14] : memref<128x128xf32, #tpu.memory_space<vmem>>, vector<128x128xf32>
    %dot_general3A = arith.constant dense<0.000000e+00> : vector<1000x128xf32>
    %dot_general3A_16 = tpu.matmul %get3A_12, %get3A_15, %dot_general3A {dimension_numbers = #tpu.dot_dimension_numbers<[1], [0], [0], [1], [0, 0, 1, 1], [], []>, transpose_lhs_hint = false} : vector<1000x128xf32>, vector<128x128xf32>, vector<1000x128xf32> -> vector<1000x128xf32>
    %mul3A = vector.broadcast %rsqrt3A : vector<1000x1xf32> to vector<1000x128xf32>
    %mul3A_17 = arith.mulf %dot_general3A_16, %mul3A : vector<1000x128xf32>
    %swap3A_18 = arith.constant 0 : index
    %swap3A_19 = arith.constant 0 : index
    %swap3A_20 = vector.load %arg5[%swap3A_18, %swap3A_19] : memref<1000x128xf32, #tpu.memory_space<vmem>>, vector<1000x128xf32>
    tpu.vector_store %arg5[%swap3A_18, %swap3A_19], %mul3A_17 {strides = array<i32>} : memref<1000x128xf32, #tpu.memory_space<vmem>>, vector<1000x128xf32>,
    return
  }
  func.func @transform_0(%arg0: i32) -> (i32, i32) {
    %c0_i32 = arith.constant 0 : i32
    %c0_i32_0 = arith.constant 0 : i32
    return %arg0, %c0_i32 : i32, i32
  }
  func.func @transform_1(%arg0: i32) -> (i32, i32) {
    %c0_i32 = arith.constant 0 : i32
    %c0_i32_0 = arith.constant 0 : i32
    %c0_i32_1 = arith.constant 0 : i32
    return %c0_i32, %c0_i32_0 : i32, i32
  }
  func.func @transform_2(%arg0: i32) -> (i32, i32) {
    %c0_i32 = arith.constant 0 : i32
    %c0_i32_0 = arith.constant 0 : i32
    return %arg0, %c0_i32 : i32, i32
  }
  func.func @transform_3(%arg0: i32) -> (i32, i32) {
    %c0_i32 = arith.constant 0 : i32
    %c0_i32_0 = arith.constant 0 : i32
    return %arg0, %c0_i32 : i32, i32
  }
  func.func @transform_4(%arg0: i32) -> (i32, i32) {
    %c0_i32 = arith.constant 0 : i32
    %c0_i32_0 = arith.constant 0 : i32
    return %arg0, %c0_i32 : i32, i32
  }
  func.func @transform_5(%arg0: i32) -> (i32, i32) {
    %c0_i32 = arith.constant 0 : i32
    %c0_i32_0 = arith.constant 0 : i32
    return %arg0, %c0_i32 : i32, i32
  }
}

module attributes {stable_mosaic.version = 14 : i64} {
  func.func @_tc_h2_body(%arg0: i32, %arg1: memref<1000x128xf32, #tpu.memory_space<vmem>>, %arg2: memref<1000x128xf32, #tpu.memory_space<vmem>>, %arg3: memref<1000x128xf32, #tpu.memory_space<vmem>>, %arg4: memref<1000x1xf32, #tpu.memory_space<vmem>>, %arg5: memref<1000x128xf32, #tpu.memory_space<vmem>>) attributes {dimension_semantics = [#tpu.dimension_semantics<arbitrary>], iteration_bounds = array<i64: 10>, scalar_prefetch = 0 : i64, scratch_operands = 0 : i64, tpu.core_type = #tpu.core_type<tc>, window_params = [{transform_indices = @transform_0, window_bounds = array<i64: 1000, 128>}, {transform_indices = @transform_1, window_bounds = array<i64: 1000, 128>}, {transform_indices = @transform_2, window_bounds = array<i64: 1000, 128>}, {transform_indices = @transform_3, window_bounds = array<i64: 1000, 1>}, {transform_indices = @transform_4, window_bounds = array<i64: 1000, 128>}]} {
    %get3A = arith.constant 0 : index
    %get3A_0 = arith.constant 0 : index
    %get3A_1 = vector.load %arg4[%get3A, %get3A_0] : memref<1000x1xf32, #tpu.memory_space<vmem>>, vector<1000x1xf32>
    %get3A_2 = arith.constant 0 : index
    %get3A_3 = arith.constant 0 : index
    %get3A_4 = vector.load %arg1[%get3A_2, %get3A_3] : memref<1000x128xf32, #tpu.memory_space<vmem>>, vector<1000x128xf32>
    %get3A_5 = arith.constant 0 : index
    %get3A_6 = arith.constant 0 : index
    %get3A_7 = vector.load %arg2[%get3A_5, %get3A_6] : memref<1000x128xf32, #tpu.memory_space<vmem>>, vector<1000x128xf32>
    %add3A = arith.addf %get3A_4, %get3A_7 : vector<1000x128xf32>
    %get3A_8 = arith.constant 0 : index
    %get3A_9 = arith.constant 0 : index
    %get3A_10 = vector.load %arg3[%get3A_8, %get3A_9] : memref<1000x128xf32, #tpu.memory_space<vmem>>, vector<1000x128xf32>
    %add3A_11 = arith.addf %add3A, %get3A_10 : vector<1000x128xf32>
    %mul3A = vector.broadcast %get3A_1 : vector<1000x1xf32> to vector<1000x128xf32>
    %mul3A_12 = arith.mulf %mul3A, %add3A_11 : vector<1000x128xf32>
    %max3A = arith.constant 0.000000e+00 : f32
    %max3A_13 = vector.broadcast %max3A : f32 to vector<1000x128xf32>
    %max3A_14 = arith.maximumf %mul3A_12, %max3A_13 : vector<1000x128xf32>
    %mul3A_15 = vector.broadcast %get3A_1 : vector<1000x1xf32> to vector<1000x128xf32>
    %mul3A_16 = arith.mulf %mul3A_15, %max3A_14 : vector<1000x128xf32>
    %swap3A = arith.constant 0 : index
    %swap3A_17 = arith.constant 0 : index
    %swap3A_18 = vector.load %arg5[%swap3A, %swap3A_17] : memref<1000x128xf32, #tpu.memory_space<vmem>>, vector<1000x128xf32>
    tpu.vector_store %arg5[%swap3A, %swap3A_17], %mul3A_16 {strides = array<i32>} : memref<1000x128xf32, #tpu.memory_space<vmem>>, vector<1000x128xf32>,
    return
  }
  func.func @transform_0(%arg0: i32) -> (i32, i32) {
    %c0_i32 = arith.constant 0 : i32
    %c0_i32_0 = arith.constant 0 : i32
    return %arg0, %c0_i32 : i32, i32
  }
  func.func @transform_1(%arg0: i32) -> (i32, i32) {
    %c0_i32 = arith.constant 0 : i32
    %c0_i32_0 = arith.constant 0 : i32
    return %arg0, %c0_i32 : i32, i32
  }
  func.func @transform_2(%arg0: i32) -> (i32, i32) {
    %c0_i32 = arith.constant 0 : i32
    %c0_i32_0 = arith.constant 0 : i32
    return %arg0, %c0_i32 : i32, i32
  }
  func.func @transform_3(%arg0: i32) -> (i32, i32) {
    %c0_i32 = arith.constant 0 : i32
    %c0_i32_0 = arith.constant 0 : i32
    return %arg0, %c0_i32 : i32, i32
  }
  func.func @transform_4(%arg0: i32) -> (i32, i32) {
    %c0_i32 = arith.constant 0 : i32
    %c0_i32_0 = arith.constant 0 : i32
    return %arg0, %c0_i32 : i32, i32
  }
}

module attributes {stable_mosaic.version = 14 : i64} {
  func.func @_tc_mu_body(%arg0: i32, %arg1: memref<1000x128xf32, #tpu.memory_space<vmem>>, %arg2: memref<1000x128xf32, #tpu.memory_space<vmem>>, %arg3: memref<1000x128xf32, #tpu.memory_space<vmem>>, %arg4: memref<1000x1xf32, #tpu.memory_space<vmem>>, %arg5: memref<128x32xf32, #tpu.memory_space<vmem>>, %arg6: memref<128x32xf32, #tpu.memory_space<vmem>>, %arg7: memref<1000x32xf32, #tpu.memory_space<vmem>>, %arg8: memref<1000x32xf32, #tpu.memory_space<vmem>>) attributes {dimension_semantics = [#tpu.dimension_semantics<arbitrary>], iteration_bounds = array<i64: 10>, scalar_prefetch = 0 : i64, scratch_operands = 0 : i64, tpu.core_type = #tpu.core_type<tc>, window_params = [{transform_indices = @transform_0, window_bounds = array<i64: 1000, 128>}, {transform_indices = @transform_1, window_bounds = array<i64: 1000, 128>}, {transform_indices = @transform_2, window_bounds = array<i64: 1000, 128>}, {transform_indices = @transform_3, window_bounds = array<i64: 1000, 1>}, {pipeline_mode = #tpu.pipeline_mode<synchronous>, transform_indices = @transform_4, window_bounds = array<i64: 128, 32>}, {pipeline_mode = #tpu.pipeline_mode<synchronous>, transform_indices = @transform_5, window_bounds = array<i64: 128, 32>}, {transform_indices = @transform_6, window_bounds = array<i64: 1000, 32>}, {transform_indices = @transform_7, window_bounds = array<i64: 1000, 32>}]} {
    %get3A = arith.constant 0 : index
    %get3A_0 = arith.constant 0 : index
    %get3A_1 = vector.load %arg4[%get3A, %get3A_0] : memref<1000x1xf32, #tpu.memory_space<vmem>>, vector<1000x1xf32>
    %get3A_2 = arith.constant 0 : index
    %get3A_3 = arith.constant 0 : index
    %get3A_4 = vector.load %arg1[%get3A_2, %get3A_3] : memref<1000x128xf32, #tpu.memory_space<vmem>>, vector<1000x128xf32>
    %get3A_5 = arith.constant 0 : index
    %get3A_6 = arith.constant 0 : index
    %get3A_7 = vector.load %arg2[%get3A_5, %get3A_6] : memref<1000x128xf32, #tpu.memory_space<vmem>>, vector<1000x128xf32>
    %add3A = arith.addf %get3A_4, %get3A_7 : vector<1000x128xf32>
    %get3A_8 = arith.constant 0 : index
    %get3A_9 = arith.constant 0 : index
    %get3A_10 = vector.load %arg3[%get3A_8, %get3A_9] : memref<1000x128xf32, #tpu.memory_space<vmem>>, vector<1000x128xf32>
    %add3A_11 = arith.addf %add3A, %get3A_10 : vector<1000x128xf32>
    %mul3A = vector.broadcast %get3A_1 : vector<1000x1xf32> to vector<1000x128xf32>
    %mul3A_12 = arith.mulf %mul3A, %add3A_11 : vector<1000x128xf32>
    %get3A_13 = arith.constant 0 : index
    %get3A_14 = arith.constant 0 : index
    %get3A_15 = vector.load %arg5[%get3A_13, %get3A_14] : memref<128x32xf32, #tpu.memory_space<vmem>>, vector<128x32xf32>
    %dot_general3A = arith.constant dense<0.000000e+00> : vector<1000x32xf32>
    %dot_general3A_16 = tpu.matmul %mul3A_12, %get3A_15, %dot_general3A {dimension_numbers = #tpu.dot_dimension_numbers<[1], [0], [0], [1], [0, 0, 1, 1], [], []>, transpose_lhs_hint = false} : vector<1000x128xf32>, vector<128x32xf32>, vector<1000x32xf32> -> vector<1000x32xf32>
    %swap3A = arith.constant 0 : index
    %swap3A_17 = arith.constant 0 : index
    %swap3A_18 = vector.load %arg7[%swap3A, %swap3A_17] : memref<1000x32xf32, #tpu.memory_space<vmem>>, vector<1000x32xf32>
    tpu.vector_store %arg7[%swap3A, %swap3A_17], %dot_general3A_16 {strides = array<i32>} : memref<1000x32xf32, #tpu.memory_space<vmem>>, vector<1000x32xf32>,
    %get3A_19 = arith.constant 0 : index
    %get3A_20 = arith.constant 0 : index
    %get3A_21 = vector.load %arg6[%get3A_19, %get3A_20] : memref<128x32xf32, #tpu.memory_space<vmem>>, vector<128x32xf32>
    %dot_general3A_22 = arith.constant dense<0.000000e+00> : vector<1000x32xf32>
    %dot_general3A_23 = tpu.matmul %mul3A_12, %get3A_21, %dot_general3A_22 {dimension_numbers = #tpu.dot_dimension_numbers<[1], [0], [0], [1], [0, 0, 1, 1], [], []>, transpose_lhs_hint = false} : vector<1000x128xf32>, vector<128x32xf32>, vector<1000x32xf32> -> vector<1000x32xf32>
    %swap3A_24 = arith.constant 0 : index
    %swap3A_25 = arith.constant 0 : index
    %swap3A_26 = vector.load %arg8[%swap3A_24, %swap3A_25] : memref<1000x32xf32, #tpu.memory_space<vmem>>, vector<1000x32xf32>
    tpu.vector_store %arg8[%swap3A_24, %swap3A_25], %dot_general3A_23 {strides = array<i32>} : memref<1000x32xf32, #tpu.memory_space<vmem>>, vector<1000x32xf32>,
    return
  }
  func.func @transform_0(%arg0: i32) -> (i32, i32) {
    %c0_i32 = arith.constant 0 : i32
    %c0_i32_0 = arith.constant 0 : i32
    return %arg0, %c0_i32 : i32, i32
  }
  func.func @transform_1(%arg0: i32) -> (i32, i32) {
    %c0_i32 = arith.constant 0 : i32
    %c0_i32_0 = arith.constant 0 : i32
    return %arg0, %c0_i32 : i32, i32
  }
  func.func @transform_2(%arg0: i32) -> (i32, i32) {
    %c0_i32 = arith.constant 0 : i32
    %c0_i32_0 = arith.constant 0 : i32
    return %arg0, %c0_i32 : i32, i32
  }
  func.func @transform_3(%arg0: i32) -> (i32, i32) {
    %c0_i32 = arith.constant 0 : i32
    %c0_i32_0 = arith.constant 0 : i32
    return %arg0, %c0_i32 : i32, i32
  }
  func.func @transform_4(%arg0: i32) -> (i32, i32) {
    %c0_i32 = arith.constant 0 : i32
    %c0_i32_0 = arith.constant 0 : i32
    %c0_i32_1 = arith.constant 0 : i32
    return %c0_i32, %c0_i32_0 : i32, i32
  }
  func.func @transform_5(%arg0: i32) -> (i32, i32) {
    %c0_i32 = arith.constant 0 : i32
    %c0_i32_0 = arith.constant 0 : i32
    %c0_i32_1 = arith.constant 0 : i32
    return %c0_i32, %c0_i32_0 : i32, i32
  }
  func.func @transform_6(%arg0: i32) -> (i32, i32) {
    %c0_i32 = arith.constant 0 : i32
    %c0_i32_0 = arith.constant 0 : i32
    return %arg0, %c0_i32 : i32, i32
  }
  func.func @transform_7(%arg0: i32) -> (i32, i32) {
    %c0_i32 = arith.constant 0 : i32
    %c0_i32_0 = arith.constant 0 : i32
    return %arg0, %c0_i32 : i32, i32
  }
}

module attributes {stable_mosaic.version = 14 : i64} {
  func.func @_tc_dec_body(%arg0: i32, %arg1: memref<200x32xf32, #tpu.memory_space<vmem>>, %arg2: memref<10000x32xf32, #tpu.memory_space<vmem>>, %arg3: memref<200x10000xf32, #tpu.memory_space<vmem>>) attributes {dimension_semantics = [#tpu.dimension_semantics<arbitrary>], iteration_bounds = array<i64: 50>, scalar_prefetch = 0 : i64, scratch_operands = 0 : i64, tpu.core_type = #tpu.core_type<tc>, window_params = [{transform_indices = @transform_0, window_bounds = array<i64: 200, 32>}, {pipeline_mode = #tpu.pipeline_mode<synchronous>, transform_indices = @transform_1, window_bounds = array<i64: 10000, 32>}, {transform_indices = @transform_2, window_bounds = array<i64: 200, 10000>}]} {
    %get3A = arith.constant 0 : index
    %get3A_0 = arith.constant 0 : index
    %get3A_1 = vector.load %arg1[%get3A, %get3A_0] : memref<200x32xf32, #tpu.memory_space<vmem>>, vector<200x32xf32>
    %get3A_2 = arith.constant 0 : index
    %get3A_3 = arith.constant 0 : index
    %get3A_4 = vector.load %arg2[%get3A_2, %get3A_3] : memref<10000x32xf32, #tpu.memory_space<vmem>>, vector<10000x32xf32>
    %dot_general3A = arith.constant dense<0.000000e+00> : vector<200x10000xf32>
    %dot_general3A_5 = tpu.matmul %get3A_1, %get3A_4, %dot_general3A {dimension_numbers = #tpu.dot_dimension_numbers<[1], [1], [0], [0], [0, 0, 1, 0], [], []>, transpose_lhs_hint = false} : vector<200x32xf32>, vector<10000x32xf32>, vector<200x10000xf32> -> vector<200x10000xf32>
    %logistic3A = arith.negf %dot_general3A_5 : vector<200x10000xf32>
    %logistic3A_6 = math.exp %logistic3A : vector<200x10000xf32>
    %logistic3A_7 = arith.constant 1.000000e+00 : f32
    %logistic3A_8 = vector.broadcast %logistic3A_7 : f32 to vector<200x10000xf32>
    %logistic3A_9 = arith.addf %logistic3A_8, %logistic3A_6 : vector<200x10000xf32>
    %logistic3A_10 = arith.divf %logistic3A_8, %logistic3A_9 : vector<200x10000xf32>
    %swap3A = arith.constant 0 : index
    %swap3A_11 = arith.constant 0 : index
    %swap3A_12 = vector.load %arg3[%swap3A, %swap3A_11] : memref<200x10000xf32, #tpu.memory_space<vmem>>, vector<200x10000xf32>
    tpu.vector_store %arg3[%swap3A, %swap3A_11], %logistic3A_10 {strides = array<i32>} : memref<200x10000xf32, #tpu.memory_space<vmem>>, vector<200x10000xf32>,
    return
  }
  func.func @transform_0(%arg0: i32) -> (i32, i32) {
    %c0_i32 = arith.constant 0 : i32
    %c0_i32_0 = arith.constant 0 : i32
    return %arg0, %c0_i32 : i32, i32
  }
  func.func @transform_1(%arg0: i32) -> (i32, i32) {
    %c0_i32 = arith.constant 0 : i32
    %c0_i32_0 = arith.constant 0 : i32
    %c0_i32_1 = arith.constant 0 : i32
    return %c0_i32, %c0_i32_0 : i32, i32
  }
  func.func @transform_2(%arg0: i32) -> (i32, i32) {
    %c0_i32 = arith.constant 0 : i32
    %c0_i32_0 = arith.constant 0 : i32
    return %arg0, %c0_i32 : i32, i32
  }
}

</mosaic_0001>

<sc_bundles>
// kernel: kernel.11.cloned.1.call-start
scs
__scs_entry_jumppad:
0x0: {  	(pc) =	sbr.rel $0x88, $3  }
0x1: {  	(tag) =	ssettag $0x0;
	lr =	simm.s32 $0x1  }
0x2: {  	[smem:$0x3F9C] =	sst lr;
	_ =	strace $0xD0000000  }
0x3: {  	_ = 	snop  }
0x4: {  	_ = 	snop  }
0x5: {  	_ = 	snop  }
0x6: {  	_ = 	snop  }
0x7: {  	_ = 	snop  }
__scs_overlays_trampoline_lowered:
0x8: {  	[smem:$0x3FAB] =	sst s0  }
0x9: {  	[smem:$0x3FAC] =	sst s1  }
0xa: {  	[smem:$0x3FAD] =	sst s2  }
0xb: {  	[smem:$0x3FAE] =	sst s3  }
0xc: {  	[smem:$0x3FAF] =	sst s4  }
0xd: {  	[smem:$0x3FB0] =	sst s5  }
0xe: {  	[smem:$0x3FB1] =	sst s6  }
0xf: {  	[smem:$0x3FB2] =	sst s7  }
0x10: {  	[smem:$0x3FB3] =	sst s8  }
0x11: {  	[smem:$0x3FB4] =	sst s9;
	s0 =	simm.s32 @!p0 $0x0  }
0x12: {  	s1 =	sld [smem:$0x3F9A];
	s0 =	simm.s32 @p0 $0x1  }
0x13: {  	[smem:$0x3FB5] =	sst s0;
	s0 =	simm.s32 @!p1 $0x0  }
0x14: {  	s2 =	sld [smem:$0x3F99];
	s0 =	simm.s32 @p1 $0x1  }
0x15: {  	[smem:$0x3FB6] =	sst s0;
	s0 =	simm.s32 @!p2 $0x0  }
0x16: {  	s3 =	sld [smem:$0x3FDB];
	s0 =	simm.s32 @p2 $0x1  }
0x17: {  	s4 =	simm.s32 $0x1BF5;
	[smem:$0x3FB8] =	sst s0  }
0x18: {  	s0 =	sld [smem:$0x3F9B];
	_ =	swait.ge [sflag:s4], $0x0  }
0x19: {  	s7 =	sld [smem:$0x3F9C]  }
0x1a: {  	s8 =	sadd.s32 $0xFFFFE003, lr  }
0x1b: {  	s9 =	sadd.s32 $0xFFFFFEF7, lr;
	s5 =	simm.s32 $0xFFFFFFFF;
	p2 =	slt.u32 s8, $0xFFFFF086  }
0x1c: {  	p1 =	slt.u32 s9, $0xF7A;
	s5 =	simm.s32 @!p2 $0x0  }
0x1d: {  	s5 =	simm.s32 @p1 $0x1;
	p0 =	seq.s32 s7, s2  }
0x1e: {  	s7 =	smul.u32 @!p0 $0xF7A, s2;
	p2 =	seq.s32 @!p0 s5, $0x0  }
0x1f: {  	s9 =	smul.u32 $0xF7A, s1;
	s8 =	simm.s32 @!p0 $0x1BF5;
	p2 =	por !p2, p0  }
0x20: {  	[sflag:s8] =	ssyncset.s32 @!p0 $0xFFFFF086;
	s6 =	sadd.s32 @!p0 s3, s7;
	s7 =	simm.s32 @!p0 $0x108  }
0x21: {  	s3 =	sadd.s32 s3, s9;
	s6 =	sadd.s32 @!p0 $0x88, s6;
	s7 =	simm.s32 @p2 $0x1082  }
0x22: {  	[simem:s7], [sflag:s8] =	dma.local @!p0 [hbm:s6], $0xF7A  }
0x23: {  	s9 =	sor.u32 $0xD0000000, s2;
	s6 =	simm.s32 $0x108;
	_ =	swait.ge @!p0 [sflag:s8], $0x0  }
0x24: {  	s3 =	sadd.s32 $0x88, s3;
	s6 =	simm.s32 @!p1 $0x1082;
	[sflag:s4] =	ssyncset.s32 $0xFFFFF086  }
0x25: {  	[simem:s6], [sflag:s4] =	dma.local [hbm:s3], $0xF7A  }
0x26: {  	[smem:$0x3F9C] =	sst s1;
	(tag) =	ssettag s2;
	_ =	strace s9  }
0x27: {  	s1 =	sld [smem:$0x3FAC]  }
0x28: {  	s2 =	sld [smem:$0x3FAD]  }
0x29: {  	s4 =	sld [smem:$0x3FAF]  }
0x2a: {  	p0 =	seq.s32 s5, $0x0;
	s5 =	sld [smem:$0x3FB0]  }
0x2b: {  	s6 =	sld [smem:$0x3FB1]  }
0x2c: {  	s7 =	sld [smem:$0x3FB2]  }
0x2d: {  	s3 =	simm.s32 $0x108;
	s8 =	sld [smem:$0x3FB3]  }
0x2e: {  	s3 =	simm.s32 @!p0 $0x1082;
	s9 =	sld [smem:$0x3FB4]  }
0x2f: {  	lr =	sadd.s32 s0, s3;
	s0 =	sld [smem:$0x3FAB]  }
0x30: {  	s3 =	sld [smem:$0x3FAE]  }
0x31: {  	[smem:$0x3FB7] =	sst s10  }
0x32: {  	s10 =	sld [smem:$0x3FB5];
	_ =	sdelay $0x3  }
0x33: {  	p0 =	seq.s32 s10, $0x1;
	s10 =	sld [smem:$0x3FB7];
	_ =	sdelay $0x3  }
0x34: {  	[smem:$0x3FB7] =	sst s10  }
0x35: {  	s10 =	sld [smem:$0x3FB6];
	_ =	sdelay $0x3  }
0x36: {  	p1 =	seq.s32 s10, $0x1;
	s10 =	sld [smem:$0x3FB7];
	_ =	sdelay $0x3  }
0x37: {  	[smem:$0x3FB7] =	sst s10  }
0x38: {  	s10 =	sld [smem:$0x3FB8]  }
0x39: {  	_ = 	snop;
	(pc) =	sbr.ind lr, $3  }
0x3a: {  	_ = 	snop  }
0x3b: {  	_ = 	snop  }
0x3c: {  	p2 =	seq.s32 s10, $0x1;
	s10 =	sld [smem:$0x3FB7]  }
0x3d: {  	_ =	shalt  }
0x3e: {  	_ =	shalt  }
0x3f: {  	_ =	shalt  }
0x40: {  	_ =	shalt  }
0x41: {  	_ =	shalt  }
0x42: {  	_ =	shalt  }
0x43: {  	_ =	shalt  }
0x44: {  	_ =	shalt  }
0x45: {  	_ =	shalt  }
0x46: {  	_ =	shalt  }
0x47: {  	_ =	shalt  }
0x48: {  	_ =	shalt  }
0x49: {  	_ =	shalt  }
0x4a: {  	_ =	shalt  }
0x4b: {  	_ =	shalt  }
0x4c: {  	_ =	shalt  }
0x4d: {  	_ =	shalt  }
0x4e: {  	_ =	shalt  }
0x4f: {  	_ =	shalt  }
0x50: {  	_ =	shalt  }
0x51: {  	_ =	shalt  }
0x52: {  	_ =	shalt  }
0x53: {  	_ =	shalt  }
0x54: {  	_ =	shalt  }
0x55: {  	_ =	shalt  }
0x56: {  	_ =	shalt  }
0x57: {  	_ =	shalt  }
0x58: {  	_ =	shalt  }
0x59: {  	_ =	shalt  }
0x5a: {  	_ =	shalt  }
0x5b: {  	_ =	shalt  }
0x5c: {  	_ =	shalt  }
0x5d: {  	_ =	shalt  }
0x5e: {  	_ =	shalt  }
0x5f: {  	_ =	shalt  }
0x60: {  	_ =	shalt  }
0x61: {  	_ =	shalt  }
0x62: {  	_ =	shalt  }
0x63: {  	_ =	shalt  }
0x64: {  	_ =	shalt  }
0x65: {  	_ =	shalt  }
0x66: {  	_ =	shalt  }
0x67: {  	_ =	shalt  }
0x68: {  	_ =	shalt  }
0x69: {  	_ =	shalt  }
0x6a: {  	_ =	shalt  }
0x6b: {  	_ =	shalt  }
0x6c: {  	_ =	shalt  }
0x6d: {  	_ =	shalt  }
0x6e: {  	_ =	shalt  }
0x6f: {  	_ =	shalt  }
0x70: {  	_ =	shalt  }
0x71: {  	_ =	shalt  }
0x72: {  	_ =	shalt  }
0x73: {  	_ =	shalt  }
0x74: {  	_ =	shalt  }
0x75: {  	_ =	shalt  }
0x76: {  	_ =	shalt  }
0x77: {  	_ =	shalt  }
0x78: {  	_ =	shalt  }
0x79: {  	_ =	shalt  }
0x7a: {  	_ =	shalt  }
0x7b: {  	_ =	shalt  }
0x7c: {  	_ =	shalt  }
0x7d: {  	_ =	shalt  }
0x7e: {  	_ =	shalt  }
0x7f: {  	_ =	shalt  }
0x80: {  	_ =	shalt  }
0x81: {  	_ =	shalt  }
0x82: {  	_ =	shalt  }
0x83: {  	_ =	shalt  }
0x84: {  	_ =	shalt  }
0x85: {  	_ =	shalt  }
0x86: {  	_ =	shalt  }
0x87: {  	_ =	shalt  }
.Lfunc_end0:
.L_simem_size_0:
called_computation_lowered:
.L_overlay_start_0:
0x88: {  	s2 =	sld [smem:$0x3FD9]  }
0x89: {  	s3 =	sld [smem:$0x3FFE];
	_ =	sdelay $0x1  }
0x8a: {  	s1 =	srdreg.scid  }
0x8b: {  	s0 =	sand.u32 $0x1, s1  }
0x8c: {  	s14 =	sshll.u32 s0, $0xA;
	s2 =	sadd.s32 s3, s2  }
0x8d: {  	s2 =	sadd.s32 s2, s14  }
0x8e: {  	[smem:$0x3FC3] =	sst s2  }
0x8f: {  	_ = 	snop  }
0x90: {  	s2 =	sld [smem:$0x3FD0];
	_ =	sdelay $0x2  }
0x91: {  	s15 =	simm.s32 $0xB;
	s4 =	simm.s32 $0x10  }
0x92: {  	[smem:s4], [sflag:s15] =	dma.local [hbm:s2], $0x1  }
0x93: {  	_ =	swait.eq [sflag:s15], $0x1  }
0x94: {  	[sflag:s15] =	ssyncset.done $0x0  }
0x95: {  	s16 =	sld [smem:$0x10];
	[sflag:s15] =	ssyncadd.s32 $0xFFFFFFFF  }
0x96: {  	s17 =	sld [smem:$0x12];
	(tm) =	ssettm $0x1  }
0x97: {  	s18 =	sld [smem:$0x3FFB];
	_ =	sdelay $0x3  }
0x98: {  	_ =	strace s18  }
0x99: {  	s4 =	sld [smem:$0x3FFC];
	_ =	sdelay $0x3  }
0x9a: {  	_ =	strace s4  }
0x9b: {  	s4 =	sld [smem:$0x3FFD];
	_ =	sdelay $0x3  }
0x9c: {  	_ =	strace s4  }
0x9d: {  	_ =	strace $0x8FFFFFFF  }
0x9e: {  	s19 =	sld [smem:$0x3FDB];
	_ =	sdelay $0x1  }
0x9f: {  	s5 =	simm.s32 $_scs_section_size  }
0xa0: {  	s6 =	simm.s32 $_size__tile_overlayer_lowered;
	s7 =	simm.s32 $_tile_overlayer_lowered  }
0xa1: {  	s22 =	simm.s32 $0x1BFF;
	s21 =	sshll.u32 s7, $0x1;
	s4 =	sadd.s32 s5, s19  }
0xa2: {  	s8 =	simm.s32 $0x0;
	s20 =	sshll.u32 s6, $0x1;
	s6 =	sadd.s32 s21, s4  }
0xa3: {  	[timem:s8], [sflag:s22] =	dma.local [hbm:s6], s20  }
0xa4: {  	_ =	swait.ge [sflag:s22], s20  }
0xa5: {  	s5 =	ssub.s32 $0x0, s20;
	[sflag:s22] =	ssyncset.done $0x0  }
0xa6: {  	[sflag:s22] =	ssyncadd.s32 s5;
	_ =	sdelay $0x1  }
0xa7: {  	s23 =	simm.s32 $0x1B8B  }
0xa8: {  	_ =	swait.ge [sflag:s23], $0x1  }
0xa9: {  	[sflag:s23] =	ssyncset.done $0x0  }
0xaa: {  	s25 =	simm.s32 $0x1B8E;
	s24 =	sld [smem:$0x3FFE];
	[sflag:s23] =	ssyncadd.s32 $0xFFFFFFFF  }
0xab: {  	s26 =	simm.s32 $execute0_lowered;
	[smem:$0x3FD2] =	sst s25  }
0xac: {  	s6 =	sshll.u32 s26, $0x1;
	_ =	strace $0x80000046;
	[dreg:$0x1] =	wrdreg $0xFFFFFFFF  }
0xad: {  	s28 =	simm.s32 $_size_execute0_lowered;
	s4 =	sadd.s32 s4, s6;
	[dreg:$0x0] =	wrdreg $0x0  }
0xae: {  	s6 =	sshll.u32 s28, $0x1;
	[dreg:$0x2] =	wrdreg s4  }
0xaf: {  	[dreg:$0x3] =	wrdreg s6  }
0xb0: {  	[dreg:$0x4] =	wrdreg $0xC0  }
0xb1: {  	_ =	task [dreg:s8], $0x5FFFF  }
0xb2: {  	[dreg:$0x1] =	wrdreg $0xFFFFFFFF  }
0xb3: {  	[dreg:$0x0] =	wrdreg $0x60  }
0xb4: {  	[dreg:$0x2] =	wrdreg s17  }
0xb5: {  	[dreg:$0x3] =	wrdreg s24  }
0xb6: {  	[dreg:$0x4] =	wrdreg s16  }
0xb7: {  	[dreg:$0x5] =	wrdreg $0x14800  }
0xb8: {  	[dreg:$0x6] =	wrdreg $0x9  }
0xb9: {  	_ =	task.clear_ibuf [dreg:s8], $0x7FFFF;
	_ =	strace $0x90000046  }
0xba: {  	s29 =	simm.s32 $0x9;
	_ =	strace $0x80000048  }
0xbb: {  	_ =	swait.ge [sflag:s29], $0x1  }
0xbc: {  	[sflag:s29] =	ssyncadd.s32 $0xFFFFFFFF  }
0xbd: {  	_ =	strace $0x90000048  }
0xbe: {  	_ =	sfence  }
0xbf: {  	s30 =	sld [smem:$0x0];
	_ =	sdelay $0x2  }
0xc0: {  	s31 =	sshll.u32 s1, $0xD;
	s1 =	sshrl.u32 s1, $0x2  }
0xc1: {  	s3 =	sand.u32 $0x4000, s31;
	s1 =	sadd.s32 s1, s30  }
0xc2: {  	s0 =	sor.u32 s3, s0;
	s1 =	sshll.u32 s1, $0x11  }
0xc3: {  	s0 =	sor.u32 s1, s0  }
0xc4: {  	s0 =	sadd.s32 $0x8F2B, s0  }
0xc5: {  	[sflag:s0] =	ssyncadd.remote.s32 $0x1  }
0xc6: {  	_ =	sfence.sel $0xFFFF  }
0xc7: {  	[dreg:$0x0] =	wrdreg $0xFFFFFFFF;
	(pc) =	sbr.abs _section_cstart, $3  }
0xc8: {  	[dreg:$0x1] =	wrdreg $0xFFFFFFFF  }
0xc9: {  	_ =	task.clear_ibuf [dreg:s8], $0x2FFFF;
	_ =	strace $0x9FFFFFFF  }
0xca: {  	(tm) =	ssettm $0x7FFFFFFF  }
0xcb: {  	_ =	shalt  }
tec
execute0_lowered:
.L_overlay_start_1:
0x0: {  	(tag) =	ssettag $0x1  }
0x1: {  	s5 =	rddreg [dreg:$0x0]  }
0x2: {  	s6 =	rddreg [dreg:$0x1]  }
0x3: {  	s7 =	rddreg [dreg:$0x2]  }
0x4: {  	s2 =	rddreg [dreg:$0x3]  }
0x5: {  	s0 =	rddreg [dreg:$0x4];
	s1 =	stileid.u32  }
0x6: {  	s4 =	srdreg.scid;
	s3 =	simm.s32 $0x0;
	s13 =	simm.s32 $0x80  }
0x7: {  	s14 =	simm.s32 $0x0;
	s4 =	sand.u32 $0x1, s4;
	s8 =	sshll.u32 s1, $0x1  }
0x8: {  	[smem:$0x7FF] =	sst s3;
	s9 =	smul.u32 $0x280, s1;
	s31 =	sshll.u32 s1, $0x6  }
0x9: {  	s8 =	sor.u32 s4, s8;
	_ =	strace $0x80000047;
	s12 =	smul.u32 $0x2800, s4  }
0xa: {  	s11 =	ssub.s32 $0x2, s4;
	s4 =	sadd.s32 $0x3200, s6;
	s8 =	smul.u32 $0x280, s8  }
0xb: {  	s10 =	sshrl.u32 s9, $0x3;
	s28 =	sshrl.u32 s11, $0x1;
	s30 =	sadd.s32 s9, s2  }
0xc: {  	s6 =	sadd.s32 s10, s6;
	s10 =	ssub.s32 s11, s28;
	s29 =	sadd.s32 s9, s12  }
0xd: {  	s9 =	simm.s32 $0x1;
	s11 =	sshrl.u32 s30, $0x3;
	s12 =	simm.s32 $0x1400  }
0xe: {  	s5 =	sadd.s32 s5, s8;
	s6 =	sadd.s32 $0x3400, s6;
	s8 =	sshrl.u32 s29, $0x3  }
0xf: {  	s7 =	sadd.s32 s7, s8;
	s8 =	smax.u32 s10, $0x1;
	s10 =	sor.u32 $0x1C01, s31  }
.LBB2_1:
0x10: {  	[tilespmem:s3], [sflag:$0x1] =	stream.linear.gather [hbm4b:s5+s3], $0x1400, $0x38;
	[tilespmem:$0x1700] =	vst v63  }
0x11: {  	_ =	swait.ge [sflag:s9], $0x1400  }
0x12: {  	[sflag:s9] =	ssyncset.done $0x0  }
0x13: {  	[sflag:s9] =	ssyncadd.s32 $0xFFFFEC00  }
0x14: {  	[spmem:s11], [sflag:s10] =	dma.local [hbm:s6], $0x50  }
0x15: {  	_ =	swait.ge [sflag:s9], $0x50  }
0x16: {  	[sflag:s9] =	ssyncset.done $0x0  }
0x17: {  	[sflag:s9] =	ssyncadd.s32 $0xFFFFFFB0  }
0x18: {  	[tilespmem:s12], [sflag:$0x1] =	stream.linear.gather [hbm4b:s4+s3], $0x80, $0x38;
	[tilespmem:$0x1700] =	vst v63  }
0x19: {  	_ =	swait.ge [sflag:s9], $0x80  }
0x1a: {  	[sflag:s9] =	ssyncset.done $0x0  }
0x1b: {  	[sflag:s9] =	ssyncadd.s32 $0xFFFFFF80  }
0x1c: {  	s15 =	simm.s32 $0x0;
	[bflag:$0x0] =	sbarrier.arrive $0xFFFF  }
0x1d: {  	[spmem:s2] =	stream.indirect.scatter.add.f32 [tilespmem:s12], [sflag:$0x1], $0x1, s15, s13, $0xb8;
	[tilespmem:$0x1700] =	vst v63  }
0x1e: {  	_ =	swait.ge [sflag:s9], $0x80  }
0x1f: {  	s15 =	simm.s32 $0x200;
	[sflag:s9] =	ssyncset.done $0x0  }
.LBB2_2:
0x20: {  	s16 =	sshra.s32 s15, $0x2;
	[sflag:s9] =	ssyncadd.s32 $0xFFFFFF80;
	p0 =	sne.s32 s15, $0x4E00  }
0x21: {  	[spmem:s2] =	stream.indirect.scatter.add.f32 [tilespmem:s12], [sflag:$0x1], $0x1, s16, s13, $0xb8;
	[tilespmem:$0x1700] =	vst v63  }
.Ltmp0:
0x22: {  	_ = 	snop;
	(pc) =	sbr.rel @p0 .LBB2_2-.Ltmp0, $4  }
0x23: {  	_ = 	snop  }
0x24: {  	s15 =	sadd.s32 $0x200, s15  }
0x25: {  	_ =	swait.ge [sflag:s9], $0x80  }
0x26: {  	[sflag:s9] =	ssyncset.done $0x0  }
0x27: {  	s14 =	sadd.s32 $0x1, s14  }
0x28: {  	[sflag:s9] =	ssyncadd.s32 $0xFFFFFF80;
	p0 =	sne.s32 s14, s8  }
.Ltmp1:
0x29: {  	[bflag:$0x0] =	sbarrier.arrive $0xFFFF;
	(pc) =	sbr.rel @p0 .LBB2_1-.Ltmp1, $4  }
0x2a: {  	[hbm:s7], [sflag:s10] =	dma.local [spmem:s11], $0x50  }
0x2b: {  	_ =	swait.ge [sflag:s9], $0x50  }
0x2c: {  	[sflag:s9] =	ssyncset.done $0x0  }
0x2d: {  	[sflag:s9] =	ssyncadd.s32 $0xFFFFFFB0  }
0x2e: {  	_ =	sfence.sel $0x180000  }
0x2f: {  	[bflag:$0x0] =	sbarrier.arrive $0xFFFF  }
0x30: {  	p0 =	sne.s32 s1, $0x0;
	_ =	strace $0x90000047  }
0x31: {  	s0 =	sadd.s32 @!p0 $0x100000, s0;
	[bflag:$0x2] =	sbarrier.arrive $0xFFFF  }
0x32: {  	[sflag:s0] =	ssyncadd.tile.s32 @!p0 $0x1;
	_ =	shalt  }
.Lfunc_end2:
_tile_overlayer_lowered:
.L_overlay_start_2:
0x33: {  	(tag) =	ssettag $0x2  }
0x34: {  	s0 =	rddreg [dreg:$0x0];
	s2 =	stileid.u32  }
0x35: {  	s1 =	rddreg [dreg:$0x1];
	p0 =	sne.s32 s2, $0x0  }
0x36: {  	s3 =	rddreg [dreg:$0x2];
	[bflag:$0x3] =	sbarrier.arrive $0xFFFF;
	s2 =	simm.s32 @!p0 $0x1C01  }
0x37: {  	[timem:s3], [sflag:s2] =	dma.local @!p0 [hbm:s0], s1  }
0x38: {  	s0 =	simm.s32 @!p0 $0x1  }
0x39: {  	_ =	swait.ge @!p0 [sflag:s0], s1  }
0x3a: {  	s1 =	ssub.s32 @!p0 $0x0, s1;
	[sflag:s0] =	ssyncset.done @!p0 $0x0  }
0x3b: {  	[sflag:s0] =	ssyncadd.s32 @!p0 s1  }
0x3c: {  	[bflag:$0x3] =	sbarrier.arrive $0xFFFF  }
0x3d: {  	_ =	shalt  }

// kernel: kernel.14.cloned.1.call-start
scs
__scs_entry_jumppad:
0x0: {  	(pc) =	sbr.rel $0x88, $3  }
0x1: {  	(tag) =	ssettag $0x0;
	lr =	simm.s32 $0x1  }
0x2: {  	[smem:$0x3F9C] =	sst lr;
	_ =	strace $0xD0000000  }
0x3: {  	_ = 	snop  }
0x4: {  	_ = 	snop  }
0x5: {  	_ = 	snop  }
0x6: {  	_ = 	snop  }
0x7: {  	_ = 	snop  }
__scs_overlays_trampoline_lowered:
0x8: {  	[smem:$0x3FAB] =	sst s0  }
0x9: {  	[smem:$0x3FAC] =	sst s1  }
0xa: {  	[smem:$0x3FAD] =	sst s2  }
0xb: {  	[smem:$0x3FAE] =	sst s3  }
0xc: {  	[smem:$0x3FAF] =	sst s4  }
0xd: {  	[smem:$0x3FB0] =	sst s5  }
0xe: {  	[smem:$0x3FB1] =	sst s6  }
0xf: {  	[smem:$0x3FB2] =	sst s7  }
0x10: {  	[smem:$0x3FB3] =	sst s8  }
0x11: {  	[smem:$0x3FB4] =	sst s9;
	s0 =	simm.s32 @!p0 $0x0  }
0x12: {  	s1 =	sld [smem:$0x3F9A];
	s0 =	simm.s32 @p0 $0x1  }
0x13: {  	[smem:$0x3FB5] =	sst s0;
	s0 =	simm.s32 @!p1 $0x0  }
0x14: {  	s2 =	sld [smem:$0x3F99];
	s0 =	simm.s32 @p1 $0x1  }
0x15: {  	[smem:$0x3FB6] =	sst s0;
	s0 =	simm.s32 @!p2 $0x0  }
0x16: {  	s3 =	sld [smem:$0x3FDB];
	s0 =	simm.s32 @p2 $0x1  }
0x17: {  	s4 =	simm.s32 $0x1BF5;
	[smem:$0x3FB8] =	sst s0  }
0x18: {  	s0 =	sld [smem:$0x3F9B];
	_ =	swait.ge [sflag:s4], $0x0  }
0x19: {  	s7 =	sld [smem:$0x3F9C]  }
0x1a: {  	s8 =	sadd.s32 $0xFFFFE003, lr  }
0x1b: {  	s9 =	sadd.s32 $0xFFFFFEF7, lr;
	s5 =	simm.s32 $0xFFFFFFFF;
	p2 =	slt.u32 s8, $0xFFFFF086  }
0x1c: {  	p1 =	slt.u32 s9, $0xF7A;
	s5 =	simm.s32 @!p2 $0x0  }
0x1d: {  	s5 =	simm.s32 @p1 $0x1;
	p0 =	seq.s32 s7, s2  }
0x1e: {  	s7 =	smul.u32 @!p0 $0xF7A, s2;
	p2 =	seq.s32 @!p0 s5, $0x0  }
0x1f: {  	s9 =	smul.u32 $0xF7A, s1;
	s8 =	simm.s32 @!p0 $0x1BF5;
	p2 =	por !p2, p0  }
0x20: {  	[sflag:s8] =	ssyncset.s32 @!p0 $0xFFFFF086;
	s6 =	sadd.s32 @!p0 s3, s7;
	s7 =	simm.s32 @!p0 $0x108  }
0x21: {  	s3 =	sadd.s32 s3, s9;
	s6 =	sadd.s32 @!p0 $0x88, s6;
	s7 =	simm.s32 @p2 $0x1082  }
0x22: {  	[simem:s7], [sflag:s8] =	dma.local @!p0 [hbm:s6], $0xF7A  }
0x23: {  	s9 =	sor.u32 $0xD0000000, s2;
	s6 =	simm.s32 $0x108;
	_ =	swait.ge @!p0 [sflag:s8], $0x0  }
0x24: {  	s3 =	sadd.s32 $0x88, s3;
	s6 =	simm.s32 @!p1 $0x1082;
	[sflag:s4] =	ssyncset.s32 $0xFFFFF086  }
0x25: {  	[simem:s6], [sflag:s4] =	dma.local [hbm:s3], $0xF7A  }
0x26: {  	[smem:$0x3F9C] =	sst s1;
	(tag) =	ssettag s2;
	_ =	strace s9  }
0x27: {  	s1 =	sld [smem:$0x3FAC]  }
0x28: {  	s2 =	sld [smem:$0x3FAD]  }
0x29: {  	s4 =	sld [smem:$0x3FAF]  }
0x2a: {  	p0 =	seq.s32 s5, $0x0;
	s5 =	sld [smem:$0x3FB0]  }
0x2b: {  	s6 =	sld [smem:$0x3FB1]  }
0x2c: {  	s7 =	sld [smem:$0x3FB2]  }
0x2d: {  	s3 =	simm.s32 $0x108;
	s8 =	sld [smem:$0x3FB3]  }
0x2e: {  	s3 =	simm.s32 @!p0 $0x1082;
	s9 =	sld [smem:$0x3FB4]  }
0x2f: {  	lr =	sadd.s32 s0, s3;
	s0 =	sld [smem:$0x3FAB]  }
0x30: {  	s3 =	sld [smem:$0x3FAE]  }
0x31: {  	[smem:$0x3FB7] =	sst s10  }
0x32: {  	s10 =	sld [smem:$0x3FB5];
	_ =	sdelay $0x3  }
0x33: {  	p0 =	seq.s32 s10, $0x1;
	s10 =	sld [smem:$0x3FB7];
	_ =	sdelay $0x3  }
0x34: {  	[smem:$0x3FB7] =	sst s10  }
0x35: {  	s10 =	sld [smem:$0x3FB6];
	_ =	sdelay $0x3  }
0x36: {  	p1 =	seq.s32 s10, $0x1;
	s10 =	sld [smem:$0x3FB7];
	_ =	sdelay $0x3  }
0x37: {  	[smem:$0x3FB7] =	sst s10  }
0x38: {  	s10 =	sld [smem:$0x3FB8]  }
0x39: {  	_ = 	snop;
	(pc) =	sbr.ind lr, $3  }
0x3a: {  	_ = 	snop  }
0x3b: {  	_ = 	snop  }
0x3c: {  	p2 =	seq.s32 s10, $0x1;
	s10 =	sld [smem:$0x3FB7]  }
0x3d: {  	_ =	shalt  }
0x3e: {  	_ =	shalt  }
0x3f: {  	_ =	shalt  }
0x40: {  	_ =	shalt  }
0x41: {  	_ =	shalt  }
0x42: {  	_ =	shalt  }
0x43: {  	_ =	shalt  }
0x44: {  	_ =	shalt  }
0x45: {  	_ =	shalt  }
0x46: {  	_ =	shalt  }
0x47: {  	_ =	shalt  }
0x48: {  	_ =	shalt  }
0x49: {  	_ =	shalt  }
0x4a: {  	_ =	shalt  }
0x4b: {  	_ =	shalt  }
0x4c: {  	_ =	shalt  }
0x4d: {  	_ =	shalt  }
0x4e: {  	_ =	shalt  }
0x4f: {  	_ =	shalt  }
0x50: {  	_ =	shalt  }
0x51: {  	_ =	shalt  }
0x52: {  	_ =	shalt  }
0x53: {  	_ =	shalt  }
0x54: {  	_ =	shalt  }
0x55: {  	_ =	shalt  }
0x56: {  	_ =	shalt  }
0x57: {  	_ =	shalt  }
0x58: {  	_ =	shalt  }
0x59: {  	_ =	shalt  }
0x5a: {  	_ =	shalt  }
0x5b: {  	_ =	shalt  }
0x5c: {  	_ =	shalt  }
0x5d: {  	_ =	shalt  }
0x5e: {  	_ =	shalt  }
0x5f: {  	_ =	shalt  }
0x60: {  	_ =	shalt  }
0x61: {  	_ =	shalt  }
0x62: {  	_ =	shalt  }
0x63: {  	_ =	shalt  }
0x64: {  	_ =	shalt  }
0x65: {  	_ =	shalt  }
0x66: {  	_ =	shalt  }
0x67: {  	_ =	shalt  }
0x68: {  	_ =	shalt  }
0x69: {  	_ =	shalt  }
0x6a: {  	_ =	shalt  }
0x6b: {  	_ =	shalt  }
0x6c: {  	_ =	shalt  }
0x6d: {  	_ =	shalt  }
0x6e: {  	_ =	shalt  }
0x6f: {  	_ =	shalt  }
0x70: {  	_ =	shalt  }
0x71: {  	_ =	shalt  }
0x72: {  	_ =	shalt  }
0x73: {  	_ =	shalt  }
0x74: {  	_ =	shalt  }
0x75: {  	_ =	shalt  }
0x76: {  	_ =	shalt  }
0x77: {  	_ =	shalt  }
0x78: {  	_ =	shalt  }
0x79: {  	_ =	shalt  }
0x7a: {  	_ =	shalt  }
0x7b: {  	_ =	shalt  }
0x7c: {  	_ =	shalt  }
0x7d: {  	_ =	shalt  }
0x7e: {  	_ =	shalt  }
0x7f: {  	_ =	shalt  }
0x80: {  	_ =	shalt  }
0x81: {  	_ =	shalt  }
0x82: {  	_ =	shalt  }
0x83: {  	_ =	shalt  }
0x84: {  	_ =	shalt  }
0x85: {  	_ =	shalt  }
0x86: {  	_ =	shalt  }
0x87: {  	_ =	shalt  }
.Lfunc_end0:
.L_simem_size_0:
called_computation.1_lowered:
.L_overlay_start_0:
0x88: {  	s2 =	sld [smem:$0x3FD9]  }
0x89: {  	s3 =	sld [smem:$0x3FFE];
	_ =	sdelay $0x1  }
0x8a: {  	s1 =	srdreg.scid  }
0x8b: {  	s0 =	sand.u32 $0x1, s1  }
0x8c: {  	s15 =	sshll.u32 s0, $0xA;
	s2 =	sadd.s32 s3, s2  }
0x8d: {  	s2 =	sadd.s32 s2, s15  }
0x8e: {  	[smem:$0x3FC3] =	sst s2  }
0x8f: {  	_ = 	snop  }
0x90: {  	s2 =	sld [smem:$0x3FD0];
	_ =	sdelay $0x2  }
0x91: {  	s5 =	simm.s32 $0xB;
	s16 =	simm.s32 $0x10  }
0x92: {  	[smem:s16], [sflag:s5] =	dma.local [hbm:s2], $0x1  }
0x93: {  	_ =	swait.eq [sflag:s5], $0x1  }
0x94: {  	s17 =	sld [smem:$0x10];
	[sflag:s5] =	ssyncset.done $0x0  }
0x95: {  	s4 =	sld [smem:$0x11];
	[sflag:s5] =	ssyncadd.s32 $0xFFFFFFFF  }
0x96: {  	s18 =	sld [smem:$0x13];
	(tm) =	ssettm $0x1  }
0x97: {  	s19 =	sld [smem:$0x3FFB];
	_ =	sdelay $0x3  }
0x98: {  	_ =	strace s19  }
0x99: {  	s2 =	sld [smem:$0x3FFC];
	_ =	sdelay $0x3  }
0x9a: {  	_ =	strace s2  }
0x9b: {  	s2 =	sld [smem:$0x3FFD];
	_ =	sdelay $0x3  }
0x9c: {  	_ =	strace s2  }
0x9d: {  	_ =	strace $0x8FFFFFFF  }
0x9e: {  	s20 =	sld [smem:$0x3FDB];
	_ =	sdelay $0x1  }
0x9f: {  	s6 =	simm.s32 $_scs_section_size  }
0xa0: {  	s7 =	simm.s32 $_size__tile_overlayer_lowered;
	s8 =	simm.s32 $_tile_overlayer_lowered  }
0xa1: {  	s9 =	simm.s32 $0x1BFF;
	s21 =	sshll.u32 s8, $0x1;
	s6 =	sadd.s32 s6, s20  }
0xa2: {  	s22 =	simm.s32 $0x0;
	s7 =	sshll.u32 s7, $0x1;
	s8 =	sadd.s32 s21, s6  }
0xa3: {  	[timem:s22], [sflag:s9] =	dma.local [hbm:s8], s7  }
0xa4: {  	_ =	swait.ge [sflag:s9], s7  }
0xa5: {  	s7 =	ssub.s32 $0x0, s7;
	[sflag:s9] =	ssyncset.done $0x0  }
0xa6: {  	[sflag:s9] =	ssyncadd.s32 s7;
	_ =	sdelay $0x1  }
0xa7: {  	s23 =	simm.s32 $0x1B8B  }
0xa8: {  	_ =	swait.ge [sflag:s23], $0x1  }
0xa9: {  	[sflag:s23] =	ssyncset.done $0x0  }
0xaa: {  	[sflag:s23] =	ssyncadd.s32 $0xFFFFFFFF  }
0xab: {  	s7 =	sld [smem:$0x0]  }
0xac: {  	s8 =	sand.u32 $0xFFFFFFFE, s1  }
0xad: {  	p0 =	sne.s32 s1, s8  }
0xae: {  	s8 =	sshll.u32 @p0 s8, $0xE  }
0xaf: {  	s8 =	sadd.s32 @p0 $0x11B8D, s8;
	s9 =	sshll.u32 @p0 s7, $0x11  }
0xb0: {  	s8 =	sor.u32 @p0 s9, s8  }
0xb1: {  	[sflag:s8] =	ssyncadd.remote.s32 @p0 $0x1;
	_ =	sdelay $0x1  }
0xb2: {  	s8 =	simm.s32 @p0 $0x1B8D  }
0xb3: {  	_ =	swait.eq @p0 [sflag:s8], $0x1  }
0xb4: {  	[sflag:s8] =	ssyncadd.s32 @p0 $0xFFFFFFFF  }
0xb5: {  	s9 =	sshll.u32 @!p0 s1, $0xE  }
0xb6: {  	s9 =	sor.u32 @!p0 $0x4000, s9;
	s8 =	simm.s32 @!p0 $0x1B8D  }
0xb7: {  	s7 =	sshll.u32 @!p0 s7, $0x11;
	s9 =	sadd.s32 @!p0 $0x11B8D, s9;
	_ =	swait.eq @!p0 [sflag:s8], $0x1  }
0xb8: {  	s7 =	sor.u32 @!p0 s7, s9;
	[sflag:s8] =	ssyncadd.s32 @!p0 $0xFFFFFFFF  }
0xb9: {  	s25 =	simm.s32 $0x1B8E;
	s24 =	sld [smem:$0x3FFE];
	[sflag:s7] =	ssyncadd.remote.s32 @!p0 $0x1  }
0xba: {  	s26 =	simm.s32 $execute0_lowered;
	[smem:$0x3FD2] =	sst s25  }
0xbb: {  	s8 =	sshll.u32 s26, $0x1;
	_ =	strace $0x8000004C;
	[dreg:$0x1] =	wrdreg $0xFFFFFFFF  }
0xbc: {  	s28 =	simm.s32 $_size_execute0_lowered;
	s6 =	sadd.s32 s6, s8;
	[dreg:$0x0] =	wrdreg $0x0  }
0xbd: {  	s8 =	sshll.u32 s28, $0x1;
	[dreg:$0x2] =	wrdreg s6  }
0xbe: {  	[dreg:$0x3] =	wrdreg s8  }
0xbf: {  	[dreg:$0x4] =	wrdreg $0xC0  }
0xc0: {  	_ =	task [dreg:s22], $0x5FFFF  }
0xc1: {  	[dreg:$0x1] =	wrdreg $0xFFFFFFFF  }
0xc2: {  	[dreg:$0x0] =	wrdreg $0x60  }
0xc3: {  	[dreg:$0x2] =	wrdreg s24  }
0xc4: {  	[dreg:$0x3] =	wrdreg s4  }
0xc5: {  	[dreg:$0x4] =	wrdreg s18  }
0xc6: {  	[dreg:$0x5] =	wrdreg s17  }
0xc7: {  	[dreg:$0x6] =	wrdreg $0xA8000  }
0xc8: {  	[dreg:$0x7] =	wrdreg $0x9  }
0xc9: {  	_ =	task.clear_ibuf [dreg:s22], $0x8FFFF;
	_ =	strace $0x9000004C  }
0xca: {  	s29 =	simm.s32 $0x9;
	_ =	strace $0x8000004E  }
0xcb: {  	_ =	swait.ge [sflag:s29], $0x1  }
0xcc: {  	[sflag:s29] =	ssyncadd.s32 $0xFFFFFFFF  }
0xcd: {  	_ =	strace $0x9000004E  }
0xce: {  	_ =	sfence  }
0xcf: {  	s30 =	sld [smem:$0x0];
	_ =	sdelay $0x2  }
0xd0: {  	s31 =	sshll.u32 s1, $0xD;
	s1 =	sshrl.u32 s1, $0x2  }
0xd1: {  	s4 =	sand.u32 $0x4000, s31;
	s1 =	sadd.s32 s1, s30  }
0xd2: {  	s0 =	sor.u32 s4, s0;
	s1 =	sshll.u32 s1, $0x11  }
0xd3: {  	s0 =	sor.u32 s1, s0  }
0xd4: {  	s0 =	sadd.s32 $0x8F2B, s0  }
0xd5: {  	[sflag:s0] =	ssyncadd.remote.s32 $0x1  }
0xd6: {  	_ =	sfence.sel $0xFFFF  }
0xd7: {  	[dreg:$0x0] =	wrdreg $0xFFFFFFFF;
	(pc) =	sbr.abs _section_cstart, $3  }
0xd8: {  	[dreg:$0x1] =	wrdreg $0xFFFFFFFF  }
0xd9: {  	_ =	task.clear_ibuf [dreg:s22], $0x2FFFF;
	_ =	strace $0x9FFFFFFF  }
0xda: {  	(tm) =	ssettm $0x7FFFFFFF  }
0xdb: {  	_ =	shalt  }
tec
execute0_lowered:
.L_overlay_start_1:
0x0: {  	(tag) =	ssettag $0x1  }
0x1: {  	s5 =	rddreg [dreg:$0x0]  }
0x2: {  	s7 =	rddreg [dreg:$0x1]  }
0x3: {  	s8 =	rddreg [dreg:$0x2]  }
0x4: {  	s9 =	rddreg [dreg:$0x3]  }
0x5: {  	s2 =	rddreg [dreg:$0x4]  }
0x6: {  	s0 =	rddreg [dreg:$0x5]  }
0x7: {  	s3 =	simm.s32 $0x0;
	s1 =	stileid.u32;
	s4 =	srdreg.scid  }
0x8: {  	s16 =	simm.s32 $0x6800;
	s17 =	simm.s32 $0x1;
	s18 =	simm.s32 $0x2  }
0x9: {  	s19 =	simm.s32 $0x1380;
	s20 =	simm.s32 $0x2700;
	s6 =	smul.u32 $0x2800, s1  }
0xa: {  	s21 =	simm.s32 $0x2780;
	[smem:$0x7FF] =	sst s3;
	s10 =	smul.u32 $0x50000, s1  }
0xb: {  	s11 =	sand.u32 $0x1, s4;
	s4 =	sadd.s32 $0x3200, s5;
	s13 =	smul.u32 $0x280, s1  }
0xc: {  	s30 =	sshll.u32 s1, $0x6;
	_ =	strace $0x8000004D;
	s12 =	ssub.s32 $0x2, s11  }
0xd: {  	s15 =	smul.u32 $0x2800, s11;
	p0 =	sne.s32 s11, $0x0;
	s14 =	sshrl.u32 s12, $0x1  }
0xe: {  	s10 =	sshrl.u32 s10, $0x2;
	s5 =	sadd.s32 s6, s5;
	s6 =	sor.u32 $0x1C03, s30  }
.Ltmp0:
0xf: {  	s7 =	sadd.s32 s7, s13;
	s8 =	sadd.s32 s8, s13;
	(pc) =	sbr.rel .LBB2_1-.Ltmp0, $4  }
0x10: {  	s12 =	ssub.s32 s12, s14;
	s29 =	sadd.s32 s10, s2;
	s5 =	sadd.s32 $0x51600, s5  }
0x11: {  	s31 =	sadd.s32 s13, s15;
	s13 =	simm.s32 $0x1400;
	s14 =	simm.s32 $0x80  }
0x12: {  	s15 =	simm.s32 $0x2800;
	s10 =	sshll.u32 s31, $0x4;
	s11 =	sshrl.u32 s29, $0x3  }
0x13: {  	s9 =	sadd.s32 s9, s10;
	s10 =	smax.u32 s12, $0x1;
	s12 =	simm.s32 $0x3  }
.LBB2_4:
0x14: {  	s23 =	sadd.s32 $0x80, s22;
	[sflag:s12] =	ssyncadd.s32 $0xFFFFC000  }
0x15: {  	[tilespmem:s16], [sflag:$0x2] =	stream.indirect.gather [hbm4b:s4+s14], $0x80, s23, s14, $0xb8;
	[tilespmem:$0x1E800] =	vst v63  }
0x16: {  	_ =	swait.ge [sflag:s17], $0x4000  }
0x17: {  	[sflag:s17] =	ssyncset.done $0x0  }
0x18: {  	s29 =	sadd.s32 $0x1400, s22;
	[sflag:s17] =	ssyncadd.s32 $0xFFFFC000  }
0x19: {  	[spmem:s2] =	stream.indirect.scatter.add.f32 [tilespmem:s15], [sflag:$0x3], $0x80, s29, s14, $0xb8;
	[tilespmem:$0x1E800] =	vst v63  }
0x1a: {  	_ =	swait.ge [sflag:s12], $0x4000  }
0x1b: {  	[sflag:s12] =	ssyncset.done $0x0  }
0x1c: {  	s30 =	sadd.s32 $0x100, s22;
	[sflag:s12] =	ssyncadd.s32 $0xFFFFC000  }
0x1d: {  	[tilespmem:s15], [sflag:$0x1] =	stream.indirect.gather [hbm4b:s4+s14], $0x80, s30, s14, $0xb8;
	[tilespmem:$0x1E800] =	vst v63  }
0x1e: {  	_ =	swait.ge [sflag:s18], $0x4000  }
0x1f: {  	[sflag:s18] =	ssyncset.done $0x0  }
0x20: {  	s31 =	sadd.s32 $0x1480, s22;
	[sflag:s18] =	ssyncadd.s32 $0xFFFFC000  }
0x21: {  	[spmem:s2] =	stream.indirect.scatter.add.f32 [tilespmem:s16], [sflag:$0x3], $0x80, s31, s14, $0xb8;
	[tilespmem:$0x1E800] =	vst v63  }
0x22: {  	_ =	swait.ge [sflag:s12], $0x4000  }
0x23: {  	[sflag:s12] =	ssyncset.done $0x0  }
0x24: {  	[sflag:s12] =	ssyncadd.s32 $0xFFFFC000  }
0x25: {  	[tilespmem:s16], [sflag:$0x2] =	stream.indirect.gather [hbm4b:s4+s14], $0x80, s19, s14, $0xb8;
	[tilespmem:$0x1E800] =	vst v63  }
0x26: {  	_ =	swait.ge [sflag:s17], $0x4000  }
0x27: {  	[sflag:s17] =	ssyncset.done $0x0  }
0x28: {  	[sflag:s17] =	ssyncadd.s32 $0xFFFFC000  }
0x29: {  	[spmem:s2] =	stream.indirect.scatter.add.f32 [tilespmem:s15], [sflag:$0x3], $0x80, s20, s14, $0xb8;
	[tilespmem:$0x1E800] =	vst v63  }
0x2a: {  	_ =	swait.ge [sflag:s12], $0x4000  }
0x2b: {  	[sflag:s12] =	ssyncset.done $0x0  }
0x2c: {  	[sflag:s12] =	ssyncadd.s32 $0xFFFFC000  }
0x2d: {  	_ =	swait.ge [sflag:s18], $0x4000  }
0x2e: {  	[sflag:s18] =	ssyncset.done $0x0  }
0x2f: {  	[sflag:s18] =	ssyncadd.s32 $0xFFFFC000  }
0x30: {  	[spmem:s2] =	stream.indirect.scatter.add.f32 [tilespmem:s16], [sflag:$0x3], $0x80, s21, s14, $0xb8;
	[tilespmem:$0x1E800] =	vst v63  }
0x31: {  	_ =	swait.ge [sflag:s12], $0x4000  }
0x32: {  	[sflag:s12] =	ssyncset.done $0x0  }
0x33: {  	[sflag:s12] =	ssyncadd.s32 $0xFFFFC000  }
.LBB2_5:
0x34: {  	s3 =	sadd.s32 $0x1, s3  }
0x35: {  	p1 =	sne.s32 s3, s10  }
.Ltmp1:
0x36: {  	[bflag:$0x0] =	sbarrier.arrive $0xFFFF;
	(pc) =	sbr.rel @!p1 .LBB2_6-.Ltmp1, $4  }
0x37: {  	[hbm:s9], [sflag:s6] =	dma.local [spmem:s11], $0x2800  }
0x38: {  	_ =	swait.ge [sflag:s12], $0x2800  }
0x39: {  	[sflag:s12] =	ssyncset.done $0x0  }
0x3a: {  	[sflag:s12] =	ssyncadd.s32 $0xFFFFD800  }
.LBB2_1:
0x3b: {  	[spmem:s11], [sflag:s6] =	dma.local [hbm:s5], $0x2800  }
.Ltmp2:
0x3c: {  	_ =	swait.ge [sflag:s12], $0x2800;
	(pc) =	sbr.rel @p0 .LBB2_5-.Ltmp2, $3  }
0x3d: {  	[sflag:s12] =	ssyncset.done $0x0  }
0x3e: {  	[sflag:s12] =	ssyncadd.s32 $0xFFFFD800  }
0x3f: {  	[bflag:$0x0] =	sbarrier.arrive $0xFFFF;
	_ =	sdelay $0x1  }
0x40: {  	s22 =	simm.s32 $0x0  }
0x41: {  	[tilespmem:s22], [sflag:$0x3] =	stream.linear.gather [hbm4b:s7+s22], $0x1400, $0x38;
	[tilespmem:$0x1E800] =	vst v63  }
0x42: {  	_ =	swait.ge [sflag:s12], $0x1400  }
0x43: {  	[sflag:s12] =	ssyncset.done $0x0  }
0x44: {  	[sflag:s12] =	ssyncadd.s32 $0xFFFFEC00  }
0x45: {  	[tilespmem:s13], [sflag:$0x3] =	stream.linear.gather [hbm4b:s8+s22], $0x1400, $0x38;
	[tilespmem:$0x1E800] =	vst v63  }
0x46: {  	_ =	swait.ge [sflag:s12], $0x1400  }
0x47: {  	[sflag:s12] =	ssyncset.done $0x0  }
0x48: {  	[sflag:s12] =	ssyncadd.s32 $0xFFFFEC00  }
0x49: {  	[tilespmem:s15], [sflag:$0x1] =	stream.indirect.gather [hbm4b:s4+s14], $0x80, s22, s14, $0xb8;
	[tilespmem:$0x1E800] =	vst v63  }
0x4a: {  	s28 =	simm.s32 $0x80  }
0x4b: {  	[tilespmem:s16], [sflag:$0x2] =	stream.indirect.gather [hbm4b:s4+s14], $0x80, s28, s14, $0xb8;
	[tilespmem:$0x1E800] =	vst v63  }
0x4c: {  	_ =	swait.ge [sflag:s17], $0x4000  }
0x4d: {  	[sflag:s17] =	ssyncset.done $0x0  }
0x4e: {  	s29 =	simm.s32 $0x1400;
	[sflag:s17] =	ssyncadd.s32 $0xFFFFC000  }
0x4f: {  	[spmem:s2] =	stream.indirect.scatter.add.f32 [tilespmem:s15], [sflag:$0x3], $0x80, s29, s14, $0xb8;
	[tilespmem:$0x1E800] =	vst v63  }
0x50: {  	_ =	swait.ge [sflag:s12], $0x4000  }
0x51: {  	[sflag:s12] =	ssyncset.done $0x0  }
0x52: {  	s30 =	simm.s32 $0x100;
	[sflag:s12] =	ssyncadd.s32 $0xFFFFC000  }
0x53: {  	[tilespmem:s15], [sflag:$0x1] =	stream.indirect.gather [hbm4b:s4+s14], $0x80, s30, s14, $0xb8;
	[tilespmem:$0x1E800] =	vst v63  }
0x54: {  	_ =	swait.ge [sflag:s18], $0x4000  }
0x55: {  	[sflag:s18] =	ssyncset.done $0x0  }
0x56: {  	s31 =	simm.s32 $0x1480;
	[sflag:s18] =	ssyncadd.s32 $0xFFFFC000  }
0x57: {  	[spmem:s2] =	stream.indirect.scatter.add.f32 [tilespmem:s16], [sflag:$0x3], $0x80, s31, s14, $0xb8;
	[tilespmem:$0x1E800] =	vst v63  }
0x58: {  	_ =	swait.ge [sflag:s12], $0x4000  }
0x59: {  	s23 =	simm.s32 $0x800;
	s22 =	simm.s32 $0x100;
	[sflag:s12] =	ssyncset.done $0x0  }
.LBB2_3:
0x5a: {  	s24 =	sadd.s32 $0x80, s22  }
0x5b: {  	[sflag:s12] =	ssyncadd.s32 $0xFFFFC000;
	s25 =	smov.u32 s23;
	s26 =	sadd.s32 $0x400, s23  }
0x5c: {  	[tilespmem:s16], [sflag:$0x2] =	stream.indirect.gather [hbm4b:s4+s14], $0x80, s24, s14, $0xb8;
	[tilespmem:$0x1E800] =	vst v63  }
0x5d: {  	p1 =	sne.s32 s23, $0x4800;
	_ =	swait.ge [sflag:s17], $0x4000  }
0x5e: {  	[sflag:s17] =	ssyncset.done $0x0  }
0x5f: {  	s23 =	sadd.s32 $0x1400, s22;
	[sflag:s17] =	ssyncadd.s32 $0xFFFFC000  }
0x60: {  	[spmem:s2] =	stream.indirect.scatter.add.f32 [tilespmem:s15], [sflag:$0x3], $0x80, s23, s14, $0xb8;
	[tilespmem:$0x1E800] =	vst v63  }
0x61: {  	_ =	swait.ge [sflag:s12], $0x4000  }
0x62: {  	[sflag:s12] =	ssyncset.done $0x0  }
0x63: {  	s23 =	sadd.s32 $0x100, s22;
	[sflag:s12] =	ssyncadd.s32 $0xFFFFC000  }
0x64: {  	[tilespmem:s15], [sflag:$0x1] =	stream.indirect.gather [hbm4b:s4+s14], $0x80, s23, s14, $0xb8;
	[tilespmem:$0x1E800] =	vst v63  }
0x65: {  	_ =	swait.ge [sflag:s18], $0x4000  }
.Ltmp3:
0x66: {  	[sflag:s18] =	ssyncset.done $0x0;
	(pc) =	sbr.rel @p1 .LBB2_3-.Ltmp3, $4  }
0x67: {  	s22 =	sadd.s32 $0x1480, s22;
	[sflag:s18] =	ssyncadd.s32 $0xFFFFC000  }
0x68: {  	[spmem:s2] =	stream.indirect.scatter.add.f32 [tilespmem:s16], [sflag:$0x3], $0x80, s22, s14, $0xb8;
	[tilespmem:$0x1E800] =	vst v63  }
0x69: {  	_ =	swait.ge [sflag:s12], $0x4000  }
0x6a: {  	s23 =	smov.u32 s26;
	s22 =	sshra.s32 s25, $0x2;
	[sflag:s12] =	ssyncset.done $0x0  }
.Ltmp4:
0x6b: {  	_ = 	snop;
	(pc) =	sbr.rel .LBB2_4-.Ltmp4, $1  }
0x6c: {  	_ =	sdelay $0x3  }
.LBB2_6:
0x6d: {  	_ =	sfence.sel $0x180000  }
0x6e: {  	[bflag:$0x0] =	sbarrier.arrive $0xFFFF  }
0x6f: {  	p0 =	sne.s32 s1, $0x0;
	_ =	strace $0x9000004D  }
0x70: {  	s0 =	sadd.s32 @!p0 $0x100000, s0;
	[bflag:$0x2] =	sbarrier.arrive $0xFFFF  }
0x71: {  	[sflag:s0] =	ssyncadd.tile.s32 @!p0 $0x1;
	_ =	shalt  }
.Lfunc_end2:
_tile_overlayer_lowered:
.L_overlay_start_2:
0x72: {  	(tag) =	ssettag $0x2  }
0x73: {  	s0 =	rddreg [dreg:$0x0];
	s2 =	stileid.u32  }
0x74: {  	s1 =	rddreg [dreg:$0x1];
	p0 =	sne.s32 s2, $0x0  }
0x75: {  	s3 =	rddreg [dreg:$0x2];
	[bflag:$0x3] =	sbarrier.arrive $0xFFFF;
	s2 =	simm.s32 @!p0 $0x1C03  }
0x76: {  	[timem:s3], [sflag:s2] =	dma.local @!p0 [hbm:s0], s1  }
0x77: {  	s0 =	simm.s32 @!p0 $0x3  }
0x78: {  	_ =	swait.ge @!p0 [sflag:s0], s1  }
0x79: {  	s1 =	ssub.s32 @!p0 $0x0, s1;
	[sflag:s0] =	ssyncset.done @!p0 $0x0  }
0x7a: {  	[sflag:s0] =	ssyncadd.s32 @!p0 s1  }
0x7b: {  	[bflag:$0x3] =	sbarrier.arrive $0xFFFF  }
0x7c: {  	_ =	shalt  }

// kernel: kernel.17.cloned.1.call-start
scs
__scs_entry_jumppad:
0x0: {  	(pc) =	sbr.rel $0x88, $3  }
0x1: {  	(tag) =	ssettag $0x0;
	lr =	simm.s32 $0x1  }
0x2: {  	[smem:$0x3F9C] =	sst lr;
	_ =	strace $0xD0000000  }
0x3: {  	_ = 	snop  }
0x4: {  	_ = 	snop  }
0x5: {  	_ = 	snop  }
0x6: {  	_ = 	snop  }
0x7: {  	_ = 	snop  }
__scs_overlays_trampoline_lowered:
0x8: {  	[smem:$0x3FAB] =	sst s0  }
0x9: {  	[smem:$0x3FAC] =	sst s1  }
0xa: {  	[smem:$0x3FAD] =	sst s2  }
0xb: {  	[smem:$0x3FAE] =	sst s3  }
0xc: {  	[smem:$0x3FAF] =	sst s4  }
0xd: {  	[smem:$0x3FB0] =	sst s5  }
0xe: {  	[smem:$0x3FB1] =	sst s6  }
0xf: {  	[smem:$0x3FB2] =	sst s7  }
0x10: {  	[smem:$0x3FB3] =	sst s8  }
0x11: {  	[smem:$0x3FB4] =	sst s9;
	s0 =	simm.s32 @!p0 $0x0  }
0x12: {  	s1 =	sld [smem:$0x3F9A];
	s0 =	simm.s32 @p0 $0x1  }
0x13: {  	[smem:$0x3FB5] =	sst s0;
	s0 =	simm.s32 @!p1 $0x0  }
0x14: {  	s2 =	sld [smem:$0x3F99];
	s0 =	simm.s32 @p1 $0x1  }
0x15: {  	[smem:$0x3FB6] =	sst s0;
	s0 =	simm.s32 @!p2 $0x0  }
0x16: {  	s3 =	sld [smem:$0x3FDB];
	s0 =	simm.s32 @p2 $0x1  }
0x17: {  	s4 =	simm.s32 $0x1BF5;
	[smem:$0x3FB8] =	sst s0  }
0x18: {  	s0 =	sld [smem:$0x3F9B];
	_ =	swait.ge [sflag:s4], $0x0  }
0x19: {  	s7 =	sld [smem:$0x3F9C]  }
0x1a: {  	s8 =	sadd.s32 $0xFFFFE003, lr  }
0x1b: {  	s9 =	sadd.s32 $0xFFFFFEF7, lr;
	s5 =	simm.s32 $0xFFFFFFFF;
	p2 =	slt.u32 s8, $0xFFFFF086  }
0x1c: {  	p1 =	slt.u32 s9, $0xF7A;
	s5 =	simm.s32 @!p2 $0x0  }
0x1d: {  	s5 =	simm.s32 @p1 $0x1;
	p0 =	seq.s32 s7, s2  }
0x1e: {  	s7 =	smul.u32 @!p0 $0xF7A, s2;
	p2 =	seq.s32 @!p0 s5, $0x0  }
0x1f: {  	s9 =	smul.u32 $0xF7A, s1;
	s8 =	simm.s32 @!p0 $0x1BF5;
	p2 =	por !p2, p0  }
0x20: {  	[sflag:s8] =	ssyncset.s32 @!p0 $0xFFFFF086;
	s6 =	sadd.s32 @!p0 s3, s7;
	s7 =	simm.s32 @!p0 $0x108  }
0x21: {  	s3 =	sadd.s32 s3, s9;
	s6 =	sadd.s32 @!p0 $0x88, s6;
	s7 =	simm.s32 @p2 $0x1082  }
0x22: {  	[simem:s7], [sflag:s8] =	dma.local @!p0 [hbm:s6], $0xF7A  }
0x23: {  	s9 =	sor.u32 $0xD0000000, s2;
	s6 =	simm.s32 $0x108;
	_ =	swait.ge @!p0 [sflag:s8], $0x0  }
0x24: {  	s3 =	sadd.s32 $0x88, s3;
	s6 =	simm.s32 @!p1 $0x1082;
	[sflag:s4] =	ssyncset.s32 $0xFFFFF086  }
0x25: {  	[simem:s6], [sflag:s4] =	dma.local [hbm:s3], $0xF7A  }
0x26: {  	[smem:$0x3F9C] =	sst s1;
	(tag) =	ssettag s2;
	_ =	strace s9  }
0x27: {  	s1 =	sld [smem:$0x3FAC]  }
0x28: {  	s2 =	sld [smem:$0x3FAD]  }
0x29: {  	s4 =	sld [smem:$0x3FAF]  }
0x2a: {  	p0 =	seq.s32 s5, $0x0;
	s5 =	sld [smem:$0x3FB0]  }
0x2b: {  	s6 =	sld [smem:$0x3FB1]  }
0x2c: {  	s7 =	sld [smem:$0x3FB2]  }
0x2d: {  	s3 =	simm.s32 $0x108;
	s8 =	sld [smem:$0x3FB3]  }
0x2e: {  	s3 =	simm.s32 @!p0 $0x1082;
	s9 =	sld [smem:$0x3FB4]  }
0x2f: {  	lr =	sadd.s32 s0, s3;
	s0 =	sld [smem:$0x3FAB]  }
0x30: {  	s3 =	sld [smem:$0x3FAE]  }
0x31: {  	[smem:$0x3FB7] =	sst s10  }
0x32: {  	s10 =	sld [smem:$0x3FB5];
	_ =	sdelay $0x3  }
0x33: {  	p0 =	seq.s32 s10, $0x1;
	s10 =	sld [smem:$0x3FB7];
	_ =	sdelay $0x3  }
0x34: {  	[smem:$0x3FB7] =	sst s10  }
0x35: {  	s10 =	sld [smem:$0x3FB6];
	_ =	sdelay $0x3  }
0x36: {  	p1 =	seq.s32 s10, $0x1;
	s10 =	sld [smem:$0x3FB7];
	_ =	sdelay $0x3  }
0x37: {  	[smem:$0x3FB7] =	sst s10  }
0x38: {  	s10 =	sld [smem:$0x3FB8]  }
0x39: {  	_ = 	snop;
	(pc) =	sbr.ind lr, $3  }
0x3a: {  	_ = 	snop  }
0x3b: {  	_ = 	snop  }
0x3c: {  	p2 =	seq.s32 s10, $0x1;
	s10 =	sld [smem:$0x3FB7]  }
0x3d: {  	_ =	shalt  }
0x3e: {  	_ =	shalt  }
0x3f: {  	_ =	shalt  }
0x40: {  	_ =	shalt  }
0x41: {  	_ =	shalt  }
0x42: {  	_ =	shalt  }
0x43: {  	_ =	shalt  }
0x44: {  	_ =	shalt  }
0x45: {  	_ =	shalt  }
0x46: {  	_ =	shalt  }
0x47: {  	_ =	shalt  }
0x48: {  	_ =	shalt  }
0x49: {  	_ =	shalt  }
0x4a: {  	_ =	shalt  }
0x4b: {  	_ =	shalt  }
0x4c: {  	_ =	shalt  }
0x4d: {  	_ =	shalt  }
0x4e: {  	_ =	shalt  }
0x4f: {  	_ =	shalt  }
0x50: {  	_ =	shalt  }
0x51: {  	_ =	shalt  }
0x52: {  	_ =	shalt  }
0x53: {  	_ =	shalt  }
0x54: {  	_ =	shalt  }
0x55: {  	_ =	shalt  }
0x56: {  	_ =	shalt  }
0x57: {  	_ =	shalt  }
0x58: {  	_ =	shalt  }
0x59: {  	_ =	shalt  }
0x5a: {  	_ =	shalt  }
0x5b: {  	_ =	shalt  }
0x5c: {  	_ =	shalt  }
0x5d: {  	_ =	shalt  }
0x5e: {  	_ =	shalt  }
0x5f: {  	_ =	shalt  }
0x60: {  	_ =	shalt  }
0x61: {  	_ =	shalt  }
0x62: {  	_ =	shalt  }
0x63: {  	_ =	shalt  }
0x64: {  	_ =	shalt  }
0x65: {  	_ =	shalt  }
0x66: {  	_ =	shalt  }
0x67: {  	_ =	shalt  }
0x68: {  	_ =	shalt  }
0x69: {  	_ =	shalt  }
0x6a: {  	_ =	shalt  }
0x6b: {  	_ =	shalt  }
0x6c: {  	_ =	shalt  }
0x6d: {  	_ =	shalt  }
0x6e: {  	_ =	shalt  }
0x6f: {  	_ =	shalt  }
0x70: {  	_ =	shalt  }
0x71: {  	_ =	shalt  }
0x72: {  	_ =	shalt  }
0x73: {  	_ =	shalt  }
0x74: {  	_ =	shalt  }
0x75: {  	_ =	shalt  }
0x76: {  	_ =	shalt  }
0x77: {  	_ =	shalt  }
0x78: {  	_ =	shalt  }
0x79: {  	_ =	shalt  }
0x7a: {  	_ =	shalt  }
0x7b: {  	_ =	shalt  }
0x7c: {  	_ =	shalt  }
0x7d: {  	_ =	shalt  }
0x7e: {  	_ =	shalt  }
0x7f: {  	_ =	shalt  }
0x80: {  	_ =	shalt  }
0x81: {  	_ =	shalt  }
0x82: {  	_ =	shalt  }
0x83: {  	_ =	shalt  }
0x84: {  	_ =	shalt  }
0x85: {  	_ =	shalt  }
0x86: {  	_ =	shalt  }
0x87: {  	_ =	shalt  }
.Lfunc_end0:
.L_simem_size_0:
called_computation.2_lowered:
.L_overlay_start_0:
0x88: {  	s2 =	sld [smem:$0x3FD9]  }
0x89: {  	s3 =	sld [smem:$0x3FFE];
	_ =	sdelay $0x1  }
0x8a: {  	s1 =	srdreg.scid  }
0x8b: {  	s0 =	sand.u32 $0x1, s1  }
0x8c: {  	s14 =	sshll.u32 s0, $0xA;
	s2 =	sadd.s32 s3, s2  }
0x8d: {  	s2 =	sadd.s32 s2, s14  }
0x8e: {  	[smem:$0x3FC3] =	sst s2  }
0x8f: {  	_ = 	snop  }
0x90: {  	s2 =	sld [smem:$0x3FD0];
	_ =	sdelay $0x2  }
0x91: {  	s15 =	simm.s32 $0xB;
	s4 =	simm.s32 $0x10  }
0x92: {  	[smem:s4], [sflag:s15] =	dma.local [hbm:s2], $0x1  }
0x93: {  	_ =	swait.eq [sflag:s15], $0x1  }
0x94: {  	[sflag:s15] =	ssyncset.done $0x0  }
0x95: {  	s16 =	sld [smem:$0x11];
	[sflag:s15] =	ssyncadd.s32 $0xFFFFFFFF  }
0x96: {  	s17 =	sld [smem:$0x13];
	(tm) =	ssettm $0x1  }
0x97: {  	s18 =	sld [smem:$0x3FFB];
	_ =	sdelay $0x3  }
0x98: {  	_ =	strace s18  }
0x99: {  	s4 =	sld [smem:$0x3FFC];
	_ =	sdelay $0x3  }
0x9a: {  	_ =	strace s4  }
0x9b: {  	s4 =	sld [smem:$0x3FFD];
	_ =	sdelay $0x3  }
0x9c: {  	_ =	strace s4  }
0x9d: {  	_ =	strace $0x8FFFFFFF  }
0x9e: {  	s19 =	sld [smem:$0x3FDB];
	_ =	sdelay $0x1  }
0x9f: {  	s5 =	simm.s32 $_scs_section_size  }
0xa0: {  	s6 =	simm.s32 $_size__tile_overlayer_lowered;
	s7 =	simm.s32 $_tile_overlayer_lowered  }
0xa1: {  	s22 =	simm.s32 $0x1BFF;
	s21 =	sshll.u32 s7, $0x1;
	s4 =	sadd.s32 s5, s19  }
0xa2: {  	s8 =	simm.s32 $0x0;
	s20 =	sshll.u32 s6, $0x1;
	s6 =	sadd.s32 s21, s4  }
0xa3: {  	[timem:s8], [sflag:s22] =	dma.local [hbm:s6], s20  }
0xa4: {  	_ =	swait.ge [sflag:s22], s20  }
0xa5: {  	s5 =	ssub.s32 $0x0, s20;
	[sflag:s22] =	ssyncset.done $0x0  }
0xa6: {  	[sflag:s22] =	ssyncadd.s32 s5;
	_ =	sdelay $0x1  }
0xa7: {  	s23 =	simm.s32 $0x1B8B  }
0xa8: {  	_ =	swait.ge [sflag:s23], $0x1  }
0xa9: {  	[sflag:s23] =	ssyncset.done $0x0  }
0xaa: {  	s25 =	simm.s32 $0x1B8E;
	s24 =	sld [smem:$0x3FFE];
	[sflag:s23] =	ssyncadd.s32 $0xFFFFFFFF  }
0xab: {  	s26 =	simm.s32 $execute0_lowered;
	[smem:$0x3FD2] =	sst s25  }
0xac: {  	s6 =	sshll.u32 s26, $0x1;
	_ =	strace $0x80000049;
	[dreg:$0x1] =	wrdreg $0xFFFFFFFF  }
0xad: {  	s28 =	simm.s32 $_size_execute0_lowered;
	s4 =	sadd.s32 s4, s6;
	[dreg:$0x0] =	wrdreg $0x0  }
0xae: {  	s6 =	sshll.u32 s28, $0x1;
	[dreg:$0x2] =	wrdreg s4  }
0xaf: {  	[dreg:$0x3] =	wrdreg s6  }
0xb0: {  	[dreg:$0x4] =	wrdreg $0xC0  }
0xb1: {  	_ =	task [dreg:s8], $0x5FFFF  }
0xb2: {  	[dreg:$0x1] =	wrdreg $0xFFFFFFFF  }
0xb3: {  	[dreg:$0x0] =	wrdreg $0x60  }
0xb4: {  	[dreg:$0x2] =	wrdreg s24  }
0xb5: {  	[dreg:$0x3] =	wrdreg s16  }
0xb6: {  	[dreg:$0x4] =	wrdreg s17  }
0xb7: {  	[dreg:$0x5] =	wrdreg $0xA8000  }
0xb8: {  	[dreg:$0x6] =	wrdreg $0xA  }
0xb9: {  	_ =	task.clear_ibuf [dreg:s8], $0x7FFFF;
	_ =	strace $0x90000049  }
0xba: {  	s29 =	simm.s32 $0xA;
	_ =	strace $0x8000004B  }
0xbb: {  	_ =	swait.ge [sflag:s29], $0x1  }
0xbc: {  	[sflag:s29] =	ssyncadd.s32 $0xFFFFFFFF  }
0xbd: {  	_ =	strace $0x9000004B  }
0xbe: {  	_ =	sfence  }
0xbf: {  	s30 =	sld [smem:$0x0];
	_ =	sdelay $0x2  }
0xc0: {  	s31 =	sshll.u32 s1, $0xD;
	s1 =	sshrl.u32 s1, $0x2  }
0xc1: {  	s3 =	sand.u32 $0x4000, s31;
	s1 =	sadd.s32 s1, s30  }
0xc2: {  	s0 =	sor.u32 s3, s0;
	s1 =	sshll.u32 s1, $0x11  }
0xc3: {  	s0 =	sor.u32 s1, s0  }
0xc4: {  	s0 =	sadd.s32 $0x8F2B, s0  }
0xc5: {  	[sflag:s0] =	ssyncadd.remote.s32 $0x1  }
0xc6: {  	_ =	sfence.sel $0xFFFF  }
0xc7: {  	[dreg:$0x0] =	wrdreg $0xFFFFFFFF;
	(pc) =	sbr.abs _section_cstart, $3  }
0xc8: {  	[dreg:$0x1] =	wrdreg $0xFFFFFFFF  }
0xc9: {  	_ =	task.clear_ibuf [dreg:s8], $0x2FFFF;
	_ =	strace $0x9FFFFFFF  }
0xca: {  	(tm) =	ssettm $0x7FFFFFFF  }
0xcb: {  	_ =	shalt  }
tec
execute0_lowered:
.L_overlay_start_1:
0x0: {  	(tag) =	ssettag $0x1  }
0x1: {  	s5 =	rddreg [dreg:$0x0]  }
0x2: {  	s7 =	rddreg [dreg:$0x1]  }
0x3: {  	s8 =	rddreg [dreg:$0x2]  }
0x4: {  	s2 =	rddreg [dreg:$0x3]  }
0x5: {  	s0 =	rddreg [dreg:$0x4];
	s1 =	stileid.u32  }
0x6: {  	s4 =	srdreg.scid;
	s3 =	simm.s32 $0x0;
	s16 =	simm.s32 $0x6800  }
0x7: {  	s17 =	simm.s32 $0x1;
	s18 =	simm.s32 $0x2;
	s6 =	smul.u32 $0x280, s1  }
0x8: {  	s19 =	simm.s32 $0x1380;
	s20 =	simm.s32 $0x2700;
	s10 =	smul.u32 $0x2800, s1  }
0x9: {  	s21 =	simm.s32 $0x2780;
	s11 =	sand.u32 $0x1, s4;
	s25 =	smul.u32 $0x50000, s1  }
0xa: {  	[smem:$0x7FF] =	sst s3;
	s4 =	sadd.s32 $0x3200, s5;
	s13 =	smul.u32 $0x1400, s1  }
0xb: {  	s31 =	sshll.u32 s1, $0x6;
	s9 =	smul.u32 $0x2800, s11;
	_ =	strace $0x8000004A  }
0xc: {  	s12 =	ssub.s32 $0x2, s11;
	p0 =	sne.s32 s11, $0x0;
	s10 =	sadd.s32 s10, s5  }
0xd: {  	s26 =	sshrl.u32 s12, $0x1;
	s28 =	sshrl.u32 s25, $0x2;
	s29 =	sshrl.u32 s13, $0x3  }
0xe: {  	s13 =	simm.s32 $0x1400;
	s6 =	sadd.s32 s6, s9;
	s12 =	ssub.s32 s12, s26  }
.Ltmp0:
0xf: {  	s30 =	sadd.s32 s28, s2;
	s15 =	sadd.s32 $0x2800, s29;
	(pc) =	sbr.rel .LBB2_1-.Ltmp0, $4  }
0x10: {  	s6 =	sshll.u32 s6, $0x4;
	s7 =	sadd.s32 s7, s15;
	s8 =	sadd.s32 s8, s15  }
0x11: {  	s11 =	sshrl.u32 s30, $0x3;
	s15 =	simm.s32 $0x2800;
	s14 =	sadd.s32 s6, s5  }
0x12: {  	s5 =	sadd.s32 $0x51600, s10;
	s6 =	sor.u32 $0x1C03, s31;
	s10 =	smax.u32 s12, $0x1  }
0x13: {  	s12 =	simm.s32 $0x3;
	s9 =	sadd.s32 $0x79600, s14;
	s14 =	simm.s32 $0x80  }
.LBB2_4:
0x14: {  	s23 =	sadd.s32 $0x80, s22;
	[sflag:s12] =	ssyncadd.s32 $0xFFFFC000  }
0x15: {  	[tilespmem:s16], [sflag:$0x2] =	stream.indirect.gather [hbm4b:s4+s14], $0x80, s23, s14, $0xb8;
	[tilespmem:$0x1E800] =	vst v63  }
0x16: {  	_ =	swait.ge [sflag:s17], $0x4000  }
0x17: {  	[sflag:s17] =	ssyncset.done $0x0  }
0x18: {  	s29 =	sadd.s32 $0x1400, s22;
	[sflag:s17] =	ssyncadd.s32 $0xFFFFC000  }
0x19: {  	[spmem:s2] =	stream.indirect.scatter.add.f32 [tilespmem:s15], [sflag:$0x3], $0x80, s29, s14, $0xb8;
	[tilespmem:$0x1E800] =	vst v63  }
0x1a: {  	_ =	swait.ge [sflag:s12], $0x4000  }
0x1b: {  	[sflag:s12] =	ssyncset.done $0x0  }
0x1c: {  	s30 =	sadd.s32 $0x100, s22;
	[sflag:s12] =	ssyncadd.s32 $0xFFFFC000  }
0x1d: {  	[tilespmem:s15], [sflag:$0x1] =	stream.indirect.gather [hbm4b:s4+s14], $0x80, s30, s14, $0xb8;
	[tilespmem:$0x1E800] =	vst v63  }
0x1e: {  	_ =	swait.ge [sflag:s18], $0x4000  }
0x1f: {  	[sflag:s18] =	ssyncset.done $0x0  }
0x20: {  	s31 =	sadd.s32 $0x1480, s22;
	[sflag:s18] =	ssyncadd.s32 $0xFFFFC000  }
0x21: {  	[spmem:s2] =	stream.indirect.scatter.add.f32 [tilespmem:s16], [sflag:$0x3], $0x80, s31, s14, $0xb8;
	[tilespmem:$0x1E800] =	vst v63  }
0x22: {  	_ =	swait.ge [sflag:s12], $0x4000  }
0x23: {  	[sflag:s12] =	ssyncset.done $0x0  }
0x24: {  	[sflag:s12] =	ssyncadd.s32 $0xFFFFC000  }
0x25: {  	[tilespmem:s16], [sflag:$0x2] =	stream.indirect.gather [hbm4b:s4+s14], $0x80, s19, s14, $0xb8;
	[tilespmem:$0x1E800] =	vst v63  }
0x26: {  	_ =	swait.ge [sflag:s17], $0x4000  }
0x27: {  	[sflag:s17] =	ssyncset.done $0x0  }
0x28: {  	[sflag:s17] =	ssyncadd.s32 $0xFFFFC000  }
0x29: {  	[spmem:s2] =	stream.indirect.scatter.add.f32 [tilespmem:s15], [sflag:$0x3], $0x80, s20, s14, $0xb8;
	[tilespmem:$0x1E800] =	vst v63  }
0x2a: {  	_ =	swait.ge [sflag:s12], $0x4000  }
0x2b: {  	[sflag:s12] =	ssyncset.done $0x0  }
0x2c: {  	[sflag:s12] =	ssyncadd.s32 $0xFFFFC000  }
0x2d: {  	_ =	swait.ge [sflag:s18], $0x4000  }
0x2e: {  	[sflag:s18] =	ssyncset.done $0x0  }
0x2f: {  	[sflag:s18] =	ssyncadd.s32 $0xFFFFC000  }
0x30: {  	[spmem:s2] =	stream.indirect.scatter.add.f32 [tilespmem:s16], [sflag:$0x3], $0x80, s21, s14, $0xb8;
	[tilespmem:$0x1E800] =	vst v63  }
0x31: {  	_ =	swait.ge [sflag:s12], $0x4000  }
0x32: {  	[sflag:s12] =	ssyncset.done $0x0  }
0x33: {  	[sflag:s12] =	ssyncadd.s32 $0xFFFFC000  }
.LBB2_5:
0x34: {  	s3 =	sadd.s32 $0x1, s3  }
0x35: {  	p1 =	sne.s32 s3, s10  }
.Ltmp1:
0x36: {  	[bflag:$0x0] =	sbarrier.arrive $0xFFFF;
	(pc) =	sbr.rel @!p1 .LBB2_6-.Ltmp1, $4  }
0x37: {  	[hbm:s9], [sflag:s6] =	dma.local [spmem:s11], $0x2800  }
0x38: {  	_ =	swait.ge [sflag:s12], $0x2800  }
0x39: {  	[sflag:s12] =	ssyncset.done $0x0  }
0x3a: {  	[sflag:s12] =	ssyncadd.s32 $0xFFFFD800  }
.LBB2_1:
0x3b: {  	[spmem:s11], [sflag:s6] =	dma.local [hbm:s5], $0x2800  }
.Ltmp2:
0x3c: {  	_ =	swait.ge [sflag:s12], $0x2800;
	(pc) =	sbr.rel @p0 .LBB2_5-.Ltmp2, $3  }
0x3d: {  	[sflag:s12] =	ssyncset.done $0x0  }
0x3e: {  	[sflag:s12] =	ssyncadd.s32 $0xFFFFD800  }
0x3f: {  	[bflag:$0x0] =	sbarrier.arrive $0xFFFF;
	_ =	sdelay $0x1  }
0x40: {  	s22 =	simm.s32 $0x0  }
0x41: {  	[tilespmem:s22], [sflag:$0x3] =	stream.linear.gather [hbm4b:s7+s22], $0x1400, $0x38;
	[tilespmem:$0x1E800] =	vst v63  }
0x42: {  	_ =	swait.ge [sflag:s12], $0x1400  }
0x43: {  	[sflag:s12] =	ssyncset.done $0x0  }
0x44: {  	[sflag:s12] =	ssyncadd.s32 $0xFFFFEC00  }
0x45: {  	[tilespmem:s13], [sflag:$0x3] =	stream.linear.gather [hbm4b:s8+s22], $0x1400, $0x38;
	[tilespmem:$0x1E800] =	vst v63  }
0x46: {  	_ =	swait.ge [sflag:s12], $0x1400  }
0x47: {  	[sflag:s12] =	ssyncset.done $0x0  }
0x48: {  	[sflag:s12] =	ssyncadd.s32 $0xFFFFEC00  }
0x49: {  	[tilespmem:s15], [sflag:$0x1] =	stream.indirect.gather [hbm4b:s4+s14], $0x80, s22, s14, $0xb8;
	[tilespmem:$0x1E800] =	vst v63  }
0x4a: {  	s28 =	simm.s32 $0x80  }
0x4b: {  	[tilespmem:s16], [sflag:$0x2] =	stream.indirect.gather [hbm4b:s4+s14], $0x80, s28, s14, $0xb8;
	[tilespmem:$0x1E800] =	vst v63  }
0x4c: {  	_ =	swait.ge [sflag:s17], $0x4000  }
0x4d: {  	[sflag:s17] =	ssyncset.done $0x0  }
0x4e: {  	s29 =	simm.s32 $0x1400;
	[sflag:s17] =	ssyncadd.s32 $0xFFFFC000  }
0x4f: {  	[spmem:s2] =	stream.indirect.scatter.add.f32 [tilespmem:s15], [sflag:$0x3], $0x80, s29, s14, $0xb8;
	[tilespmem:$0x1E800] =	vst v63  }
0x50: {  	_ =	swait.ge [sflag:s12], $0x4000  }
0x51: {  	[sflag:s12] =	ssyncset.done $0x0  }
0x52: {  	s30 =	simm.s32 $0x100;
	[sflag:s12] =	ssyncadd.s32 $0xFFFFC000  }
0x53: {  	[tilespmem:s15], [sflag:$0x1] =	stream.indirect.gather [hbm4b:s4+s14], $0x80, s30, s14, $0xb8;
	[tilespmem:$0x1E800] =	vst v63  }
0x54: {  	_ =	swait.ge [sflag:s18], $0x4000  }
0x55: {  	[sflag:s18] =	ssyncset.done $0x0  }
0x56: {  	s31 =	simm.s32 $0x1480;
	[sflag:s18] =	ssyncadd.s32 $0xFFFFC000  }
0x57: {  	[spmem:s2] =	stream.indirect.scatter.add.f32 [tilespmem:s16], [sflag:$0x3], $0x80, s31, s14, $0xb8;
	[tilespmem:$0x1E800] =	vst v63  }
0x58: {  	_ =	swait.ge [sflag:s12], $0x4000  }
0x59: {  	s23 =	simm.s32 $0x800;
	s22 =	simm.s32 $0x100;
	[sflag:s12] =	ssyncset.done $0x0  }
.LBB2_3:
0x5a: {  	s24 =	sadd.s32 $0x80, s22  }
0x5b: {  	[sflag:s12] =	ssyncadd.s32 $0xFFFFC000;
	s25 =	smov.u32 s23;
	s26 =	sadd.s32 $0x400, s23  }
0x5c: {  	[tilespmem:s16], [sflag:$0x2] =	stream.indirect.gather [hbm4b:s4+s14], $0x80, s24, s14, $0xb8;
	[tilespmem:$0x1E800] =	vst v63  }
0x5d: {  	p1 =	sne.s32 s23, $0x4800;
	_ =	swait.ge [sflag:s17], $0x4000  }
0x5e: {  	[sflag:s17] =	ssyncset.done $0x0  }
0x5f: {  	s23 =	sadd.s32 $0x1400, s22;
	[sflag:s17] =	ssyncadd.s32 $0xFFFFC000  }
0x60: {  	[spmem:s2] =	stream.indirect.scatter.add.f32 [tilespmem:s15], [sflag:$0x3], $0x80, s23, s14, $0xb8;
	[tilespmem:$0x1E800] =	vst v63  }
0x61: {  	_ =	swait.ge [sflag:s12], $0x4000  }
0x62: {  	[sflag:s12] =	ssyncset.done $0x0  }
0x63: {  	s23 =	sadd.s32 $0x100, s22;
	[sflag:s12] =	ssyncadd.s32 $0xFFFFC000  }
0x64: {  	[tilespmem:s15], [sflag:$0x1] =	stream.indirect.gather [hbm4b:s4+s14], $0x80, s23, s14, $0xb8;
	[tilespmem:$0x1E800] =	vst v63  }
0x65: {  	_ =	swait.ge [sflag:s18], $0x4000  }
.Ltmp3:
0x66: {  	[sflag:s18] =	ssyncset.done $0x0;
	(pc) =	sbr.rel @p1 .LBB2_3-.Ltmp3, $4  }
0x67: {  	s22 =	sadd.s32 $0x1480, s22;
	[sflag:s18] =	ssyncadd.s32 $0xFFFFC000  }
0x68: {  	[spmem:s2] =	stream.indirect.scatter.add.f32 [tilespmem:s16], [sflag:$0x3], $0x80, s22, s14, $0xb8;
	[tilespmem:$0x1E800] =	vst v63  }
0x69: {  	_ =	swait.ge [sflag:s12], $0x4000  }
0x6a: {  	s23 =	smov.u32 s26;
	s22 =	sshra.s32 s25, $0x2;
	[sflag:s12] =	ssyncset.done $0x0  }
.Ltmp4:
0x6b: {  	_ = 	snop;
	(pc) =	sbr.rel .LBB2_4-.Ltmp4, $1  }
0x6c: {  	_ =	sdelay $0x3  }
.LBB2_6:
0x6d: {  	_ =	sfence.sel $0x180000  }
0x6e: {  	[bflag:$0x0] =	sbarrier.arrive $0xFFFF  }
0x6f: {  	p0 =	sne.s32 s1, $0x0;
	_ =	strace $0x9000004A  }
0x70: {  	s0 =	sadd.s32 @!p0 $0x100000, s0;
	[bflag:$0x2] =	sbarrier.arrive $0xFFFF  }
0x71: {  	[sflag:s0] =	ssyncadd.tile.s32 @!p0 $0x1;
	_ =	shalt  }
.Lfunc_end2:
_tile_overlayer_lowered:
.L_overlay_start_2:
0x72: {  	(tag) =	ssettag $0x2  }
0x73: {  	s0 =	rddreg [dreg:$0x0];
	s2 =	stileid.u32  }
0x74: {  	s1 =	rddreg [dreg:$0x1];
	p0 =	sne.s32 s2, $0x0  }
0x75: {  	s3 =	rddreg [dreg:$0x2];
	[bflag:$0x3] =	sbarrier.arrive $0xFFFF;
	s2 =	simm.s32 @!p0 $0x1C03  }
0x76: {  	[timem:s3], [sflag:s2] =	dma.local @!p0 [hbm:s0], s1  }
0x77: {  	s0 =	simm.s32 @!p0 $0x3  }
0x78: {  	_ =	swait.ge @!p0 [sflag:s0], s1  }
0x79: {  	s1 =	ssub.s32 @!p0 $0x0, s1;
	[sflag:s0] =	ssyncset.done @!p0 $0x0  }
0x7a: {  	[sflag:s0] =	ssyncadd.s32 @!p0 s1  }
0x7b: {  	[bflag:$0x3] =	sbarrier.arrive $0xFFFF  }
0x7c: {  	_ =	shalt  }

// kernel: kernel.20.cloned.1.call-start
scs
__scs_entry_jumppad:
0x0: {  	(pc) =	sbr.rel $0x88, $3  }
0x1: {  	(tag) =	ssettag $0x0;
	lr =	simm.s32 $0x1  }
0x2: {  	[smem:$0x3F9C] =	sst lr;
	_ =	strace $0xD0000000  }
0x3: {  	_ = 	snop  }
0x4: {  	_ = 	snop  }
0x5: {  	_ = 	snop  }
0x6: {  	_ = 	snop  }
0x7: {  	_ = 	snop  }
__scs_overlays_trampoline_lowered:
0x8: {  	[smem:$0x3FAB] =	sst s0  }
0x9: {  	[smem:$0x3FAC] =	sst s1  }
0xa: {  	[smem:$0x3FAD] =	sst s2  }
0xb: {  	[smem:$0x3FAE] =	sst s3  }
0xc: {  	[smem:$0x3FAF] =	sst s4  }
0xd: {  	[smem:$0x3FB0] =	sst s5  }
0xe: {  	[smem:$0x3FB1] =	sst s6  }
0xf: {  	[smem:$0x3FB2] =	sst s7  }
0x10: {  	[smem:$0x3FB3] =	sst s8  }
0x11: {  	[smem:$0x3FB4] =	sst s9;
	s0 =	simm.s32 @!p0 $0x0  }
0x12: {  	s1 =	sld [smem:$0x3F9A];
	s0 =	simm.s32 @p0 $0x1  }
0x13: {  	[smem:$0x3FB5] =	sst s0;
	s0 =	simm.s32 @!p1 $0x0  }
0x14: {  	s2 =	sld [smem:$0x3F99];
	s0 =	simm.s32 @p1 $0x1  }
0x15: {  	[smem:$0x3FB6] =	sst s0;
	s0 =	simm.s32 @!p2 $0x0  }
0x16: {  	s3 =	sld [smem:$0x3FDB];
	s0 =	simm.s32 @p2 $0x1  }
0x17: {  	s4 =	simm.s32 $0x1BF5;
	[smem:$0x3FB8] =	sst s0  }
0x18: {  	s0 =	sld [smem:$0x3F9B];
	_ =	swait.ge [sflag:s4], $0x0  }
0x19: {  	s7 =	sld [smem:$0x3F9C]  }
0x1a: {  	s8 =	sadd.s32 $0xFFFFE003, lr  }
0x1b: {  	s9 =	sadd.s32 $0xFFFFFEF7, lr;
	s5 =	simm.s32 $0xFFFFFFFF;
	p2 =	slt.u32 s8, $0xFFFFF086  }
0x1c: {  	p1 =	slt.u32 s9, $0xF7A;
	s5 =	simm.s32 @!p2 $0x0  }
0x1d: {  	s5 =	simm.s32 @p1 $0x1;
	p0 =	seq.s32 s7, s2  }
0x1e: {  	s7 =	smul.u32 @!p0 $0xF7A, s2;
	p2 =	seq.s32 @!p0 s5, $0x0  }
0x1f: {  	s9 =	smul.u32 $0xF7A, s1;
	s8 =	simm.s32 @!p0 $0x1BF5;
	p2 =	por !p2, p0  }
0x20: {  	[sflag:s8] =	ssyncset.s32 @!p0 $0xFFFFF086;
	s6 =	sadd.s32 @!p0 s3, s7;
	s7 =	simm.s32 @!p0 $0x108  }
0x21: {  	s3 =	sadd.s32 s3, s9;
	s6 =	sadd.s32 @!p0 $0x88, s6;
	s7 =	simm.s32 @p2 $0x1082  }
0x22: {  	[simem:s7], [sflag:s8] =	dma.local @!p0 [hbm:s6], $0xF7A  }
0x23: {  	s9 =	sor.u32 $0xD0000000, s2;
	s6 =	simm.s32 $0x108;
	_ =	swait.ge @!p0 [sflag:s8], $0x0  }
0x24: {  	s3 =	sadd.s32 $0x88, s3;
	s6 =	simm.s32 @!p1 $0x1082;
	[sflag:s4] =	ssyncset.s32 $0xFFFFF086  }
0x25: {  	[simem:s6], [sflag:s4] =	dma.local [hbm:s3], $0xF7A  }
0x26: {  	[smem:$0x3F9C] =	sst s1;
	(tag) =	ssettag s2;
	_ =	strace s9  }
0x27: {  	s1 =	sld [smem:$0x3FAC]  }
0x28: {  	s2 =	sld [smem:$0x3FAD]  }
0x29: {  	s4 =	sld [smem:$0x3FAF]  }
0x2a: {  	p0 =	seq.s32 s5, $0x0;
	s5 =	sld [smem:$0x3FB0]  }
0x2b: {  	s6 =	sld [smem:$0x3FB1]  }
0x2c: {  	s7 =	sld [smem:$0x3FB2]  }
0x2d: {  	s3 =	simm.s32 $0x108;
	s8 =	sld [smem:$0x3FB3]  }
0x2e: {  	s3 =	simm.s32 @!p0 $0x1082;
	s9 =	sld [smem:$0x3FB4]  }
0x2f: {  	lr =	sadd.s32 s0, s3;
	s0 =	sld [smem:$0x3FAB]  }
0x30: {  	s3 =	sld [smem:$0x3FAE]  }
0x31: {  	[smem:$0x3FB7] =	sst s10  }
0x32: {  	s10 =	sld [smem:$0x3FB5];
	_ =	sdelay $0x3  }
0x33: {  	p0 =	seq.s32 s10, $0x1;
	s10 =	sld [smem:$0x3FB7];
	_ =	sdelay $0x3  }
0x34: {  	[smem:$0x3FB7] =	sst s10  }
0x35: {  	s10 =	sld [smem:$0x3FB6];
	_ =	sdelay $0x3  }
0x36: {  	p1 =	seq.s32 s10, $0x1;
	s10 =	sld [smem:$0x3FB7];
	_ =	sdelay $0x3  }
0x37: {  	[smem:$0x3FB7] =	sst s10  }
0x38: {  	s10 =	sld [smem:$0x3FB8]  }
0x39: {  	_ = 	snop;
	(pc) =	sbr.ind lr, $3  }
0x3a: {  	_ = 	snop  }
0x3b: {  	_ = 	snop  }
0x3c: {  	p2 =	seq.s32 s10, $0x1;
	s10 =	sld [smem:$0x3FB7]  }
0x3d: {  	_ =	shalt  }
0x3e: {  	_ =	shalt  }
0x3f: {  	_ =	shalt  }
0x40: {  	_ =	shalt  }
0x41: {  	_ =	shalt  }
0x42: {  	_ =	shalt  }
0x43: {  	_ =	shalt  }
0x44: {  	_ =	shalt  }
0x45: {  	_ =	shalt  }
0x46: {  	_ =	shalt  }
0x47: {  	_ =	shalt  }
0x48: {  	_ =	shalt  }
0x49: {  	_ =	shalt  }
0x4a: {  	_ =	shalt  }
0x4b: {  	_ =	shalt  }
0x4c: {  	_ =	shalt  }
0x4d: {  	_ =	shalt  }
0x4e: {  	_ =	shalt  }
0x4f: {  	_ =	shalt  }
0x50: {  	_ =	shalt  }
0x51: {  	_ =	shalt  }
0x52: {  	_ =	shalt  }
0x53: {  	_ =	shalt  }
0x54: {  	_ =	shalt  }
0x55: {  	_ =	shalt  }
0x56: {  	_ =	shalt  }
0x57: {  	_ =	shalt  }
0x58: {  	_ =	shalt  }
0x59: {  	_ =	shalt  }
0x5a: {  	_ =	shalt  }
0x5b: {  	_ =	shalt  }
0x5c: {  	_ =	shalt  }
0x5d: {  	_ =	shalt  }
0x5e: {  	_ =	shalt  }
0x5f: {  	_ =	shalt  }
0x60: {  	_ =	shalt  }
0x61: {  	_ =	shalt  }
0x62: {  	_ =	shalt  }
0x63: {  	_ =	shalt  }
0x64: {  	_ =	shalt  }
0x65: {  	_ =	shalt  }
0x66: {  	_ =	shalt  }
0x67: {  	_ =	shalt  }
0x68: {  	_ =	shalt  }
0x69: {  	_ =	shalt  }
0x6a: {  	_ =	shalt  }
0x6b: {  	_ =	shalt  }
0x6c: {  	_ =	shalt  }
0x6d: {  	_ =	shalt  }
0x6e: {  	_ =	shalt  }
0x6f: {  	_ =	shalt  }
0x70: {  	_ =	shalt  }
0x71: {  	_ =	shalt  }
0x72: {  	_ =	shalt  }
0x73: {  	_ =	shalt  }
0x74: {  	_ =	shalt  }
0x75: {  	_ =	shalt  }
0x76: {  	_ =	shalt  }
0x77: {  	_ =	shalt  }
0x78: {  	_ =	shalt  }
0x79: {  	_ =	shalt  }
0x7a: {  	_ =	shalt  }
0x7b: {  	_ =	shalt  }
0x7c: {  	_ =	shalt  }
0x7d: {  	_ =	shalt  }
0x7e: {  	_ =	shalt  }
0x7f: {  	_ =	shalt  }
0x80: {  	_ =	shalt  }
0x81: {  	_ =	shalt  }
0x82: {  	_ =	shalt  }
0x83: {  	_ =	shalt  }
0x84: {  	_ =	shalt  }
0x85: {  	_ =	shalt  }
0x86: {  	_ =	shalt  }
0x87: {  	_ =	shalt  }
.Lfunc_end0:
.L_simem_size_0:
called_computation.3_lowered:
.L_overlay_start_0:
0x88: {  	s2 =	sld [smem:$0x3FD9]  }
0x89: {  	s3 =	sld [smem:$0x3FFE];
	_ =	sdelay $0x1  }
0x8a: {  	s1 =	srdreg.scid  }
0x8b: {  	s0 =	sand.u32 $0x1, s1  }
0x8c: {  	s15 =	sshll.u32 s0, $0xA;
	s2 =	sadd.s32 s3, s2  }
0x8d: {  	s2 =	sadd.s32 s2, s15  }
0x8e: {  	[smem:$0x3FC3] =	sst s2  }
0x8f: {  	_ = 	snop  }
0x90: {  	s2 =	sld [smem:$0x3FD0];
	_ =	sdelay $0x2  }
0x91: {  	s5 =	simm.s32 $0xB;
	s16 =	simm.s32 $0x10  }
0x92: {  	[smem:s16], [sflag:s5] =	dma.local [hbm:s2], $0x1  }
0x93: {  	_ =	swait.eq [sflag:s5], $0x1  }
0x94: {  	s17 =	sld [smem:$0x10];
	[sflag:s5] =	ssyncset.done $0x0  }
0x95: {  	s4 =	sld [smem:$0x11];
	[sflag:s5] =	ssyncadd.s32 $0xFFFFFFFF  }
0x96: {  	s18 =	sld [smem:$0x13];
	(tm) =	ssettm $0x1  }
0x97: {  	s19 =	sld [smem:$0x3FFB];
	_ =	sdelay $0x3  }
0x98: {  	_ =	strace s19  }
0x99: {  	s2 =	sld [smem:$0x3FFC];
	_ =	sdelay $0x3  }
0x9a: {  	_ =	strace s2  }
0x9b: {  	s2 =	sld [smem:$0x3FFD];
	_ =	sdelay $0x3  }
0x9c: {  	_ =	strace s2  }
0x9d: {  	_ =	strace $0x8FFFFFFF  }
0x9e: {  	s20 =	sld [smem:$0x3FDB];
	_ =	sdelay $0x1  }
0x9f: {  	s6 =	simm.s32 $_scs_section_size  }
0xa0: {  	s7 =	simm.s32 $_size__tile_overlayer_lowered;
	s8 =	simm.s32 $_tile_overlayer_lowered  }
0xa1: {  	s9 =	simm.s32 $0x1BFF;
	s21 =	sshll.u32 s8, $0x1;
	s6 =	sadd.s32 s6, s20  }
0xa2: {  	s22 =	simm.s32 $0x0;
	s7 =	sshll.u32 s7, $0x1;
	s8 =	sadd.s32 s21, s6  }
0xa3: {  	[timem:s22], [sflag:s9] =	dma.local [hbm:s8], s7  }
0xa4: {  	_ =	swait.ge [sflag:s9], s7  }
0xa5: {  	s7 =	ssub.s32 $0x0, s7;
	[sflag:s9] =	ssyncset.done $0x0  }
0xa6: {  	[sflag:s9] =	ssyncadd.s32 s7;
	_ =	sdelay $0x1  }
0xa7: {  	s23 =	simm.s32 $0x1B8B  }
0xa8: {  	_ =	swait.ge [sflag:s23], $0x1  }
0xa9: {  	[sflag:s23] =	ssyncset.done $0x0  }
0xaa: {  	[sflag:s23] =	ssyncadd.s32 $0xFFFFFFFF  }
0xab: {  	s7 =	sld [smem:$0x0]  }
0xac: {  	s8 =	sand.u32 $0xFFFFFFFE, s1  }
0xad: {  	p0 =	sne.s32 s1, s8  }
0xae: {  	s8 =	sshll.u32 @p0 s8, $0xE  }
0xaf: {  	s8 =	sadd.s32 @p0 $0x11B8D, s8;
	s9 =	sshll.u32 @p0 s7, $0x11  }
0xb0: {  	s8 =	sor.u32 @p0 s9, s8  }
0xb1: {  	[sflag:s8] =	ssyncadd.remote.s32 @p0 $0x1;
	_ =	sdelay $0x1  }
0xb2: {  	s8 =	simm.s32 @p0 $0x1B8D  }
0xb3: {  	_ =	swait.eq @p0 [sflag:s8], $0x1  }
0xb4: {  	[sflag:s8] =	ssyncadd.s32 @p0 $0xFFFFFFFF  }
0xb5: {  	s9 =	sshll.u32 @!p0 s1, $0xE  }
0xb6: {  	s9 =	sor.u32 @!p0 $0x4000, s9;
	s8 =	simm.s32 @!p0 $0x1B8D  }
0xb7: {  	s7 =	sshll.u32 @!p0 s7, $0x11;
	s9 =	sadd.s32 @!p0 $0x11B8D, s9;
	_ =	swait.eq @!p0 [sflag:s8], $0x1  }
0xb8: {  	s7 =	sor.u32 @!p0 s7, s9;
	[sflag:s8] =	ssyncadd.s32 @!p0 $0xFFFFFFFF  }
0xb9: {  	s25 =	simm.s32 $0x1B8E;
	s24 =	sld [smem:$0x3FFE];
	[sflag:s7] =	ssyncadd.remote.s32 @!p0 $0x1  }
0xba: {  	s26 =	simm.s32 $execute0_lowered;
	[smem:$0x3FD2] =	sst s25  }
0xbb: {  	s8 =	sshll.u32 s26, $0x1;
	_ =	strace $0x80000052;
	[dreg:$0x1] =	wrdreg $0xFFFFFFFF  }
0xbc: {  	s28 =	simm.s32 $_size_execute0_lowered;
	s6 =	sadd.s32 s6, s8;
	[dreg:$0x0] =	wrdreg $0x0  }
0xbd: {  	s8 =	sshll.u32 s28, $0x1;
	[dreg:$0x2] =	wrdreg s6  }
0xbe: {  	[dreg:$0x3] =	wrdreg s8  }
0xbf: {  	[dreg:$0x4] =	wrdreg $0xC0  }
0xc0: {  	_ =	task [dreg:s22], $0x5FFFF  }
0xc1: {  	[dreg:$0x1] =	wrdreg $0xFFFFFFFF  }
0xc2: {  	[dreg:$0x0] =	wrdreg $0x60  }
0xc3: {  	[dreg:$0x2] =	wrdreg s24  }
0xc4: {  	[dreg:$0x3] =	wrdreg s4  }
0xc5: {  	[dreg:$0x4] =	wrdreg s18  }
0xc6: {  	[dreg:$0x5] =	wrdreg s17  }
0xc7: {  	[dreg:$0x6] =	wrdreg $0xA8000  }
0xc8: {  	[dreg:$0x7] =	wrdreg $0x9  }
0xc9: {  	_ =	task.clear_ibuf [dreg:s22], $0x8FFFF;
	_ =	strace $0x90000052  }
0xca: {  	s29 =	simm.s32 $0x9;
	_ =	strace $0x80000054  }
0xcb: {  	_ =	swait.ge [sflag:s29], $0x1  }
0xcc: {  	[sflag:s29] =	ssyncadd.s32 $0xFFFFFFFF  }
0xcd: {  	_ =	strace $0x90000054  }
0xce: {  	_ =	sfence  }
0xcf: {  	s30 =	sld [smem:$0x0];
	_ =	sdelay $0x2  }
0xd0: {  	s31 =	sshll.u32 s1, $0xD;
	s1 =	sshrl.u32 s1, $0x2  }
0xd1: {  	s4 =	sand.u32 $0x4000, s31;
	s1 =	sadd.s32 s1, s30  }
0xd2: {  	s0 =	sor.u32 s4, s0;
	s1 =	sshll.u32 s1, $0x11  }
0xd3: {  	s0 =	sor.u32 s1, s0  }
0xd4: {  	s0 =	sadd.s32 $0x8F2B, s0  }
0xd5: {  	[sflag:s0] =	ssyncadd.remote.s32 $0x1  }
0xd6: {  	_ =	sfence.sel $0xFFFF  }
0xd7: {  	[dreg:$0x0] =	wrdreg $0xFFFFFFFF;
	(pc) =	sbr.abs _section_cstart, $3  }
0xd8: {  	[dreg:$0x1] =	wrdreg $0xFFFFFFFF  }
0xd9: {  	_ =	task.clear_ibuf [dreg:s22], $0x2FFFF;
	_ =	strace $0x9FFFFFFF  }
0xda: {  	(tm) =	ssettm $0x7FFFFFFF  }
0xdb: {  	_ =	shalt  }
tec
execute0_lowered:
.L_overlay_start_1:
0x0: {  	(tag) =	ssettag $0x1  }
0x1: {  	s5 =	rddreg [dreg:$0x0]  }
0x2: {  	s7 =	rddreg [dreg:$0x1]  }
0x3: {  	s8 =	rddreg [dreg:$0x2]  }
0x4: {  	s9 =	rddreg [dreg:$0x3]  }
0x5: {  	s2 =	rddreg [dreg:$0x4]  }
0x6: {  	s0 =	rddreg [dreg:$0x5]  }
0x7: {  	s3 =	simm.s32 $0x0;
	s1 =	stileid.u32;
	s4 =	srdreg.scid  }
0x8: {  	s16 =	simm.s32 $0x6800;
	s17 =	simm.s32 $0x1;
	s18 =	simm.s32 $0x2  }
0x9: {  	s19 =	simm.s32 $0x1380;
	s20 =	simm.s32 $0x2700;
	s6 =	smul.u32 $0x2800, s1  }
0xa: {  	s21 =	simm.s32 $0x2780;
	[smem:$0x7FF] =	sst s3;
	s10 =	smul.u32 $0x50000, s1  }
0xb: {  	s11 =	sand.u32 $0x1, s4;
	s4 =	sadd.s32 $0x3200, s5;
	s13 =	smul.u32 $0x280, s1  }
0xc: {  	s30 =	sshll.u32 s1, $0x6;
	_ =	strace $0x80000053;
	s12 =	ssub.s32 $0x2, s11  }
0xd: {  	s15 =	smul.u32 $0x2800, s11;
	p0 =	sne.s32 s11, $0x0;
	s14 =	sshrl.u32 s12, $0x1  }
0xe: {  	s10 =	sshrl.u32 s10, $0x2;
	s5 =	sadd.s32 s6, s5;
	s6 =	sor.u32 $0x1C03, s30  }
.Ltmp0:
0xf: {  	s7 =	sadd.s32 s7, s13;
	s8 =	sadd.s32 s8, s13;
	(pc) =	sbr.rel .LBB2_1-.Ltmp0, $4  }
0x10: {  	s12 =	ssub.s32 s12, s14;
	s29 =	sadd.s32 s10, s2;
	s5 =	sadd.s32 $0x51600, s5  }
0x11: {  	s31 =	sadd.s32 s13, s15;
	s13 =	simm.s32 $0x1400;
	s14 =	simm.s32 $0x80  }
0x12: {  	s15 =	simm.s32 $0x2800;
	s10 =	sshll.u32 s31, $0x4;
	s11 =	sshrl.u32 s29, $0x3  }
0x13: {  	s9 =	sadd.s32 s9, s10;
	s10 =	smax.u32 s12, $0x1;
	s12 =	simm.s32 $0x3  }
.LBB2_4:
0x14: {  	s23 =	sadd.s32 $0x80, s22;
	[sflag:s12] =	ssyncadd.s32 $0xFFFFC000  }
0x15: {  	[tilespmem:s16], [sflag:$0x2] =	stream.indirect.gather [hbm4b:s4+s14], $0x80, s23, s14, $0xb8;
	[tilespmem:$0x1E800] =	vst v63  }
0x16: {  	_ =	swait.ge [sflag:s17], $0x4000  }
0x17: {  	[sflag:s17] =	ssyncset.done $0x0  }
0x18: {  	s29 =	sadd.s32 $0x1400, s22;
	[sflag:s17] =	ssyncadd.s32 $0xFFFFC000  }
0x19: {  	[spmem:s2] =	stream.indirect.scatter.add.f32 [tilespmem:s15], [sflag:$0x3], $0x80, s29, s14, $0xb8;
	[tilespmem:$0x1E800] =	vst v63  }
0x1a: {  	_ =	swait.ge [sflag:s12], $0x4000  }
0x1b: {  	[sflag:s12] =	ssyncset.done $0x0  }
0x1c: {  	s30 =	sadd.s32 $0x100, s22;
	[sflag:s12] =	ssyncadd.s32 $0xFFFFC000  }
0x1d: {  	[tilespmem:s15], [sflag:$0x1] =	stream.indirect.gather [hbm4b:s4+s14], $0x80, s30, s14, $0xb8;
	[tilespmem:$0x1E800] =	vst v63  }
0x1e: {  	_ =	swait.ge [sflag:s18], $0x4000  }
0x1f: {  	[sflag:s18] =	ssyncset.done $0x0  }
0x20: {  	s31 =	sadd.s32 $0x1480, s22;
	[sflag:s18] =	ssyncadd.s32 $0xFFFFC000  }
0x21: {  	[spmem:s2] =	stream.indirect.scatter.add.f32 [tilespmem:s16], [sflag:$0x3], $0x80, s31, s14, $0xb8;
	[tilespmem:$0x1E800] =	vst v63  }
0x22: {  	_ =	swait.ge [sflag:s12], $0x4000  }
0x23: {  	[sflag:s12] =	ssyncset.done $0x0  }
0x24: {  	[sflag:s12] =	ssyncadd.s32 $0xFFFFC000  }
0x25: {  	[tilespmem:s16], [sflag:$0x2] =	stream.indirect.gather [hbm4b:s4+s14], $0x80, s19, s14, $0xb8;
	[tilespmem:$0x1E800] =	vst v63  }
0x26: {  	_ =	swait.ge [sflag:s17], $0x4000  }
0x27: {  	[sflag:s17] =	ssyncset.done $0x0  }
0x28: {  	[sflag:s17] =	ssyncadd.s32 $0xFFFFC000  }
0x29: {  	[spmem:s2] =	stream.indirect.scatter.add.f32 [tilespmem:s15], [sflag:$0x3], $0x80, s20, s14, $0xb8;
	[tilespmem:$0x1E800] =	vst v63  }
0x2a: {  	_ =	swait.ge [sflag:s12], $0x4000  }
0x2b: {  	[sflag:s12] =	ssyncset.done $0x0  }
0x2c: {  	[sflag:s12] =	ssyncadd.s32 $0xFFFFC000  }
0x2d: {  	_ =	swait.ge [sflag:s18], $0x4000  }
0x2e: {  	[sflag:s18] =	ssyncset.done $0x0  }
0x2f: {  	[sflag:s18] =	ssyncadd.s32 $0xFFFFC000  }
0x30: {  	[spmem:s2] =	stream.indirect.scatter.add.f32 [tilespmem:s16], [sflag:$0x3], $0x80, s21, s14, $0xb8;
	[tilespmem:$0x1E800] =	vst v63  }
0x31: {  	_ =	swait.ge [sflag:s12], $0x4000  }
0x32: {  	[sflag:s12] =	ssyncset.done $0x0  }
0x33: {  	[sflag:s12] =	ssyncadd.s32 $0xFFFFC000  }
.LBB2_5:
0x34: {  	s3 =	sadd.s32 $0x1, s3  }
0x35: {  	p1 =	sne.s32 s3, s10  }
.Ltmp1:
0x36: {  	[bflag:$0x0] =	sbarrier.arrive $0xFFFF;
	(pc) =	sbr.rel @!p1 .LBB2_6-.Ltmp1, $4  }
0x37: {  	[hbm:s9], [sflag:s6] =	dma.local [spmem:s11], $0x2800  }
0x38: {  	_ =	swait.ge [sflag:s12], $0x2800  }
0x39: {  	[sflag:s12] =	ssyncset.done $0x0  }
0x3a: {  	[sflag:s12] =	ssyncadd.s32 $0xFFFFD800  }
.LBB2_1:
0x3b: {  	[spmem:s11], [sflag:s6] =	dma.local [hbm:s5], $0x2800  }
.Ltmp2:
0x3c: {  	_ =	swait.ge [sflag:s12], $0x2800;
	(pc) =	sbr.rel @p0 .LBB2_5-.Ltmp2, $3  }
0x3d: {  	[sflag:s12] =	ssyncset.done $0x0  }
0x3e: {  	[sflag:s12] =	ssyncadd.s32 $0xFFFFD800  }
0x3f: {  	[bflag:$0x0] =	sbarrier.arrive $0xFFFF;
	_ =	sdelay $0x1  }
0x40: {  	s22 =	simm.s32 $0x0  }
0x41: {  	[tilespmem:s22], [sflag:$0x3] =	stream.linear.gather [hbm4b:s7+s22], $0x1400, $0x38;
	[tilespmem:$0x1E800] =	vst v63  }
0x42: {  	_ =	swait.ge [sflag:s12], $0x1400  }
0x43: {  	[sflag:s12] =	ssyncset.done $0x0  }
0x44: {  	[sflag:s12] =	ssyncadd.s32 $0xFFFFEC00  }
0x45: {  	[tilespmem:s13], [sflag:$0x3] =	stream.linear.gather [hbm4b:s8+s22], $0x1400, $0x38;
	[tilespmem:$0x1E800] =	vst v63  }
0x46: {  	_ =	swait.ge [sflag:s12], $0x1400  }
0x47: {  	[sflag:s12] =	ssyncset.done $0x0  }
0x48: {  	[sflag:s12] =	ssyncadd.s32 $0xFFFFEC00  }
0x49: {  	[tilespmem:s15], [sflag:$0x1] =	stream.indirect.gather [hbm4b:s4+s14], $0x80, s22, s14, $0xb8;
	[tilespmem:$0x1E800] =	vst v63  }
0x4a: {  	s28 =	simm.s32 $0x80  }
0x4b: {  	[tilespmem:s16], [sflag:$0x2] =	stream.indirect.gather [hbm4b:s4+s14], $0x80, s28, s14, $0xb8;
	[tilespmem:$0x1E800] =	vst v63  }
0x4c: {  	_ =	swait.ge [sflag:s17], $0x4000  }
0x4d: {  	[sflag:s17] =	ssyncset.done $0x0  }
0x4e: {  	s29 =	simm.s32 $0x1400;
	[sflag:s17] =	ssyncadd.s32 $0xFFFFC000  }
0x4f: {  	[spmem:s2] =	stream.indirect.scatter.add.f32 [tilespmem:s15], [sflag:$0x3], $0x80, s29, s14, $0xb8;
	[tilespmem:$0x1E800] =	vst v63  }
0x50: {  	_ =	swait.ge [sflag:s12], $0x4000  }
0x51: {  	[sflag:s12] =	ssyncset.done $0x0  }
0x52: {  	s30 =	simm.s32 $0x100;
	[sflag:s12] =	ssyncadd.s32 $0xFFFFC000  }
0x53: {  	[tilespmem:s15], [sflag:$0x1] =	stream.indirect.gather [hbm4b:s4+s14], $0x80, s30, s14, $0xb8;
	[tilespmem:$0x1E800] =	vst v63  }
0x54: {  	_ =	swait.ge [sflag:s18], $0x4000  }
0x55: {  	[sflag:s18] =	ssyncset.done $0x0  }
0x56: {  	s31 =	simm.s32 $0x1480;
	[sflag:s18] =	ssyncadd.s32 $0xFFFFC000  }
0x57: {  	[spmem:s2] =	stream.indirect.scatter.add.f32 [tilespmem:s16], [sflag:$0x3], $0x80, s31, s14, $0xb8;
	[tilespmem:$0x1E800] =	vst v63  }
0x58: {  	_ =	swait.ge [sflag:s12], $0x4000  }
0x59: {  	s23 =	simm.s32 $0x800;
	s22 =	simm.s32 $0x100;
	[sflag:s12] =	ssyncset.done $0x0  }
.LBB2_3:
0x5a: {  	s24 =	sadd.s32 $0x80, s22  }
0x5b: {  	[sflag:s12] =	ssyncadd.s32 $0xFFFFC000;
	s25 =	smov.u32 s23;
	s26 =	sadd.s32 $0x400, s23  }
0x5c: {  	[tilespmem:s16], [sflag:$0x2] =	stream.indirect.gather [hbm4b:s4+s14], $0x80, s24, s14, $0xb8;
	[tilespmem:$0x1E800] =	vst v63  }
0x5d: {  	p1 =	sne.s32 s23, $0x4800;
	_ =	swait.ge [sflag:s17], $0x4000  }
0x5e: {  	[sflag:s17] =	ssyncset.done $0x0  }
0x5f: {  	s23 =	sadd.s32 $0x1400, s22;
	[sflag:s17] =	ssyncadd.s32 $0xFFFFC000  }
0x60: {  	[spmem:s2] =	stream.indirect.scatter.add.f32 [tilespmem:s15], [sflag:$0x3], $0x80, s23, s14, $0xb8;
	[tilespmem:$0x1E800] =	vst v63  }
0x61: {  	_ =	swait.ge [sflag:s12], $0x4000  }
0x62: {  	[sflag:s12] =	ssyncset.done $0x0  }
0x63: {  	s23 =	sadd.s32 $0x100, s22;
	[sflag:s12] =	ssyncadd.s32 $0xFFFFC000  }
0x64: {  	[tilespmem:s15], [sflag:$0x1] =	stream.indirect.gather [hbm4b:s4+s14], $0x80, s23, s14, $0xb8;
	[tilespmem:$0x1E800] =	vst v63  }
0x65: {  	_ =	swait.ge [sflag:s18], $0x4000  }
.Ltmp3:
0x66: {  	[sflag:s18] =	ssyncset.done $0x0;
	(pc) =	sbr.rel @p1 .LBB2_3-.Ltmp3, $4  }
0x67: {  	s22 =	sadd.s32 $0x1480, s22;
	[sflag:s18] =	ssyncadd.s32 $0xFFFFC000  }
0x68: {  	[spmem:s2] =	stream.indirect.scatter.add.f32 [tilespmem:s16], [sflag:$0x3], $0x80, s22, s14, $0xb8;
	[tilespmem:$0x1E800] =	vst v63  }
0x69: {  	_ =	swait.ge [sflag:s12], $0x4000  }
0x6a: {  	s23 =	smov.u32 s26;
	s22 =	sshra.s32 s25, $0x2;
	[sflag:s12] =	ssyncset.done $0x0  }
.Ltmp4:
0x6b: {  	_ = 	snop;
	(pc) =	sbr.rel .LBB2_4-.Ltmp4, $1  }
0x6c: {  	_ =	sdelay $0x3  }
.LBB2_6:
0x6d: {  	_ =	sfence.sel $0x180000  }
0x6e: {  	[bflag:$0x0] =	sbarrier.arrive $0xFFFF  }
0x6f: {  	p0 =	sne.s32 s1, $0x0;
	_ =	strace $0x90000053  }
0x70: {  	s0 =	sadd.s32 @!p0 $0x100000, s0;
	[bflag:$0x2] =	sbarrier.arrive $0xFFFF  }
0x71: {  	[sflag:s0] =	ssyncadd.tile.s32 @!p0 $0x1;
	_ =	shalt  }
.Lfunc_end2:
_tile_overlayer_lowered:
.L_overlay_start_2:
0x72: {  	(tag) =	ssettag $0x2  }
0x73: {  	s0 =	rddreg [dreg:$0x0];
	s2 =	stileid.u32  }
0x74: {  	s1 =	rddreg [dreg:$0x1];
	p0 =	sne.s32 s2, $0x0  }
0x75: {  	s3 =	rddreg [dreg:$0x2];
	[bflag:$0x3] =	sbarrier.arrive $0xFFFF;
	s2 =	simm.s32 @!p0 $0x1C03  }
0x76: {  	[timem:s3], [sflag:s2] =	dma.local @!p0 [hbm:s0], s1  }
0x77: {  	s0 =	simm.s32 @!p0 $0x3  }
0x78: {  	_ =	swait.ge @!p0 [sflag:s0], s1  }
0x79: {  	s1 =	ssub.s32 @!p0 $0x0, s1;
	[sflag:s0] =	ssyncset.done @!p0 $0x0  }
0x7a: {  	[sflag:s0] =	ssyncadd.s32 @!p0 s1  }
0x7b: {  	[bflag:$0x3] =	sbarrier.arrive $0xFFFF  }
0x7c: {  	_ =	shalt  }

// kernel: kernel.23.cloned.1.call-start
scs
__scs_entry_jumppad:
0x0: {  	(pc) =	sbr.rel $0x88, $3  }
0x1: {  	(tag) =	ssettag $0x0;
	lr =	simm.s32 $0x1  }
0x2: {  	[smem:$0x3F9C] =	sst lr;
	_ =	strace $0xD0000000  }
0x3: {  	_ = 	snop  }
0x4: {  	_ = 	snop  }
0x5: {  	_ = 	snop  }
0x6: {  	_ = 	snop  }
0x7: {  	_ = 	snop  }
__scs_overlays_trampoline_lowered:
0x8: {  	[smem:$0x3FAB] =	sst s0  }
0x9: {  	[smem:$0x3FAC] =	sst s1  }
0xa: {  	[smem:$0x3FAD] =	sst s2  }
0xb: {  	[smem:$0x3FAE] =	sst s3  }
0xc: {  	[smem:$0x3FAF] =	sst s4  }
0xd: {  	[smem:$0x3FB0] =	sst s5  }
0xe: {  	[smem:$0x3FB1] =	sst s6  }
0xf: {  	[smem:$0x3FB2] =	sst s7  }
0x10: {  	[smem:$0x3FB3] =	sst s8  }
0x11: {  	[smem:$0x3FB4] =	sst s9;
	s0 =	simm.s32 @!p0 $0x0  }
0x12: {  	s1 =	sld [smem:$0x3F9A];
	s0 =	simm.s32 @p0 $0x1  }
0x13: {  	[smem:$0x3FB5] =	sst s0;
	s0 =	simm.s32 @!p1 $0x0  }
0x14: {  	s2 =	sld [smem:$0x3F99];
	s0 =	simm.s32 @p1 $0x1  }
0x15: {  	[smem:$0x3FB6] =	sst s0;
	s0 =	simm.s32 @!p2 $0x0  }
0x16: {  	s3 =	sld [smem:$0x3FDB];
	s0 =	simm.s32 @p2 $0x1  }
0x17: {  	s4 =	simm.s32 $0x1BF5;
	[smem:$0x3FB8] =	sst s0  }
0x18: {  	s0 =	sld [smem:$0x3F9B];
	_ =	swait.ge [sflag:s4], $0x0  }
0x19: {  	s7 =	sld [smem:$0x3F9C]  }
0x1a: {  	s8 =	sadd.s32 $0xFFFFE003, lr  }
0x1b: {  	s9 =	sadd.s32 $0xFFFFFEF7, lr;
	s5 =	simm.s32 $0xFFFFFFFF;
	p2 =	slt.u32 s8, $0xFFFFF086  }
0x1c: {  	p1 =	slt.u32 s9, $0xF7A;
	s5 =	simm.s32 @!p2 $0x0  }
0x1d: {  	s5 =	simm.s32 @p1 $0x1;
	p0 =	seq.s32 s7, s2  }
0x1e: {  	s7 =	smul.u32 @!p0 $0xF7A, s2;
	p2 =	seq.s32 @!p0 s5, $0x0  }
0x1f: {  	s9 =	smul.u32 $0xF7A, s1;
	s8 =	simm.s32 @!p0 $0x1BF5;
	p2 =	por !p2, p0  }
0x20: {  	[sflag:s8] =	ssyncset.s32 @!p0 $0xFFFFF086;
	s6 =	sadd.s32 @!p0 s3, s7;
	s7 =	simm.s32 @!p0 $0x108  }
0x21: {  	s3 =	sadd.s32 s3, s9;
	s6 =	sadd.s32 @!p0 $0x88, s6;
	s7 =	simm.s32 @p2 $0x1082  }
0x22: {  	[simem:s7], [sflag:s8] =	dma.local @!p0 [hbm:s6], $0xF7A  }
0x23: {  	s9 =	sor.u32 $0xD0000000, s2;
	s6 =	simm.s32 $0x108;
	_ =	swait.ge @!p0 [sflag:s8], $0x0  }
0x24: {  	s3 =	sadd.s32 $0x88, s3;
	s6 =	simm.s32 @!p1 $0x1082;
	[sflag:s4] =	ssyncset.s32 $0xFFFFF086  }
0x25: {  	[simem:s6], [sflag:s4] =	dma.local [hbm:s3], $0xF7A  }
0x26: {  	[smem:$0x3F9C] =	sst s1;
	(tag) =	ssettag s2;
	_ =	strace s9  }
0x27: {  	s1 =	sld [smem:$0x3FAC]  }
0x28: {  	s2 =	sld [smem:$0x3FAD]  }
0x29: {  	s4 =	sld [smem:$0x3FAF]  }
0x2a: {  	p0 =	seq.s32 s5, $0x0;
	s5 =	sld [smem:$0x3FB0]  }
0x2b: {  	s6 =	sld [smem:$0x3FB1]  }
0x2c: {  	s7 =	sld [smem:$0x3FB2]  }
0x2d: {  	s3 =	simm.s32 $0x108;
	s8 =	sld [smem:$0x3FB3]  }
0x2e: {  	s3 =	simm.s32 @!p0 $0x1082;
	s9 =	sld [smem:$0x3FB4]  }
0x2f: {  	lr =	sadd.s32 s0, s3;
	s0 =	sld [smem:$0x3FAB]  }
0x30: {  	s3 =	sld [smem:$0x3FAE]  }
0x31: {  	[smem:$0x3FB7] =	sst s10  }
0x32: {  	s10 =	sld [smem:$0x3FB5];
	_ =	sdelay $0x3  }
0x33: {  	p0 =	seq.s32 s10, $0x1;
	s10 =	sld [smem:$0x3FB7];
	_ =	sdelay $0x3  }
0x34: {  	[smem:$0x3FB7] =	sst s10  }
0x35: {  	s10 =	sld [smem:$0x3FB6];
	_ =	sdelay $0x3  }
0x36: {  	p1 =	seq.s32 s10, $0x1;
	s10 =	sld [smem:$0x3FB7];
	_ =	sdelay $0x3  }
0x37: {  	[smem:$0x3FB7] =	sst s10  }
0x38: {  	s10 =	sld [smem:$0x3FB8]  }
0x39: {  	_ = 	snop;
	(pc) =	sbr.ind lr, $3  }
0x3a: {  	_ = 	snop  }
0x3b: {  	_ = 	snop  }
0x3c: {  	p2 =	seq.s32 s10, $0x1;
	s10 =	sld [smem:$0x3FB7]  }
0x3d: {  	_ =	shalt  }
0x3e: {  	_ =	shalt  }
0x3f: {  	_ =	shalt  }
0x40: {  	_ =	shalt  }
0x41: {  	_ =	shalt  }
0x42: {  	_ =	shalt  }
0x43: {  	_ =	shalt  }
0x44: {  	_ =	shalt  }
0x45: {  	_ =	shalt  }
0x46: {  	_ =	shalt  }
0x47: {  	_ =	shalt  }
0x48: {  	_ =	shalt  }
0x49: {  	_ =	shalt  }
0x4a: {  	_ =	shalt  }
0x4b: {  	_ =	shalt  }
0x4c: {  	_ =	shalt  }
0x4d: {  	_ =	shalt  }
0x4e: {  	_ =	shalt  }
0x4f: {  	_ =	shalt  }
0x50: {  	_ =	shalt  }
0x51: {  	_ =	shalt  }
0x52: {  	_ =	shalt  }
0x53: {  	_ =	shalt  }
0x54: {  	_ =	shalt  }
0x55: {  	_ =	shalt  }
0x56: {  	_ =	shalt  }
0x57: {  	_ =	shalt  }
0x58: {  	_ =	shalt  }
0x59: {  	_ =	shalt  }
0x5a: {  	_ =	shalt  }
0x5b: {  	_ =	shalt  }
0x5c: {  	_ =	shalt  }
0x5d: {  	_ =	shalt  }
0x5e: {  	_ =	shalt  }
0x5f: {  	_ =	shalt  }
0x60: {  	_ =	shalt  }
0x61: {  	_ =	shalt  }
0x62: {  	_ =	shalt  }
0x63: {  	_ =	shalt  }
0x64: {  	_ =	shalt  }
0x65: {  	_ =	shalt  }
0x66: {  	_ =	shalt  }
0x67: {  	_ =	shalt  }
0x68: {  	_ =	shalt  }
0x69: {  	_ =	shalt  }
0x6a: {  	_ =	shalt  }
0x6b: {  	_ =	shalt  }
0x6c: {  	_ =	shalt  }
0x6d: {  	_ =	shalt  }
0x6e: {  	_ =	shalt  }
0x6f: {  	_ =	shalt  }
0x70: {  	_ =	shalt  }
0x71: {  	_ =	shalt  }
0x72: {  	_ =	shalt  }
0x73: {  	_ =	shalt  }
0x74: {  	_ =	shalt  }
0x75: {  	_ =	shalt  }
0x76: {  	_ =	shalt  }
0x77: {  	_ =	shalt  }
0x78: {  	_ =	shalt  }
0x79: {  	_ =	shalt  }
0x7a: {  	_ =	shalt  }
0x7b: {  	_ =	shalt  }
0x7c: {  	_ =	shalt  }
0x7d: {  	_ =	shalt  }
0x7e: {  	_ =	shalt  }
0x7f: {  	_ =	shalt  }
0x80: {  	_ =	shalt  }
0x81: {  	_ =	shalt  }
0x82: {  	_ =	shalt  }
0x83: {  	_ =	shalt  }
0x84: {  	_ =	shalt  }
0x85: {  	_ =	shalt  }
0x86: {  	_ =	shalt  }
0x87: {  	_ =	shalt  }
.Lfunc_end0:
.L_simem_size_0:
called_computation.4_lowered:
.L_overlay_start_0:
0x88: {  	s2 =	sld [smem:$0x3FD9]  }
0x89: {  	s3 =	sld [smem:$0x3FFE];
	_ =	sdelay $0x1  }
0x8a: {  	s1 =	srdreg.scid  }
0x8b: {  	s0 =	sand.u32 $0x1, s1  }
0x8c: {  	s14 =	sshll.u32 s0, $0xA;
	s2 =	sadd.s32 s3, s2  }
0x8d: {  	s2 =	sadd.s32 s2, s14  }
0x8e: {  	[smem:$0x3FC3] =	sst s2  }
0x8f: {  	_ = 	snop  }
0x90: {  	s2 =	sld [smem:$0x3FD0];
	_ =	sdelay $0x2  }
0x91: {  	s15 =	simm.s32 $0xB;
	s4 =	simm.s32 $0x10  }
0x92: {  	[smem:s4], [sflag:s15] =	dma.local [hbm:s2], $0x1  }
0x93: {  	_ =	swait.eq [sflag:s15], $0x1  }
0x94: {  	[sflag:s15] =	ssyncset.done $0x0  }
0x95: {  	s16 =	sld [smem:$0x11];
	[sflag:s15] =	ssyncadd.s32 $0xFFFFFFFF  }
0x96: {  	s17 =	sld [smem:$0x13];
	(tm) =	ssettm $0x1  }
0x97: {  	s18 =	sld [smem:$0x3FFB];
	_ =	sdelay $0x3  }
0x98: {  	_ =	strace s18  }
0x99: {  	s4 =	sld [smem:$0x3FFC];
	_ =	sdelay $0x3  }
0x9a: {  	_ =	strace s4  }
0x9b: {  	s4 =	sld [smem:$0x3FFD];
	_ =	sdelay $0x3  }
0x9c: {  	_ =	strace s4  }
0x9d: {  	_ =	strace $0x8FFFFFFF  }
0x9e: {  	s19 =	sld [smem:$0x3FDB];
	_ =	sdelay $0x1  }
0x9f: {  	s5 =	simm.s32 $_scs_section_size  }
0xa0: {  	s6 =	simm.s32 $_size__tile_overlayer_lowered;
	s7 =	simm.s32 $_tile_overlayer_lowered  }
0xa1: {  	s22 =	simm.s32 $0x1BFF;
	s21 =	sshll.u32 s7, $0x1;
	s4 =	sadd.s32 s5, s19  }
0xa2: {  	s8 =	simm.s32 $0x0;
	s20 =	sshll.u32 s6, $0x1;
	s6 =	sadd.s32 s21, s4  }
0xa3: {  	[timem:s8], [sflag:s22] =	dma.local [hbm:s6], s20  }
0xa4: {  	_ =	swait.ge [sflag:s22], s20  }
0xa5: {  	s5 =	ssub.s32 $0x0, s20;
	[sflag:s22] =	ssyncset.done $0x0  }
0xa6: {  	[sflag:s22] =	ssyncadd.s32 s5;
	_ =	sdelay $0x1  }
0xa7: {  	s23 =	simm.s32 $0x1B8B  }
0xa8: {  	_ =	swait.ge [sflag:s23], $0x1  }
0xa9: {  	[sflag:s23] =	ssyncset.done $0x0  }
0xaa: {  	s25 =	simm.s32 $0x1B8E;
	s24 =	sld [smem:$0x3FFE];
	[sflag:s23] =	ssyncadd.s32 $0xFFFFFFFF  }
0xab: {  	s26 =	simm.s32 $execute0_lowered;
	[smem:$0x3FD2] =	sst s25  }
0xac: {  	s6 =	sshll.u32 s26, $0x1;
	_ =	strace $0x8000004F;
	[dreg:$0x1] =	wrdreg $0xFFFFFFFF  }
0xad: {  	s28 =	simm.s32 $_size_execute0_lowered;
	s4 =	sadd.s32 s4, s6;
	[dreg:$0x0] =	wrdreg $0x0  }
0xae: {  	s6 =	sshll.u32 s28, $0x1;
	[dreg:$0x2] =	wrdreg s4  }
0xaf: {  	[dreg:$0x3] =	wrdreg s6  }
0xb0: {  	[dreg:$0x4] =	wrdreg $0xC0  }
0xb1: {  	_ =	task [dreg:s8], $0x5FFFF  }
0xb2: {  	[dreg:$0x1] =	wrdreg $0xFFFFFFFF  }
0xb3: {  	[dreg:$0x0] =	wrdreg $0x60  }
0xb4: {  	[dreg:$0x2] =	wrdreg s24  }
0xb5: {  	[dreg:$0x3] =	wrdreg s16  }
0xb6: {  	[dreg:$0x4] =	wrdreg s17  }
0xb7: {  	[dreg:$0x5] =	wrdreg $0xA8000  }
0xb8: {  	[dreg:$0x6] =	wrdreg $0xA  }
0xb9: {  	_ =	task.clear_ibuf [dreg:s8], $0x7FFFF;
	_ =	strace $0x9000004F  }
0xba: {  	s29 =	simm.s32 $0xA;
	_ =	strace $0x80000051  }
0xbb: {  	_ =	swait.ge [sflag:s29], $0x1  }
0xbc: {  	[sflag:s29] =	ssyncadd.s32 $0xFFFFFFFF  }
0xbd: {  	_ =	strace $0x90000051  }
0xbe: {  	_ =	sfence  }
0xbf: {  	s30 =	sld [smem:$0x0];
	_ =	sdelay $0x2  }
0xc0: {  	s31 =	sshll.u32 s1, $0xD;
	s1 =	sshrl.u32 s1, $0x2  }
0xc1: {  	s3 =	sand.u32 $0x4000, s31;
	s1 =	sadd.s32 s1, s30  }
0xc2: {  	s0 =	sor.u32 s3, s0;
	s1 =	sshll.u32 s1, $0x11  }
0xc3: {  	s0 =	sor.u32 s1, s0  }
0xc4: {  	s0 =	sadd.s32 $0x8F2B, s0  }
0xc5: {  	[sflag:s0] =	ssyncadd.remote.s32 $0x1  }
0xc6: {  	_ =	sfence.sel $0xFFFF  }
0xc7: {  	[dreg:$0x0] =	wrdreg $0xFFFFFFFF;
	(pc) =	sbr.abs _section_cstart, $3  }
0xc8: {  	[dreg:$0x1] =	wrdreg $0xFFFFFFFF  }
0xc9: {  	_ =	task.clear_ibuf [dreg:s8], $0x2FFFF;
	_ =	strace $0x9FFFFFFF  }
0xca: {  	(tm) =	ssettm $0x7FFFFFFF  }
0xcb: {  	_ =	shalt  }
tec
execute0_lowered:
.L_overlay_start_1:
0x0: {  	(tag) =	ssettag $0x1  }
0x1: {  	s5 =	rddreg [dreg:$0x0]  }
0x2: {  	s7 =	rddreg [dreg:$0x1]  }
0x3: {  	s8 =	rddreg [dreg:$0x2]  }
0x4: {  	s2 =	rddreg [dreg:$0x3]  }
0x5: {  	s0 =	rddreg [dreg:$0x4];
	s1 =	stileid.u32  }
0x6: {  	s4 =	srdreg.scid;
	s3 =	simm.s32 $0x0;
	s16 =	simm.s32 $0x6800  }
0x7: {  	s17 =	simm.s32 $0x1;
	s18 =	simm.s32 $0x2;
	s6 =	smul.u32 $0x280, s1  }
0x8: {  	s19 =	simm.s32 $0x1380;
	s20 =	simm.s32 $0x2700;
	s10 =	smul.u32 $0x2800, s1  }
0x9: {  	s21 =	simm.s32 $0x2780;
	s11 =	sand.u32 $0x1, s4;
	s25 =	smul.u32 $0x50000, s1  }
0xa: {  	[smem:$0x7FF] =	sst s3;
	s4 =	sadd.s32 $0x3200, s5;
	s13 =	smul.u32 $0x1400, s1  }
0xb: {  	s31 =	sshll.u32 s1, $0x6;
	s9 =	smul.u32 $0x2800, s11;
	_ =	strace $0x80000050  }
0xc: {  	s12 =	ssub.s32 $0x2, s11;
	p0 =	sne.s32 s11, $0x0;
	s10 =	sadd.s32 s10, s5  }
0xd: {  	s26 =	sshrl.u32 s12, $0x1;
	s28 =	sshrl.u32 s25, $0x2;
	s29 =	sshrl.u32 s13, $0x3  }
0xe: {  	s13 =	simm.s32 $0x1400;
	s6 =	sadd.s32 s6, s9;
	s12 =	ssub.s32 s12, s26  }
.Ltmp0:
0xf: {  	s30 =	sadd.s32 s28, s2;
	s15 =	sadd.s32 $0x2800, s29;
	(pc) =	sbr.rel .LBB2_1-.Ltmp0, $4  }
0x10: {  	s6 =	sshll.u32 s6, $0x4;
	s7 =	sadd.s32 s7, s15;
	s8 =	sadd.s32 s8, s15  }
0x11: {  	s11 =	sshrl.u32 s30, $0x3;
	s15 =	simm.s32 $0x2800;
	s14 =	sadd.s32 s6, s5  }
0x12: {  	s5 =	sadd.s32 $0x51600, s10;
	s6 =	sor.u32 $0x1C03, s31;
	s10 =	smax.u32 s12, $0x1  }
0x13: {  	s12 =	simm.s32 $0x3;
	s9 =	sadd.s32 $0x79600, s14;
	s14 =	simm.s32 $0x80  }
.LBB2_4:
0x14: {  	s23 =	sadd.s32 $0x80, s22;
	[sflag:s12] =	ssyncadd.s32 $0xFFFFC000  }
0x15: {  	[tilespmem:s16], [sflag:$0x2] =	stream.indirect.gather [hbm4b:s4+s14], $0x80, s23, s14, $0xb8;
	[tilespmem:$0x1E800] =	vst v63  }
0x16: {  	_ =	swait.ge [sflag:s17], $0x4000  }
0x17: {  	[sflag:s17] =	ssyncset.done $0x0  }
0x18: {  	s29 =	sadd.s32 $0x1400, s22;
	[sflag:s17] =	ssyncadd.s32 $0xFFFFC000  }
0x19: {  	[spmem:s2] =	stream.indirect.scatter.add.f32 [tilespmem:s15], [sflag:$0x3], $0x80, s29, s14, $0xb8;
	[tilespmem:$0x1E800] =	vst v63  }
0x1a: {  	_ =	swait.ge [sflag:s12], $0x4000  }
0x1b: {  	[sflag:s12] =	ssyncset.done $0x0  }
0x1c: {  	s30 =	sadd.s32 $0x100, s22;
	[sflag:s12] =	ssyncadd.s32 $0xFFFFC000  }
0x1d: {  	[tilespmem:s15], [sflag:$0x1] =	stream.indirect.gather [hbm4b:s4+s14], $0x80, s30, s14, $0xb8;
	[tilespmem:$0x1E800] =	vst v63  }
0x1e: {  	_ =	swait.ge [sflag:s18], $0x4000  }
0x1f: {  	[sflag:s18] =	ssyncset.done $0x0  }
0x20: {  	s31 =	sadd.s32 $0x1480, s22;
	[sflag:s18] =	ssyncadd.s32 $0xFFFFC000  }
0x21: {  	[spmem:s2] =	stream.indirect.scatter.add.f32 [tilespmem:s16], [sflag:$0x3], $0x80, s31, s14, $0xb8;
	[tilespmem:$0x1E800] =	vst v63  }
0x22: {  	_ =	swait.ge [sflag:s12], $0x4000  }
0x23: {  	[sflag:s12] =	ssyncset.done $0x0  }
0x24: {  	[sflag:s12] =	ssyncadd.s32 $0xFFFFC000  }
0x25: {  	[tilespmem:s16], [sflag:$0x2] =	stream.indirect.gather [hbm4b:s4+s14], $0x80, s19, s14, $0xb8;
	[tilespmem:$0x1E800] =	vst v63  }
0x26: {  	_ =	swait.ge [sflag:s17], $0x4000  }
0x27: {  	[sflag:s17] =	ssyncset.done $0x0  }
0x28: {  	[sflag:s17] =	ssyncadd.s32 $0xFFFFC000  }
0x29: {  	[spmem:s2] =	stream.indirect.scatter.add.f32 [tilespmem:s15], [sflag:$0x3], $0x80, s20, s14, $0xb8;
	[tilespmem:$0x1E800] =	vst v63  }
0x2a: {  	_ =	swait.ge [sflag:s12], $0x4000  }
0x2b: {  	[sflag:s12] =	ssyncset.done $0x0  }
0x2c: {  	[sflag:s12] =	ssyncadd.s32 $0xFFFFC000  }
0x2d: {  	_ =	swait.ge [sflag:s18], $0x4000  }
0x2e: {  	[sflag:s18] =	ssyncset.done $0x0  }
0x2f: {  	[sflag:s18] =	ssyncadd.s32 $0xFFFFC000  }
0x30: {  	[spmem:s2] =	stream.indirect.scatter.add.f32 [tilespmem:s16], [sflag:$0x3], $0x80, s21, s14, $0xb8;
	[tilespmem:$0x1E800] =	vst v63  }
0x31: {  	_ =	swait.ge [sflag:s12], $0x4000  }
0x32: {  	[sflag:s12] =	ssyncset.done $0x0  }
0x33: {  	[sflag:s12] =	ssyncadd.s32 $0xFFFFC000  }
.LBB2_5:
0x34: {  	s3 =	sadd.s32 $0x1, s3  }
0x35: {  	p1 =	sne.s32 s3, s10  }
.Ltmp1:
0x36: {  	[bflag:$0x0] =	sbarrier.arrive $0xFFFF;
	(pc) =	sbr.rel @!p1 .LBB2_6-.Ltmp1, $4  }
0x37: {  	[hbm:s9], [sflag:s6] =	dma.local [spmem:s11], $0x2800  }
0x38: {  	_ =	swait.ge [sflag:s12], $0x2800  }
0x39: {  	[sflag:s12] =	ssyncset.done $0x0  }
0x3a: {  	[sflag:s12] =	ssyncadd.s32 $0xFFFFD800  }
.LBB2_1:
0x3b: {  	[spmem:s11], [sflag:s6] =	dma.local [hbm:s5], $0x2800  }
.Ltmp2:
0x3c: {  	_ =	swait.ge [sflag:s12], $0x2800;
	(pc) =	sbr.rel @p0 .LBB2_5-.Ltmp2, $3  }
0x3d: {  	[sflag:s12] =	ssyncset.done $0x0  }
0x3e: {  	[sflag:s12] =	ssyncadd.s32 $0xFFFFD800  }
0x3f: {  	[bflag:$0x0] =	sbarrier.arrive $0xFFFF;
	_ =	sdelay $0x1  }
0x40: {  	s22 =	simm.s32 $0x0  }
0x41: {  	[tilespmem:s22], [sflag:$0x3] =	stream.linear.gather [hbm4b:s7+s22], $0x1400, $0x38;
	[tilespmem:$0x1E800] =	vst v63  }
0x42: {  	_ =	swait.ge [sflag:s12], $0x1400  }
0x43: {  	[sflag:s12] =	ssyncset.done $0x0  }
0x44: {  	[sflag:s12] =	ssyncadd.s32 $0xFFFFEC00  }
0x45: {  	[tilespmem:s13], [sflag:$0x3] =	stream.linear.gather [hbm4b:s8+s22], $0x1400, $0x38;
	[tilespmem:$0x1E800] =	vst v63  }
0x46: {  	_ =	swait.ge [sflag:s12], $0x1400  }
0x47: {  	[sflag:s12] =	ssyncset.done $0x0  }
0x48: {  	[sflag:s12] =	ssyncadd.s32 $0xFFFFEC00  }
0x49: {  	[tilespmem:s15], [sflag:$0x1] =	stream.indirect.gather [hbm4b:s4+s14], $0x80, s22, s14, $0xb8;
	[tilespmem:$0x1E800] =	vst v63  }
0x4a: {  	s28 =	simm.s32 $0x80  }
0x4b: {  	[tilespmem:s16], [sflag:$0x2] =	stream.indirect.gather [hbm4b:s4+s14], $0x80, s28, s14, $0xb8;
	[tilespmem:$0x1E800] =	vst v63  }
0x4c: {  	_ =	swait.ge [sflag:s17], $0x4000  }
0x4d: {  	[sflag:s17] =	ssyncset.done $0x0  }
0x4e: {  	s29 =	simm.s32 $0x1400;
	[sflag:s17] =	ssyncadd.s32 $0xFFFFC000  }
0x4f: {  	[spmem:s2] =	stream.indirect.scatter.add.f32 [tilespmem:s15], [sflag:$0x3], $0x80, s29, s14, $0xb8;
	[tilespmem:$0x1E800] =	vst v63  }
0x50: {  	_ =	swait.ge [sflag:s12], $0x4000  }
0x51: {  	[sflag:s12] =	ssyncset.done $0x0  }
0x52: {  	s30 =	simm.s32 $0x100;
	[sflag:s12] =	ssyncadd.s32 $0xFFFFC000  }
0x53: {  	[tilespmem:s15], [sflag:$0x1] =	stream.indirect.gather [hbm4b:s4+s14], $0x80, s30, s14, $0xb8;
	[tilespmem:$0x1E800] =	vst v63  }
0x54: {  	_ =	swait.ge [sflag:s18], $0x4000  }
0x55: {  	[sflag:s18] =	ssyncset.done $0x0  }
0x56: {  	s31 =	simm.s32 $0x1480;
	[sflag:s18] =	ssyncadd.s32 $0xFFFFC000  }
0x57: {  	[spmem:s2] =	stream.indirect.scatter.add.f32 [tilespmem:s16], [sflag:$0x3], $0x80, s31, s14, $0xb8;
	[tilespmem:$0x1E800] =	vst v63  }
0x58: {  	_ =	swait.ge [sflag:s12], $0x4000  }
0x59: {  	s23 =	simm.s32 $0x800;
	s22 =	simm.s32 $0x100;
	[sflag:s12] =	ssyncset.done $0x0  }
.LBB2_3:
0x5a: {  	s24 =	sadd.s32 $0x80, s22  }
0x5b: {  	[sflag:s12] =	ssyncadd.s32 $0xFFFFC000;
	s25 =	smov.u32 s23;
	s26 =	sadd.s32 $0x400, s23  }
0x5c: {  	[tilespmem:s16], [sflag:$0x2] =	stream.indirect.gather [hbm4b:s4+s14], $0x80, s24, s14, $0xb8;
	[tilespmem:$0x1E800] =	vst v63  }
0x5d: {  	p1 =	sne.s32 s23, $0x4800;
	_ =	swait.ge [sflag:s17], $0x4000  }
0x5e: {  	[sflag:s17] =	ssyncset.done $0x0  }
0x5f: {  	s23 =	sadd.s32 $0x1400, s22;
	[sflag:s17] =	ssyncadd.s32 $0xFFFFC000  }
0x60: {  	[spmem:s2] =	stream.indirect.scatter.add.f32 [tilespmem:s15], [sflag:$0x3], $0x80, s23, s14, $0xb8;
	[tilespmem:$0x1E800] =	vst v63  }
0x61: {  	_ =	swait.ge [sflag:s12], $0x4000  }
0x62: {  	[sflag:s12] =	ssyncset.done $0x0  }
0x63: {  	s23 =	sadd.s32 $0x100, s22;
	[sflag:s12] =	ssyncadd.s32 $0xFFFFC000  }
0x64: {  	[tilespmem:s15], [sflag:$0x1] =	stream.indirect.gather [hbm4b:s4+s14], $0x80, s23, s14, $0xb8;
	[tilespmem:$0x1E800] =	vst v63  }
0x65: {  	_ =	swait.ge [sflag:s18], $0x4000  }
.Ltmp3:
0x66: {  	[sflag:s18] =	ssyncset.done $0x0;
	(pc) =	sbr.rel @p1 .LBB2_3-.Ltmp3, $4  }
0x67: {  	s22 =	sadd.s32 $0x1480, s22;
	[sflag:s18] =	ssyncadd.s32 $0xFFFFC000  }
0x68: {  	[spmem:s2] =	stream.indirect.scatter.add.f32 [tilespmem:s16], [sflag:$0x3], $0x80, s22, s14, $0xb8;
	[tilespmem:$0x1E800] =	vst v63  }
0x69: {  	_ =	swait.ge [sflag:s12], $0x4000  }
0x6a: {  	s23 =	smov.u32 s26;
	s22 =	sshra.s32 s25, $0x2;
	[sflag:s12] =	ssyncset.done $0x0  }
.Ltmp4:
0x6b: {  	_ = 	snop;
	(pc) =	sbr.rel .LBB2_4-.Ltmp4, $1  }
0x6c: {  	_ =	sdelay $0x3  }
.LBB2_6:
0x6d: {  	_ =	sfence.sel $0x180000  }
0x6e: {  	[bflag:$0x0] =	sbarrier.arrive $0xFFFF  }
0x6f: {  	p0 =	sne.s32 s1, $0x0;
	_ =	strace $0x90000050  }
0x70: {  	s0 =	sadd.s32 @!p0 $0x100000, s0;
	[bflag:$0x2] =	sbarrier.arrive $0xFFFF  }
0x71: {  	[sflag:s0] =	ssyncadd.tile.s32 @!p0 $0x1;
	_ =	shalt  }
.Lfunc_end2:
_tile_overlayer_lowered:
.L_overlay_start_2:
0x72: {  	(tag) =	ssettag $0x2  }
0x73: {  	s0 =	rddreg [dreg:$0x0];
	s2 =	stileid.u32  }
0x74: {  	s1 =	rddreg [dreg:$0x1];
	p0 =	sne.s32 s2, $0x0  }
0x75: {  	s3 =	rddreg [dreg:$0x2];
	[bflag:$0x3] =	sbarrier.arrive $0xFFFF;
	s2 =	simm.s32 @!p0 $0x1C03  }
0x76: {  	[timem:s3], [sflag:s2] =	dma.local @!p0 [hbm:s0], s1  }
0x77: {  	s0 =	simm.s32 @!p0 $0x3  }
0x78: {  	_ =	swait.ge @!p0 [sflag:s0], s1  }
0x79: {  	s1 =	ssub.s32 @!p0 $0x0, s1;
	[sflag:s0] =	ssyncset.done @!p0 $0x0  }
0x7a: {  	[sflag:s0] =	ssyncadd.s32 @!p0 s1  }
0x7b: {  	[bflag:$0x3] =	sbarrier.arrive $0xFFFF  }
0x7c: {  	_ =	shalt  }

</sc_bundles>
